<compile_context>
chip_gen: v7x
topology: tpu7x:2x2x1
jax: 0.10.2.dev20260603
libtpu: 0.0.44.dev20260713+nightly
codegen_flags: <defaults>
</compile_context>

<pallas_src>
import functools

import jax
import jax.numpy as jnp
from jax import lax
from jax.experimental import pallas as pl
from jax.experimental.pallas import tpu as pltpu
from jax.experimental.pallas import tpu_sc as plsc

PD, DD, SD = 86, 20, 22
PH, DH, SH = PD // 2, DD // 2, SD // 2
PGW = 48
HD = PD + DD + SD
TOK = 16384
NC, NS = 2, 16
NW = NC * NS
TPW = TOK // NW
CH = TPW // 128
NG = TPW // 16


def _sc_gather(pos2d, dep2d, sub2d, cph, sph, cdh, sdh, csh, ssh):
    mesh = plsc.VectorSubcoreMesh(core_axis_name="c", subcore_axis_name="s",
                                  num_cores=NC, num_subcores=NS)
    f32 = jnp.float32
    i32 = jnp.int32

    @functools.partial(
        pl.kernel,
        mesh=mesh,
        compiler_params=pltpu.CompilerParams(use_tc_tiling_on_sc=False,
                                             needs_layout_passes=False),
        out_type=(jax.ShapeDtypeStruct((TOK, HD), f32),
                  jax.ShapeDtypeStruct((TOK, HD), f32)),
        scratch_types=[
            pltpu.VMEM((CH, 128), i32),
            pltpu.VMEM((NG, 16), i32),
            pltpu.VMEM((NG, 16), i32),
            pltpu.VMEM((TPW, PGW), f32),
            pltpu.VMEM((256, DH), f32),
            pltpu.VMEM((256, DH), f32),
            pltpu.VMEM((32, SH), f32),
            pltpu.VMEM((32, SH), f32),
            pltpu.VMEM((TPW, HD), f32),
            pltpu.SemaphoreType.DMA,
        ],
    )
    def k(pos_h, dep_h, sub_h, cph_h, sph_h, cdh_h, sdh_h, csh_h, ssh_h,
          cos_out, sin_out,
          pos_i, dep_i, sub_i, pg, cdv, sdv, csv, ssv, comb, sem):
        wid = lax.axis_index("s") * NC + lax.axis_index("c")
        base = wid * TPW
        pltpu.sync_copy(pos_h.at[pl.ds(wid * CH, CH)], pos_i)
        pltpu.sync_copy(dep_h.at[pl.ds(wid * NG, NG)], dep_i)
        pltpu.sync_copy(sub_h.at[pl.ds(wid * NG, NG)], sub_i)
        tab_cps = [pltpu.async_copy(cdh_h, cdv, sem),
                   pltpu.async_copy(sdh_h, sdv, sem),
                   pltpu.async_copy(csh_h, csv, sem),
                   pltpu.async_copy(ssh_h, ssv, sem)]
        iota = lax.iota(i32, 16)

        def splat(c):
            return jnp.full((16,), c, i32)

        for pidx, (pos_tab, dtab, stab, out) in enumerate(
                ((cph_h, cdv, csv, cos_out), (sph_h, sdv, ssv, sin_out))):
            cps = [pltpu.async_copy(pos_tab.at[pos_i.at[c]],
                                    pg.at[pl.ds(c * 128, 128)], sem)
                   for c in range(CH)]
            if pidx == 0:
                cps += tab_cps
            for cp_ in cps:
                cp_.wait()

            def body(g, _, dtab=dtab, stab=stab):
                rows = iota + g * 16
                d16 = dep_i[g]
                s16 = sub_i[g]
                for c in range(PH):
                    v = plsc.load_gather(pg, [rows, splat(c)])
                    plsc.store_scatter(comb, [rows, splat(c)], v)
                    plsc.store_scatter(comb, [rows, splat(c + PH)], v)
                for c in range(DH):
                    v = plsc.load_gather(dtab, [d16, splat(c)])
                    plsc.store_scatter(comb, [rows, splat(PD + c)], v)
                    plsc.store_scatter(comb, [rows, splat(PD + DH + c)], v)
                for c in range(SH):
                    v = plsc.load_gather(stab, [s16, splat(c)])
                    plsc.store_scatter(comb, [rows, splat(PD + DD + c)], v)
                    plsc.store_scatter(
                        comb, [rows, splat(PD + DD + SH + c)], v)
                return 0

            lax.fori_loop(0, NG, body, 0)
            pltpu.sync_copy(comb, out.at[pl.ds(base, TPW)])

    return k(pos2d, dep2d, sub2d, cph, sph, cdh, sdh, csh, ssh)


def kernel(positions, depths, subtree_depths, cos_pos, sin_pos,
           cos_depth, sin_depth, cos_subtree, sin_subtree):
    B, S = positions.shape
    pos2d = positions.astype(jnp.int32).reshape(128, 128)
    dep2d = depths.astype(jnp.int32).reshape(TOK // 16, 16)
    sub2d = subtree_depths.astype(jnp.int32).reshape(TOK // 16, 16)
    pad = ((0, 0), (0, PGW - PH))
    cos_f, sin_f = _sc_gather(
        pos2d, dep2d, sub2d,
        jnp.pad(cos_pos[:, :PH], pad), jnp.pad(sin_pos[:, :PH], pad),
        cos_depth[:, :DH], sin_depth[:, :DH],
        cos_subtree[:, :SH], sin_subtree[:, :SH])
    return cos_f.reshape(B, S, HD), sin_f.reshape(B, S, HD)

# --- scband reference (transcript-rebuilt; emitter-appended) ---
"""Pipeline reference for scband-hierarchical-ro-pe-59734405153446 (READ-ONLY COPY).

The authoritative reference and input builder live on the scoring server;
editing this copy changes nothing except your own understanding.
"""

import jax, jax.numpy as jnp
import numpy as np

HEAD_DIM = 128
MAX_SEQ = 4096
MAX_DEPTH = 256
MAX_SUB = 32
POS_BASE = 10000.0
DEPTH_BASE = 1000.0
SUB_BASE = 500.0


def _dims(head_dim):
    pd = head_dim // 3 * 2
    dd = head_dim // 6
    sd = head_dim - pd - dd
    pd = pd // 2 * 2
    dd = dd // 2 * 2
    sd = sd // 2 * 2
    rem = head_dim - pd - dd - sd
    pd += rem // 2 * 2
    return pd, dd, sd


def _cache(n, dim, base):
    inv = 1.0 / base ** (np.arange(0, dim, 2).astype(np.float32) / dim)
    t = np.arange(n, dtype=np.float32)
    freqs = np.outer(t, inv)
    emb = np.concatenate([freqs, freqs], axis=-1)
    return jnp.asarray(np.cos(emb), dtype=jnp.float32), jnp.asarray(np.sin(emb), dtype=jnp.float32)


def setup_inputs(seed: int = 0) -> dict:
    key = jax.random.key(seed)
    k1, k2, k3 = jax.random.split(key, 3)
    B, S = 4, 4096
    positions = jax.random.randint(k1, (B, S), 0, 4096)
    depths = jax.random.randint(k2, (B, S), 0, 256)
    subtree_depths = jax.random.randint(k3, (B, S), 0, 32)
    pd, dd, sd = _dims(HEAD_DIM)
    cos_pos, sin_pos = _cache(MAX_SEQ, pd, POS_BASE)
    cos_depth, sin_depth = _cache(MAX_DEPTH, dd, DEPTH_BASE)
    cos_subtree, sin_subtree = _cache(MAX_SUB, sd, SUB_BASE)
    return {
        "positions": positions,
        "depths": depths,
        "subtree_depths": subtree_depths,
        "cos_pos": cos_pos,
        "sin_pos": sin_pos,
        "cos_depth": cos_depth,
        "sin_depth": sin_depth,
        "cos_subtree": cos_subtree,
        "sin_subtree": sin_subtree,
    }


def reference(positions, depths, subtree_depths, cos_pos, sin_pos, cos_depth, sin_depth, cos_subtree, sin_subtree):
    pos_idx = jnp.clip(positions, 0, cos_pos.shape[0] - 1)
    depth_idx = jnp.clip(depths, 0, cos_depth.shape[0] - 1)
    sub_idx = jnp.clip(subtree_depths, 0, cos_subtree.shape[0] - 1)
    cos_parts = [jnp.take(cos_pos, pos_idx, axis=0), jnp.take(cos_depth, depth_idx, axis=0), jnp.take(cos_subtree, sub_idx, axis=0)]
    sin_parts = [jnp.take(sin_pos, pos_idx, axis=0), jnp.take(sin_depth, depth_idx, axis=0), jnp.take(sin_subtree, sub_idx, axis=0)]
    cos = jnp.concatenate(cos_parts, axis=-1)
    sin = jnp.concatenate(sin_parts, axis=-1)
    return (cos, sin)

if __name__ == "__main__":
    import jax
    _d = setup_inputs()
    print(jax.jit(kernel)(*tuple(_d.values())))

</pallas_src>

<mosaic_0001>
#map = affine_map<(d0, d1) -> (0, 0)>
module attributes {stable_mosaic.version = 14 : i64} {
  func.func @k(%arg0: i32, %arg1: i32, %arg2: memref<128x128xi32, #tpu.memory_space<hbm>>, %arg3: memref<1024x16xi32, #tpu.memory_space<hbm>>, %arg4: memref<1024x16xi32, #tpu.memory_space<hbm>>, %arg5: memref<4096x48xf32, #tpu.memory_space<hbm>>, %arg6: memref<4096x48xf32, #tpu.memory_space<hbm>>, %arg7: memref<256x10xf32, #tpu.memory_space<hbm>>, %arg8: memref<256x10xf32, #tpu.memory_space<hbm>>, %arg9: memref<32x11xf32, #tpu.memory_space<hbm>>, %arg10: memref<32x11xf32, #tpu.memory_space<hbm>>, %arg11: memref<16384x128xf32, #tpu.memory_space<hbm>>, %arg12: memref<16384x128xf32, #tpu.memory_space<hbm>>, %arg13: memref<4x128xi32, #tpu.memory_space<vmem>>, %arg14: memref<32x16xi32, #tpu.memory_space<vmem>>, %arg15: memref<32x16xi32, #tpu.memory_space<vmem>>, %arg16: memref<512x48xf32, #tpu.memory_space<vmem>>, %arg17: memref<256x10xf32, #tpu.memory_space<vmem>>, %arg18: memref<256x10xf32, #tpu.memory_space<vmem>>, %arg19: memref<32x11xf32, #tpu.memory_space<vmem>>, %arg20: memref<32x11xf32, #tpu.memory_space<vmem>>, %arg21: memref<512x128xf32, #tpu.memory_space<vmem>>, %arg22: memref<!tpu.dma_semaphore, #tpu.memory_space<semaphore_mem>>) attributes {dimension_semantics = [#tpu.dimension_semantics<core_parallel>, #tpu.dimension_semantics<subcore_parallel>], iteration_bounds = array<i64: 2, 16>, scalar_prefetch = 0 : i64, scratch_operands = 10 : i64, tpu.core_type = #tpu.core_type<sc_vector_subcore>, window_params = [{transform_indices = #map}, {transform_indices = #map}, {transform_indices = #map}, {transform_indices = #map}, {transform_indices = #map}, {transform_indices = #map}, {transform_indices = #map}, {transform_indices = #map}, {transform_indices = #map}, {transform_indices = #map}, {transform_indices = #map}]} {
    %mul3A = arith.constant 2 : i32
    %mul3A_0 = arith.muli %arg1, %mul3A : i32
    %add3A = arith.addi %mul3A_0, %arg0 : i32
    %mul3A_1 = arith.constant 512 : i32
    %mul3A_2 = arith.muli %add3A, %mul3A_1 : i32
    %mul3A_3 = arith.constant 4 : i32
    %mul3A_4 = arith.muli %add3A, %mul3A_3 : i32
    "tpu.region"() ({
      %run_scoped3A = tpu.sem_alloc : memref<!tpu.dma_semaphore, #tpu.memory_space<semaphore_mem>>
      %dma_start3A_180 = arith.constant 0 : i32
      %dma_start3A_181 = tpu.memref_slice %arg2[%mul3A_4, %dma_start3A_180] : memref<128x128xi32, #tpu.memory_space<hbm>> -> memref<4x128xi32, #tpu.memory_space<hbm>>
      %dma_start3A_182 = arith.constant 0 : i32
      %dma_start3A_183 = tpu.memref_slice %arg2[%mul3A_4, %dma_start3A_182] : memref<128x128xi32, #tpu.memory_space<hbm>> -> memref<4x128xi32, #tpu.memory_space<hbm>>
      tpu.enqueue_dma source(%dma_start3A_183 : memref<4x128xi32, #tpu.memory_space<hbm>>) target(%arg13 : memref<4x128xi32, #tpu.memory_space<vmem>>) target_semaphore(%run_scoped3A : memref<!tpu.dma_semaphore, #tpu.memory_space<semaphore_mem>>)
      %dma_wait3A_184 = arith.constant 0 : i32
      %dma_wait3A_185 = tpu.memref_slice %arg2[%mul3A_4, %dma_wait3A_184] : memref<128x128xi32, #tpu.memory_space<hbm>> -> memref<4x128xi32, #tpu.memory_space<hbm>>
      %dma_wait3A_186 = arith.constant 0 : i32
      %dma_wait3A_187 = tpu.memref_slice %arg2[%mul3A_4, %dma_wait3A_186] : memref<128x128xi32, #tpu.memory_space<hbm>> -> memref<4x128xi32, #tpu.memory_space<hbm>>
      tpu.wait_dma2 semaphore(%run_scoped3A : memref<!tpu.dma_semaphore, #tpu.memory_space<semaphore_mem>>) src(%dma_wait3A_187 : memref<4x128xi32, #tpu.memory_space<hbm>>) dst(%arg13 : memref<4x128xi32, #tpu.memory_space<vmem>>)
      tpu.yield
    }) : () -> ()
    %mul3A_5 = arith.constant 32 : i32
    %mul3A_6 = arith.muli %add3A, %mul3A_5 : i32
    "tpu.region"() ({
      %run_scoped3A = tpu.sem_alloc : memref<!tpu.dma_semaphore, #tpu.memory_space<semaphore_mem>>
      %dma_start3A_180 = arith.constant 0 : i32
      %dma_start3A_181 = tpu.memref_slice %arg3[%mul3A_6, %dma_start3A_180] : memref<1024x16xi32, #tpu.memory_space<hbm>> -> memref<32x16xi32, #tpu.memory_space<hbm>>
      %dma_start3A_182 = arith.constant 0 : i32
      %dma_start3A_183 = tpu.memref_slice %arg3[%mul3A_6, %dma_start3A_182] : memref<1024x16xi32, #tpu.memory_space<hbm>> -> memref<32x16xi32, #tpu.memory_space<hbm>>
      tpu.enqueue_dma source(%dma_start3A_183 : memref<32x16xi32, #tpu.memory_space<hbm>>) target(%arg14 : memref<32x16xi32, #tpu.memory_space<vmem>>) target_semaphore(%run_scoped3A : memref<!tpu.dma_semaphore, #tpu.memory_space<semaphore_mem>>)
      %dma_wait3A_184 = arith.constant 0 : i32
      %dma_wait3A_185 = tpu.memref_slice %arg3[%mul3A_6, %dma_wait3A_184] : memref<1024x16xi32, #tpu.memory_space<hbm>> -> memref<32x16xi32, #tpu.memory_space<hbm>>
      %dma_wait3A_186 = arith.constant 0 : i32
      %dma_wait3A_187 = tpu.memref_slice %arg3[%mul3A_6, %dma_wait3A_186] : memref<1024x16xi32, #tpu.memory_space<hbm>> -> memref<32x16xi32, #tpu.memory_space<hbm>>
      tpu.wait_dma2 semaphore(%run_scoped3A : memref<!tpu.dma_semaphore, #tpu.memory_space<semaphore_mem>>) src(%dma_wait3A_187 : memref<32x16xi32, #tpu.memory_space<hbm>>) dst(%arg14 : memref<32x16xi32, #tpu.memory_space<vmem>>)
      tpu.yield
    }) : () -> ()
    %mul3A_7 = arith.constant 32 : i32
    %mul3A_8 = arith.muli %add3A, %mul3A_7 : i32
    "tpu.region"() ({
      %run_scoped3A = tpu.sem_alloc : memref<!tpu.dma_semaphore, #tpu.memory_space<semaphore_mem>>
      %dma_start3A_180 = arith.constant 0 : i32
      %dma_start3A_181 = tpu.memref_slice %arg4[%mul3A_8, %dma_start3A_180] : memref<1024x16xi32, #tpu.memory_space<hbm>> -> memref<32x16xi32, #tpu.memory_space<hbm>>
      %dma_start3A_182 = arith.constant 0 : i32
      %dma_start3A_183 = tpu.memref_slice %arg4[%mul3A_8, %dma_start3A_182] : memref<1024x16xi32, #tpu.memory_space<hbm>> -> memref<32x16xi32, #tpu.memory_space<hbm>>
      tpu.enqueue_dma source(%dma_start3A_183 : memref<32x16xi32, #tpu.memory_space<hbm>>) target(%arg15 : memref<32x16xi32, #tpu.memory_space<vmem>>) target_semaphore(%run_scoped3A : memref<!tpu.dma_semaphore, #tpu.memory_space<semaphore_mem>>)
      %dma_wait3A_184 = arith.constant 0 : i32
      %dma_wait3A_185 = tpu.memref_slice %arg4[%mul3A_8, %dma_wait3A_184] : memref<1024x16xi32, #tpu.memory_space<hbm>> -> memref<32x16xi32, #tpu.memory_space<hbm>>
      %dma_wait3A_186 = arith.constant 0 : i32
      %dma_wait3A_187 = tpu.memref_slice %arg4[%mul3A_8, %dma_wait3A_186] : memref<1024x16xi32, #tpu.memory_space<hbm>> -> memref<32x16xi32, #tpu.memory_space<hbm>>
      tpu.wait_dma2 semaphore(%run_scoped3A : memref<!tpu.dma_semaphore, #tpu.memory_space<semaphore_mem>>) src(%dma_wait3A_187 : memref<32x16xi32, #tpu.memory_space<hbm>>) dst(%arg15 : memref<32x16xi32, #tpu.memory_space<vmem>>)
      tpu.yield
    }) : () -> ()
    tpu.enqueue_dma source(%arg7 : memref<256x10xf32, #tpu.memory_space<hbm>>) target(%arg17 : memref<256x10xf32, #tpu.memory_space<vmem>>) target_semaphore(%arg22 : memref<!tpu.dma_semaphore, #tpu.memory_space<semaphore_mem>>)
    tpu.enqueue_dma source(%arg8 : memref<256x10xf32, #tpu.memory_space<hbm>>) target(%arg18 : memref<256x10xf32, #tpu.memory_space<vmem>>) target_semaphore(%arg22 : memref<!tpu.dma_semaphore, #tpu.memory_space<semaphore_mem>>)
    tpu.enqueue_dma source(%arg9 : memref<32x11xf32, #tpu.memory_space<hbm>>) target(%arg19 : memref<32x11xf32, #tpu.memory_space<vmem>>) target_semaphore(%arg22 : memref<!tpu.dma_semaphore, #tpu.memory_space<semaphore_mem>>)
    tpu.enqueue_dma source(%arg10 : memref<32x11xf32, #tpu.memory_space<hbm>>) target(%arg20 : memref<32x11xf32, #tpu.memory_space<vmem>>) target_semaphore(%arg22 : memref<!tpu.dma_semaphore, #tpu.memory_space<semaphore_mem>>)
    %iota3A = tpu.iota {dimensions = array<i32: 0>} : vector<16xi32>
    %dma_start3A = arith.constant 0 : i32
    %dma_start3A_9 = arith.constant 0 : i32
    %dma_start3A_10 = arith.constant 0 : i32
    %dma_start3A_11 = tpu.memref_slice %arg16[%dma_start3A_9, %dma_start3A_10] : memref<512x48xf32, #tpu.memory_space<vmem>> -> memref<128x48xf32, #tpu.memory_space<vmem>>
    %dma_start3A_12 = arith.constant 0 : i32
    %dma_start3A_13 = tpu.memref_slice %arg13[%dma_start3A, %dma_start3A_12] : memref<4x128xi32, #tpu.memory_space<vmem>> -> memref<1x128xi32, #tpu.memory_space<vmem>>
    %dma_start3A_14 = tpu.memref_squeeze %dma_start3A_13 : memref<1x128xi32, #tpu.memory_space<vmem>> -> memref<128xi32, #tpu.memory_space<vmem>>
    %dma_start3A_15 = arith.constant 0 : i32
    %dma_start3A_16 = arith.constant 0 : i32
    %dma_start3A_17 = tpu.memref_slice %arg5[%dma_start3A_15, %dma_start3A_16] : memref<4096x48xf32, #tpu.memory_space<hbm>> -> memref<4096x48xf32, #tpu.memory_space<hbm>>
    tpu.enqueue_indirect_dma source(%dma_start3A_17 : memref<4096x48xf32, #tpu.memory_space<hbm>>) target(%dma_start3A_11 : memref<128x48xf32, #tpu.memory_space<vmem>>) offsets(%dma_start3A_14 : memref<128xi32, #tpu.memory_space<vmem>>) semaphore(%arg22 : memref<!tpu.dma_semaphore, #tpu.memory_space<semaphore_mem>>)
    %dma_start3A_18 = arith.constant 1 : i32
    %dma_start3A_19 = arith.constant 128 : i32
    %dma_start3A_20 = arith.constant 0 : i32
    %dma_start3A_21 = tpu.memref_slice %arg16[%dma_start3A_19, %dma_start3A_20] : memref<512x48xf32, #tpu.memory_space<vmem>> -> memref<128x48xf32, #tpu.memory_space<vmem>>
    %dma_start3A_22 = arith.constant 0 : i32
    %dma_start3A_23 = tpu.memref_slice %arg13[%dma_start3A_18, %dma_start3A_22] : memref<4x128xi32, #tpu.memory_space<vmem>> -> memref<1x128xi32, #tpu.memory_space<vmem>>
    %dma_start3A_24 = tpu.memref_squeeze %dma_start3A_23 : memref<1x128xi32, #tpu.memory_space<vmem>> -> memref<128xi32, #tpu.memory_space<vmem>>
    %dma_start3A_25 = arith.constant 0 : i32
    %dma_start3A_26 = arith.constant 0 : i32
    %dma_start3A_27 = tpu.memref_slice %arg5[%dma_start3A_25, %dma_start3A_26] : memref<4096x48xf32, #tpu.memory_space<hbm>> -> memref<4096x48xf32, #tpu.memory_space<hbm>>
    tpu.enqueue_indirect_dma source(%dma_start3A_27 : memref<4096x48xf32, #tpu.memory_space<hbm>>) target(%dma_start3A_21 : memref<128x48xf32, #tpu.memory_space<vmem>>) offsets(%dma_start3A_24 : memref<128xi32, #tpu.memory_space<vmem>>) semaphore(%arg22 : memref<!tpu.dma_semaphore, #tpu.memory_space<semaphore_mem>>)
    %dma_start3A_28 = arith.constant 2 : i32
    %dma_start3A_29 = arith.constant 256 : i32
    %dma_start3A_30 = arith.constant 0 : i32
    %dma_start3A_31 = tpu.memref_slice %arg16[%dma_start3A_29, %dma_start3A_30] : memref<512x48xf32, #tpu.memory_space<vmem>> -> memref<128x48xf32, #tpu.memory_space<vmem>>
    %dma_start3A_32 = arith.constant 0 : i32
    %dma_start3A_33 = tpu.memref_slice %arg13[%dma_start3A_28, %dma_start3A_32] : memref<4x128xi32, #tpu.memory_space<vmem>> -> memref<1x128xi32, #tpu.memory_space<vmem>>
    %dma_start3A_34 = tpu.memref_squeeze %dma_start3A_33 : memref<1x128xi32, #tpu.memory_space<vmem>> -> memref<128xi32, #tpu.memory_space<vmem>>
    %dma_start3A_35 = arith.constant 0 : i32
    %dma_start3A_36 = arith.constant 0 : i32
    %dma_start3A_37 = tpu.memref_slice %arg5[%dma_start3A_35, %dma_start3A_36] : memref<4096x48xf32, #tpu.memory_space<hbm>> -> memref<4096x48xf32, #tpu.memory_space<hbm>>
    tpu.enqueue_indirect_dma source(%dma_start3A_37 : memref<4096x48xf32, #tpu.memory_space<hbm>>) target(%dma_start3A_31 : memref<128x48xf32, #tpu.memory_space<vmem>>) offsets(%dma_start3A_34 : memref<128xi32, #tpu.memory_space<vmem>>) semaphore(%arg22 : memref<!tpu.dma_semaphore, #tpu.memory_space<semaphore_mem>>)
    %dma_start3A_38 = arith.constant 3 : i32
    %dma_start3A_39 = arith.constant 384 : i32
    %dma_start3A_40 = arith.constant 0 : i32
    %dma_start3A_41 = tpu.memref_slice %arg16[%dma_start3A_39, %dma_start3A_40] : memref<512x48xf32, #tpu.memory_space<vmem>> -> memref<128x48xf32, #tpu.memory_space<vmem>>
    %dma_start3A_42 = arith.constant 0 : i32
    %dma_start3A_43 = tpu.memref_slice %arg13[%dma_start3A_38, %dma_start3A_42] : memref<4x128xi32, #tpu.memory_space<vmem>> -> memref<1x128xi32, #tpu.memory_space<vmem>>
    %dma_start3A_44 = tpu.memref_squeeze %dma_start3A_43 : memref<1x128xi32, #tpu.memory_space<vmem>> -> memref<128xi32, #tpu.memory_space<vmem>>
    %dma_start3A_45 = arith.constant 0 : i32
    %dma_start3A_46 = arith.constant 0 : i32
    %dma_start3A_47 = tpu.memref_slice %arg5[%dma_start3A_45, %dma_start3A_46] : memref<4096x48xf32, #tpu.memory_space<hbm>> -> memref<4096x48xf32, #tpu.memory_space<hbm>>
    tpu.enqueue_indirect_dma source(%dma_start3A_47 : memref<4096x48xf32, #tpu.memory_space<hbm>>) target(%dma_start3A_41 : memref<128x48xf32, #tpu.memory_space<vmem>>) offsets(%dma_start3A_44 : memref<128xi32, #tpu.memory_space<vmem>>) semaphore(%arg22 : memref<!tpu.dma_semaphore, #tpu.memory_space<semaphore_mem>>)
    %dma_wait3A = arith.constant 0 : i32
    %dma_wait3A_48 = arith.constant 0 : i32
    %dma_wait3A_49 = arith.constant 0 : i32
    %dma_wait3A_50 = tpu.memref_slice %arg16[%dma_wait3A_48, %dma_wait3A_49] : memref<512x48xf32, #tpu.memory_space<vmem>> -> memref<128x48xf32, #tpu.memory_space<vmem>>
    %dma_wait3A_51 = arith.constant 0 : i32
    %dma_wait3A_52 = tpu.memref_slice %arg13[%dma_wait3A, %dma_wait3A_51] : memref<4x128xi32, #tpu.memory_space<vmem>> -> memref<1x128xi32, #tpu.memory_space<vmem>>
    %dma_wait3A_53 = tpu.memref_squeeze %dma_wait3A_52 : memref<1x128xi32, #tpu.memory_space<vmem>> -> memref<128xi32, #tpu.memory_space<vmem>>
    %dma_wait3A_54 = arith.constant 0 : i32
    %dma_wait3A_55 = arith.constant 0 : i32
    %dma_wait3A_56 = tpu.memref_slice %arg5[%dma_wait3A_54, %dma_wait3A_55] : memref<4096x48xf32, #tpu.memory_space<hbm>> -> memref<4096x48xf32, #tpu.memory_space<hbm>>
    tpu.wait_indirect_dma semaphore(%arg22 : memref<!tpu.dma_semaphore, #tpu.memory_space<semaphore_mem>>) src(%dma_wait3A_56 : memref<4096x48xf32, #tpu.memory_space<hbm>>) dst(%dma_wait3A_50 : memref<128x48xf32, #tpu.memory_space<vmem>>)
    %dma_wait3A_57 = arith.constant 1 : i32
    %dma_wait3A_58 = arith.constant 128 : i32
    %dma_wait3A_59 = arith.constant 0 : i32
    %dma_wait3A_60 = tpu.memref_slice %arg16[%dma_wait3A_58, %dma_wait3A_59] : memref<512x48xf32, #tpu.memory_space<vmem>> -> memref<128x48xf32, #tpu.memory_space<vmem>>
    %dma_wait3A_61 = arith.constant 0 : i32
    %dma_wait3A_62 = tpu.memref_slice %arg13[%dma_wait3A_57, %dma_wait3A_61] : memref<4x128xi32, #tpu.memory_space<vmem>> -> memref<1x128xi32, #tpu.memory_space<vmem>>
    %dma_wait3A_63 = tpu.memref_squeeze %dma_wait3A_62 : memref<1x128xi32, #tpu.memory_space<vmem>> -> memref<128xi32, #tpu.memory_space<vmem>>
    %dma_wait3A_64 = arith.constant 0 : i32
    %dma_wait3A_65 = arith.constant 0 : i32
    %dma_wait3A_66 = tpu.memref_slice %arg5[%dma_wait3A_64, %dma_wait3A_65] : memref<4096x48xf32, #tpu.memory_space<hbm>> -> memref<4096x48xf32, #tpu.memory_space<hbm>>
    tpu.wait_indirect_dma semaphore(%arg22 : memref<!tpu.dma_semaphore, #tpu.memory_space<semaphore_mem>>) src(%dma_wait3A_66 : memref<4096x48xf32, #tpu.memory_space<hbm>>) dst(%dma_wait3A_60 : memref<128x48xf32, #tpu.memory_space<vmem>>)
    %dma_wait3A_67 = arith.constant 2 : i32
    %dma_wait3A_68 = arith.constant 256 : i32
    %dma_wait3A_69 = arith.constant 0 : i32
    %dma_wait3A_70 = tpu.memref_slice %arg16[%dma_wait3A_68, %dma_wait3A_69] : memref<512x48xf32, #tpu.memory_space<vmem>> -> memref<128x48xf32, #tpu.memory_space<vmem>>
    %dma_wait3A_71 = arith.constant 0 : i32
    %dma_wait3A_72 = tpu.memref_slice %arg13[%dma_wait3A_67, %dma_wait3A_71] : memref<4x128xi32, #tpu.memory_space<vmem>> -> memref<1x128xi32, #tpu.memory_space<vmem>>
    %dma_wait3A_73 = tpu.memref_squeeze %dma_wait3A_72 : memref<1x128xi32, #tpu.memory_space<vmem>> -> memref<128xi32, #tpu.memory_space<vmem>>
    %dma_wait3A_74 = arith.constant 0 : i32
    %dma_wait3A_75 = arith.constant 0 : i32
    %dma_wait3A_76 = tpu.memref_slice %arg5[%dma_wait3A_74, %dma_wait3A_75] : memref<4096x48xf32, #tpu.memory_space<hbm>> -> memref<4096x48xf32, #tpu.memory_space<hbm>>
    tpu.wait_indirect_dma semaphore(%arg22 : memref<!tpu.dma_semaphore, #tpu.memory_space<semaphore_mem>>) src(%dma_wait3A_76 : memref<4096x48xf32, #tpu.memory_space<hbm>>) dst(%dma_wait3A_70 : memref<128x48xf32, #tpu.memory_space<vmem>>)
    %dma_wait3A_77 = arith.constant 3 : i32
    %dma_wait3A_78 = arith.constant 384 : i32
    %dma_wait3A_79 = arith.constant 0 : i32
    %dma_wait3A_80 = tpu.memref_slice %arg16[%dma_wait3A_78, %dma_wait3A_79] : memref<512x48xf32, #tpu.memory_space<vmem>> -> memref<128x48xf32, #tpu.memory_space<vmem>>
    %dma_wait3A_81 = arith.constant 0 : i32
    %dma_wait3A_82 = tpu.memref_slice %arg13[%dma_wait3A_77, %dma_wait3A_81] : memref<4x128xi32, #tpu.memory_space<vmem>> -> memref<1x128xi32, #tpu.memory_space<vmem>>
    %dma_wait3A_83 = tpu.memref_squeeze %dma_wait3A_82 : memref<1x128xi32, #tpu.memory_space<vmem>> -> memref<128xi32, #tpu.memory_space<vmem>>
    %dma_wait3A_84 = arith.constant 0 : i32
    %dma_wait3A_85 = arith.constant 0 : i32
    %dma_wait3A_86 = tpu.memref_slice %arg5[%dma_wait3A_84, %dma_wait3A_85] : memref<4096x48xf32, #tpu.memory_space<hbm>> -> memref<4096x48xf32, #tpu.memory_space<hbm>>
    tpu.wait_indirect_dma semaphore(%arg22 : memref<!tpu.dma_semaphore, #tpu.memory_space<semaphore_mem>>) src(%dma_wait3A_86 : memref<4096x48xf32, #tpu.memory_space<hbm>>) dst(%dma_wait3A_80 : memref<128x48xf32, #tpu.memory_space<vmem>>)
    tpu.wait_dma2 semaphore(%arg22 : memref<!tpu.dma_semaphore, #tpu.memory_space<semaphore_mem>>) src(%arg7 : memref<256x10xf32, #tpu.memory_space<hbm>>) dst(%arg17 : memref<256x10xf32, #tpu.memory_space<vmem>>)
    tpu.wait_dma2 semaphore(%arg22 : memref<!tpu.dma_semaphore, #tpu.memory_space<semaphore_mem>>) src(%arg8 : memref<256x10xf32, #tpu.memory_space<hbm>>) dst(%arg18 : memref<256x10xf32, #tpu.memory_space<vmem>>)
    tpu.wait_dma2 semaphore(%arg22 : memref<!tpu.dma_semaphore, #tpu.memory_space<semaphore_mem>>) src(%arg9 : memref<32x11xf32, #tpu.memory_space<hbm>>) dst(%arg19 : memref<32x11xf32, #tpu.memory_space<vmem>>)
    tpu.wait_dma2 semaphore(%arg22 : memref<!tpu.dma_semaphore, #tpu.memory_space<semaphore_mem>>) src(%arg10 : memref<32x11xf32, #tpu.memory_space<hbm>>) dst(%arg20 : memref<32x11xf32, #tpu.memory_space<vmem>>)
    %scan3A = arith.constant 0 : i32
    %scan3A_87 = arith.constant 0 : i32
    %scan3A_88 = arith.constant 32 : i32
    %scan3A_89 = arith.addi %scan3A_87, %scan3A_88 : i32
    %scan3A_90 = arith.constant 1 : i32
    %scan3A_91 = scf.for %scan3A_180 = %scan3A_87 to %scan3A_89 step %scan3A_90 iter_args(%scan3A_181 = %scan3A) -> (i32)  : i32 {
      %mul3A_182 = arith.constant 16 : i32
      %mul3A_183 = arith.muli %scan3A_180, %mul3A_182 : i32
      %add3A_184 = vector.broadcast %mul3A_183 : i32 to vector<16xi32>
      %add3A_185 = arith.addi %iota3A, %add3A_184 : vector<16xi32>
      %get3A = arith.index_cast %scan3A_180 : i32 to index
      %get3A_186 = arith.constant 0 : index
      %get3A_187 = tpu.vector_load %arg14[%get3A, %get3A_186] {strides = array<i32>} : memref<32x16xi32, #tpu.memory_space<vmem>>, vector<16xi32>,
      %get3A_188 = arith.index_cast %scan3A_180 : i32 to index
      %get3A_189 = arith.constant 0 : index
      %get3A_190 = tpu.vector_load %arg15[%get3A_188, %get3A_189] {strides = array<i32>} : memref<32x16xi32, #tpu.memory_space<vmem>>, vector<16xi32>,
      %broadcast_in_dim3A = arith.constant 0 : i32
      %broadcast_in_dim3A_191 = vector.broadcast %broadcast_in_dim3A : i32 to vector<16xi32>
      %gather3A = tpu.vector_load_idx %arg16[%add3A_185, %broadcast_in_dim3A_191] : memref<512x48xf32, #tpu.memory_space<vmem>>[vector<16xi32>, vector<16xi32>], vector<16xf32>,
      %broadcast_in_dim3A_192 = arith.constant 0 : i32
      %broadcast_in_dim3A_193 = vector.broadcast %broadcast_in_dim3A_192 : i32 to vector<16xi32>
      tpu.vector_store_idx %arg21[%add3A_185, %broadcast_in_dim3A_193], %gather3A : memref<512x128xf32, #tpu.memory_space<vmem>>[vector<16xi32>, vector<16xi32>], vector<16xf32>,
      %broadcast_in_dim3A_194 = arith.constant 43 : i32
      %broadcast_in_dim3A_195 = vector.broadcast %broadcast_in_dim3A_194 : i32 to vector<16xi32>
      tpu.vector_store_idx %arg21[%add3A_185, %broadcast_in_dim3A_195], %gather3A : memref<512x128xf32, #tpu.memory_space<vmem>>[vector<16xi32>, vector<16xi32>], vector<16xf32>,
      %broadcast_in_dim3A_196 = arith.constant 1 : i32
      %broadcast_in_dim3A_197 = vector.broadcast %broadcast_in_dim3A_196 : i32 to vector<16xi32>
      %gather3A_198 = tpu.vector_load_idx %arg16[%add3A_185, %broadcast_in_dim3A_197] : memref<512x48xf32, #tpu.memory_space<vmem>>[vector<16xi32>, vector<16xi32>], vector<16xf32>,
      %broadcast_in_dim3A_199 = arith.constant 1 : i32
      %broadcast_in_dim3A_200 = vector.broadcast %broadcast_in_dim3A_199 : i32 to vector<16xi32>
      tpu.vector_store_idx %arg21[%add3A_185, %broadcast_in_dim3A_200], %gather3A_198 : memref<512x128xf32, #tpu.memory_space<vmem>>[vector<16xi32>, vector<16xi32>], vector<16xf32>,
      %broadcast_in_dim3A_201 = arith.constant 44 : i32
      %broadcast_in_dim3A_202 = vector.broadcast %broadcast_in_dim3A_201 : i32 to vector<16xi32>
      tpu.vector_store_idx %arg21[%add3A_185, %broadcast_in_dim3A_202], %gather3A_198 : memref<512x128xf32, #tpu.memory_space<vmem>>[vector<16xi32>, vector<16xi32>], vector<16xf32>,
      %broadcast_in_dim3A_203 = arith.constant 2 : i32
      %broadcast_in_dim3A_204 = vector.broadcast %broadcast_in_dim3A_203 : i32 to vector<16xi32>
      %gather3A_205 = tpu.vector_load_idx %arg16[%add3A_185, %broadcast_in_dim3A_204] : memref<512x48xf32, #tpu.memory_space<vmem>>[vector<16xi32>, vector<16xi32>], vector<16xf32>,
      %broadcast_in_dim3A_206 = arith.constant 2 : i32
      %broadcast_in_dim3A_207 = vector.broadcast %broadcast_in_dim3A_206 : i32 to vector<16xi32>
      tpu.vector_store_idx %arg21[%add3A_185, %broadcast_in_dim3A_207], %gather3A_205 : memref<512x128xf32, #tpu.memory_space<vmem>>[vector<16xi32>, vector<16xi32>], vector<16xf32>,
      %broadcast_in_dim3A_208 = arith.constant 45 : i32
      %broadcast_in_dim3A_209 = vector.broadcast %broadcast_in_dim3A_208 : i32 to vector<16xi32>
      tpu.vector_store_idx %arg21[%add3A_185, %broadcast_in_dim3A_209], %gather3A_205 : memref<512x128xf32, #tpu.memory_space<vmem>>[vector<16xi32>, vector<16xi32>], vector<16xf32>,
      %broadcast_in_dim3A_210 = arith.constant 3 : i32
      %broadcast_in_dim3A_211 = vector.broadcast %broadcast_in_dim3A_210 : i32 to vector<16xi32>
      %gather3A_212 = tpu.vector_load_idx %arg16[%add3A_185, %broadcast_in_dim3A_211] : memref<512x48xf32, #tpu.memory_space<vmem>>[vector<16xi32>, vector<16xi32>], vector<16xf32>,
      %broadcast_in_dim3A_213 = arith.constant 3 : i32
      %broadcast_in_dim3A_214 = vector.broadcast %broadcast_in_dim3A_213 : i32 to vector<16xi32>
      tpu.vector_store_idx %arg21[%add3A_185, %broadcast_in_dim3A_214], %gather3A_212 : memref<512x128xf32, #tpu.memory_space<vmem>>[vector<16xi32>, vector<16xi32>], vector<16xf32>,
      %broadcast_in_dim3A_215 = arith.constant 46 : i32
      %broadcast_in_dim3A_216 = vector.broadcast %broadcast_in_dim3A_215 : i32 to vector<16xi32>
      tpu.vector_store_idx %arg21[%add3A_185, %broadcast_in_dim3A_216], %gather3A_212 : memref<512x128xf32, #tpu.memory_space<vmem>>[vector<16xi32>, vector<16xi32>], vector<16xf32>,
      %broadcast_in_dim3A_217 = arith.constant 4 : i32
      %broadcast_in_dim3A_218 = vector.broadcast %broadcast_in_dim3A_217 : i32 to vector<16xi32>
      %gather3A_219 = tpu.vector_load_idx %arg16[%add3A_185, %broadcast_in_dim3A_218] : memref<512x48xf32, #tpu.memory_space<vmem>>[vector<16xi32>, vector<16xi32>], vector<16xf32>,
      %broadcast_in_dim3A_220 = arith.constant 4 : i32
      %broadcast_in_dim3A_221 = vector.broadcast %broadcast_in_dim3A_220 : i32 to vector<16xi32>
      tpu.vector_store_idx %arg21[%add3A_185, %broadcast_in_dim3A_221], %gather3A_219 : memref<512x128xf32, #tpu.memory_space<vmem>>[vector<16xi32>, vector<16xi32>], vector<16xf32>,
      %broadcast_in_dim3A_222 = arith.constant 47 : i32
      %broadcast_in_dim3A_223 = vector.broadcast %broadcast_in_dim3A_222 : i32 to vector<16xi32>
      tpu.vector_store_idx %arg21[%add3A_185, %broadcast_in_dim3A_223], %gather3A_219 : memref<512x128xf32, #tpu.memory_space<vmem>>[vector<16xi32>, vector<16xi32>], vector<16xf32>,
      %broadcast_in_dim3A_224 = arith.constant 5 : i32
      %broadcast_in_dim3A_225 = vector.broadcast %broadcast_in_dim3A_224 : i32 to vector<16xi32>
      %gather3A_226 = tpu.vector_load_idx %arg16[%add3A_185, %broadcast_in_dim3A_225] : memref<512x48xf32, #tpu.memory_space<vmem>>[vector<16xi32>, vector<16xi32>], vector<16xf32>,
      %broadcast_in_dim3A_227 = arith.constant 5 : i32
      %broadcast_in_dim3A_228 = vector.broadcast %broadcast_in_dim3A_227 : i32 to vector<16xi32>
      tpu.vector_store_idx %arg21[%add3A_185, %broadcast_in_dim3A_228], %gather3A_226 : memref<512x128xf32, #tpu.memory_space<vmem>>[vector<16xi32>, vector<16xi32>], vector<16xf32>,
      %broadcast_in_dim3A_229 = arith.constant 48 : i32
      %broadcast_in_dim3A_230 = vector.broadcast %broadcast_in_dim3A_229 : i32 to vector<16xi32>
      tpu.vector_store_idx %arg21[%add3A_185, %broadcast_in_dim3A_230], %gather3A_226 : memref<512x128xf32, #tpu.memory_space<vmem>>[vector<16xi32>, vector<16xi32>], vector<16xf32>,
      %broadcast_in_dim3A_231 = arith.constant 6 : i32
      %broadcast_in_dim3A_232 = vector.broadcast %broadcast_in_dim3A_231 : i32 to vector<16xi32>
      %gather3A_233 = tpu.vector_load_idx %arg16[%add3A_185, %broadcast_in_dim3A_232] : memref<512x48xf32, #tpu.memory_space<vmem>>[vector<16xi32>, vector<16xi32>], vector<16xf32>,
      %broadcast_in_dim3A_234 = arith.constant 6 : i32
      %broadcast_in_dim3A_235 = vector.broadcast %broadcast_in_dim3A_234 : i32 to vector<16xi32>
      tpu.vector_store_idx %arg21[%add3A_185, %broadcast_in_dim3A_235], %gather3A_233 : memref<512x128xf32, #tpu.memory_space<vmem>>[vector<16xi32>, vector<16xi32>], vector<16xf32>,
      %broadcast_in_dim3A_236 = arith.constant 49 : i32
      %broadcast_in_dim3A_237 = vector.broadcast %broadcast_in_dim3A_236 : i32 to vector<16xi32>
      tpu.vector_store_idx %arg21[%add3A_185, %broadcast_in_dim3A_237], %gather3A_233 : memref<512x128xf32, #tpu.memory_space<vmem>>[vector<16xi32>, vector<16xi32>], vector<16xf32>,
      %broadcast_in_dim3A_238 = arith.constant 7 : i32
      %broadcast_in_dim3A_239 = vector.broadcast %broadcast_in_dim3A_238 : i32 to vector<16xi32>
      %gather3A_240 = tpu.vector_load_idx %arg16[%add3A_185, %broadcast_in_dim3A_239] : memref<512x48xf32, #tpu.memory_space<vmem>>[vector<16xi32>, vector<16xi32>], vector<16xf32>,
      %broadcast_in_dim3A_241 = arith.constant 7 : i32
      %broadcast_in_dim3A_242 = vector.broadcast %broadcast_in_dim3A_241 : i32 to vector<16xi32>
      tpu.vector_store_idx %arg21[%add3A_185, %broadcast_in_dim3A_242], %gather3A_240 : memref<512x128xf32, #tpu.memory_space<vmem>>[vector<16xi32>, vector<16xi32>], vector<16xf32>,
      %broadcast_in_dim3A_243 = arith.constant 50 : i32
      %broadcast_in_dim3A_244 = vector.broadcast %broadcast_in_dim3A_243 : i32 to vector<16xi32>
      tpu.vector_store_idx %arg21[%add3A_185, %broadcast_in_dim3A_244], %gather3A_240 : memref<512x128xf32, #tpu.memory_space<vmem>>[vector<16xi32>, vector<16xi32>], vector<16xf32>,
      %broadcast_in_dim3A_245 = arith.constant 8 : i32
      %broadcast_in_dim3A_246 = vector.broadcast %broadcast_in_dim3A_245 : i32 to vector<16xi32>
      %gather3A_247 = tpu.vector_load_idx %arg16[%add3A_185, %broadcast_in_dim3A_246] : memref<512x48xf32, #tpu.memory_space<vmem>>[vector<16xi32>, vector<16xi32>], vector<16xf32>,
      %broadcast_in_dim3A_248 = arith.constant 8 : i32
      %broadcast_in_dim3A_249 = vector.broadcast %broadcast_in_dim3A_248 : i32 to vector<16xi32>
      tpu.vector_store_idx %arg21[%add3A_185, %broadcast_in_dim3A_249], %gather3A_247 : memref<512x128xf32, #tpu.memory_space<vmem>>[vector<16xi32>, vector<16xi32>], vector<16xf32>,
      %broadcast_in_dim3A_250 = arith.constant 51 : i32
      %broadcast_in_dim3A_251 = vector.broadcast %broadcast_in_dim3A_250 : i32 to vector<16xi32>
      tpu.vector_store_idx %arg21[%add3A_185, %broadcast_in_dim3A_251], %gather3A_247 : memref<512x128xf32, #tpu.memory_space<vmem>>[vector<16xi32>, vector<16xi32>], vector<16xf32>,
      %broadcast_in_dim3A_252 = arith.constant 9 : i32
      %broadcast_in_dim3A_253 = vector.broadcast %broadcast_in_dim3A_252 : i32 to vector<16xi32>
      %gather3A_254 = tpu.vector_load_idx %arg16[%add3A_185, %broadcast_in_dim3A_253] : memref<512x48xf32, #tpu.memory_space<vmem>>[vector<16xi32>, vector<16xi32>], vector<16xf32>,
      %broadcast_in_dim3A_255 = arith.constant 9 : i32
      %broadcast_in_dim3A_256 = vector.broadcast %broadcast_in_dim3A_255 : i32 to vector<16xi32>
      tpu.vector_store_idx %arg21[%add3A_185, %broadcast_in_dim3A_256], %gather3A_254 : memref<512x128xf32, #tpu.memory_space<vmem>>[vector<16xi32>, vector<16xi32>], vector<16xf32>,
      %broadcast_in_dim3A_257 = arith.constant 52 : i32
      %broadcast_in_dim3A_258 = vector.broadcast %broadcast_in_dim3A_257 : i32 to vector<16xi32>
      tpu.vector_store_idx %arg21[%add3A_185, %broadcast_in_dim3A_258], %gather3A_254 : memref<512x128xf32, #tpu.memory_space<vmem>>[vector<16xi32>, vector<16xi32>], vector<16xf32>,
      %broadcast_in_dim3A_259 = arith.constant 10 : i32
      %broadcast_in_dim3A_260 = vector.broadcast %broadcast_in_dim3A_259 : i32 to vector<16xi32>
      %gather3A_261 = tpu.vector_load_idx %arg16[%add3A_185, %broadcast_in_dim3A_260] : memref<512x48xf32, #tpu.memory_space<vmem>>[vector<16xi32>, vector<16xi32>], vector<16xf32>,
      %broadcast_in_dim3A_262 = arith.constant 10 : i32
      %broadcast_in_dim3A_263 = vector.broadcast %broadcast_in_dim3A_262 : i32 to vector<16xi32>
      tpu.vector_store_idx %arg21[%add3A_185, %broadcast_in_dim3A_263], %gather3A_261 : memref<512x128xf32, #tpu.memory_space<vmem>>[vector<16xi32>, vector<16xi32>], vector<16xf32>,
      %broadcast_in_dim3A_264 = arith.constant 53 : i32
      %broadcast_in_dim3A_265 = vector.broadcast %broadcast_in_dim3A_264 : i32 to vector<16xi32>
      tpu.vector_store_idx %arg21[%add3A_185, %broadcast_in_dim3A_265], %gather3A_261 : memref<512x128xf32, #tpu.memory_space<vmem>>[vector<16xi32>, vector<16xi32>], vector<16xf32>,
      %broadcast_in_dim3A_266 = arith.constant 11 : i32
      %broadcast_in_dim3A_267 = vector.broadcast %broadcast_in_dim3A_266 : i32 to vector<16xi32>
      %gather3A_268 = tpu.vector_load_idx %arg16[%add3A_185, %broadcast_in_dim3A_267] : memref<512x48xf32, #tpu.memory_space<vmem>>[vector<16xi32>, vector<16xi32>], vector<16xf32>,
      %broadcast_in_dim3A_269 = arith.constant 11 : i32
      %broadcast_in_dim3A_270 = vector.broadcast %broadcast_in_dim3A_269 : i32 to vector<16xi32>
      tpu.vector_store_idx %arg21[%add3A_185, %broadcast_in_dim3A_270], %gather3A_268 : memref<512x128xf32, #tpu.memory_space<vmem>>[vector<16xi32>, vector<16xi32>], vector<16xf32>,
      %broadcast_in_dim3A_271 = arith.constant 54 : i32
      %broadcast_in_dim3A_272 = vector.broadcast %broadcast_in_dim3A_271 : i32 to vector<16xi32>
      tpu.vector_store_idx %arg21[%add3A_185, %broadcast_in_dim3A_272], %gather3A_268 : memref<512x128xf32, #tpu.memory_space<vmem>>[vector<16xi32>, vector<16xi32>], vector<16xf32>,
      %broadcast_in_dim3A_273 = arith.constant 12 : i32
      %broadcast_in_dim3A_274 = vector.broadcast %broadcast_in_dim3A_273 : i32 to vector<16xi32>
      %gather3A_275 = tpu.vector_load_idx %arg16[%add3A_185, %broadcast_in_dim3A_274] : memref<512x48xf32, #tpu.memory_space<vmem>>[vector<16xi32>, vector<16xi32>], vector<16xf32>,
      %broadcast_in_dim3A_276 = arith.constant 12 : i32
      %broadcast_in_dim3A_277 = vector.broadcast %broadcast_in_dim3A_276 : i32 to vector<16xi32>
      tpu.vector_store_idx %arg21[%add3A_185, %broadcast_in_dim3A_277], %gather3A_275 : memref<512x128xf32, #tpu.memory_space<vmem>>[vector<16xi32>, vector<16xi32>], vector<16xf32>,
      %broadcast_in_dim3A_278 = arith.constant 55 : i32
      %broadcast_in_dim3A_279 = vector.broadcast %broadcast_in_dim3A_278 : i32 to vector<16xi32>
      tpu.vector_store_idx %arg21[%add3A_185, %broadcast_in_dim3A_279], %gather3A_275 : memref<512x128xf32, #tpu.memory_space<vmem>>[vector<16xi32>, vector<16xi32>], vector<16xf32>,
      %broadcast_in_dim3A_280 = arith.constant 13 : i32
      %broadcast_in_dim3A_281 = vector.broadcast %broadcast_in_dim3A_280 : i32 to vector<16xi32>
      %gather3A_282 = tpu.vector_load_idx %arg16[%add3A_185, %broadcast_in_dim3A_281] : memref<512x48xf32, #tpu.memory_space<vmem>>[vector<16xi32>, vector<16xi32>], vector<16xf32>,
      %broadcast_in_dim3A_283 = arith.constant 13 : i32
      %broadcast_in_dim3A_284 = vector.broadcast %broadcast_in_dim3A_283 : i32 to vector<16xi32>
      tpu.vector_store_idx %arg21[%add3A_185, %broadcast_in_dim3A_284], %gather3A_282 : memref<512x128xf32, #tpu.memory_space<vmem>>[vector<16xi32>, vector<16xi32>], vector<16xf32>,
      %broadcast_in_dim3A_285 = arith.constant 56 : i32
      %broadcast_in_dim3A_286 = vector.broadcast %broadcast_in_dim3A_285 : i32 to vector<16xi32>
      tpu.vector_store_idx %arg21[%add3A_185, %broadcast_in_dim3A_286], %gather3A_282 : memref<512x128xf32, #tpu.memory_space<vmem>>[vector<16xi32>, vector<16xi32>], vector<16xf32>,
      %broadcast_in_dim3A_287 = arith.constant 14 : i32
      %broadcast_in_dim3A_288 = vector.broadcast %broadcast_in_dim3A_287 : i32 to vector<16xi32>
      %gather3A_289 = tpu.vector_load_idx %arg16[%add3A_185, %broadcast_in_dim3A_288] : memref<512x48xf32, #tpu.memory_space<vmem>>[vector<16xi32>, vector<16xi32>], vector<16xf32>,
      %broadcast_in_dim3A_290 = arith.constant 14 : i32
      %broadcast_in_dim3A_291 = vector.broadcast %broadcast_in_dim3A_290 : i32 to vector<16xi32>
      tpu.vector_store_idx %arg21[%add3A_185, %broadcast_in_dim3A_291], %gather3A_289 : memref<512x128xf32, #tpu.memory_space<vmem>>[vector<16xi32>, vector<16xi32>], vector<16xf32>,
      %broadcast_in_dim3A_292 = arith.constant 57 : i32
      %broadcast_in_dim3A_293 = vector.broadcast %broadcast_in_dim3A_292 : i32 to vector<16xi32>
      tpu.vector_store_idx %arg21[%add3A_185, %broadcast_in_dim3A_293], %gather3A_289 : memref<512x128xf32, #tpu.memory_space<vmem>>[vector<16xi32>, vector<16xi32>], vector<16xf32>,
      %broadcast_in_dim3A_294 = arith.constant 15 : i32
      %broadcast_in_dim3A_295 = vector.broadcast %broadcast_in_dim3A_294 : i32 to vector<16xi32>
      %gather3A_296 = tpu.vector_load_idx %arg16[%add3A_185, %broadcast_in_dim3A_295] : memref<512x48xf32, #tpu.memory_space<vmem>>[vector<16xi32>, vector<16xi32>], vector<16xf32>,
      %broadcast_in_dim3A_297 = arith.constant 15 : i32
      %broadcast_in_dim3A_298 = vector.broadcast %broadcast_in_dim3A_297 : i32 to vector<16xi32>
      tpu.vector_store_idx %arg21[%add3A_185, %broadcast_in_dim3A_298], %gather3A_296 : memref<512x128xf32, #tpu.memory_space<vmem>>[vector<16xi32>, vector<16xi32>], vector<16xf32>,
      %broadcast_in_dim3A_299 = arith.constant 58 : i32
      %broadcast_in_dim3A_300 = vector.broadcast %broadcast_in_dim3A_299 : i32 to vector<16xi32>
      tpu.vector_store_idx %arg21[%add3A_185, %broadcast_in_dim3A_300], %gather3A_296 : memref<512x128xf32, #tpu.memory_space<vmem>>[vector<16xi32>, vector<16xi32>], vector<16xf32>,
      %broadcast_in_dim3A_301 = arith.constant 16 : i32
      %broadcast_in_dim3A_302 = vector.broadcast %broadcast_in_dim3A_301 : i32 to vector<16xi32>
      %gather3A_303 = tpu.vector_load_idx %arg16[%add3A_185, %broadcast_in_dim3A_302] : memref<512x48xf32, #tpu.memory_space<vmem>>[vector<16xi32>, vector<16xi32>], vector<16xf32>,
      %broadcast_in_dim3A_304 = arith.constant 16 : i32
      %broadcast_in_dim3A_305 = vector.broadcast %broadcast_in_dim3A_304 : i32 to vector<16xi32>
      tpu.vector_store_idx %arg21[%add3A_185, %broadcast_in_dim3A_305], %gather3A_303 : memref<512x128xf32, #tpu.memory_space<vmem>>[vector<16xi32>, vector<16xi32>], vector<16xf32>,
      %broadcast_in_dim3A_306 = arith.constant 59 : i32
      %broadcast_in_dim3A_307 = vector.broadcast %broadcast_in_dim3A_306 : i32 to vector<16xi32>
      tpu.vector_store_idx %arg21[%add3A_185, %broadcast_in_dim3A_307], %gather3A_303 : memref<512x128xf32, #tpu.memory_space<vmem>>[vector<16xi32>, vector<16xi32>], vector<16xf32>,
      %broadcast_in_dim3A_308 = arith.constant 17 : i32
      %broadcast_in_dim3A_309 = vector.broadcast %broadcast_in_dim3A_308 : i32 to vector<16xi32>
      %gather3A_310 = tpu.vector_load_idx %arg16[%add3A_185, %broadcast_in_dim3A_309] : memref<512x48xf32, #tpu.memory_space<vmem>>[vector<16xi32>, vector<16xi32>], vector<16xf32>,
      %broadcast_in_dim3A_311 = arith.constant 17 : i32
      %broadcast_in_dim3A_312 = vector.broadcast %broadcast_in_dim3A_311 : i32 to vector<16xi32>
      tpu.vector_store_idx %arg21[%add3A_185, %broadcast_in_dim3A_312], %gather3A_310 : memref<512x128xf32, #tpu.memory_space<vmem>>[vector<16xi32>, vector<16xi32>], vector<16xf32>,
      %broadcast_in_dim3A_313 = arith.constant 60 : i32
      %broadcast_in_dim3A_314 = vector.broadcast %broadcast_in_dim3A_313 : i32 to vector<16xi32>
      tpu.vector_store_idx %arg21[%add3A_185, %broadcast_in_dim3A_314], %gather3A_310 : memref<512x128xf32, #tpu.memory_space<vmem>>[vector<16xi32>, vector<16xi32>], vector<16xf32>,
      %broadcast_in_dim3A_315 = arith.constant 18 : i32
      %broadcast_in_dim3A_316 = vector.broadcast %broadcast_in_dim3A_315 : i32 to vector<16xi32>
      %gather3A_317 = tpu.vector_load_idx %arg16[%add3A_185, %broadcast_in_dim3A_316] : memref<512x48xf32, #tpu.memory_space<vmem>>[vector<16xi32>, vector<16xi32>], vector<16xf32>,
      %broadcast_in_dim3A_318 = arith.constant 18 : i32
      %broadcast_in_dim3A_319 = vector.broadcast %broadcast_in_dim3A_318 : i32 to vector<16xi32>
      tpu.vector_store_idx %arg21[%add3A_185, %broadcast_in_dim3A_319], %gather3A_317 : memref<512x128xf32, #tpu.memory_space<vmem>>[vector<16xi32>, vector<16xi32>], vector<16xf32>,
      %broadcast_in_dim3A_320 = arith.constant 61 : i32
      %broadcast_in_dim3A_321 = vector.broadcast %broadcast_in_dim3A_320 : i32 to vector<16xi32>
      tpu.vector_store_idx %arg21[%add3A_185, %broadcast_in_dim3A_321], %gather3A_317 : memref<512x128xf32, #tpu.memory_space<vmem>>[vector<16xi32>, vector<16xi32>], vector<16xf32>,
      %broadcast_in_dim3A_322 = arith.constant 19 : i32
      %broadcast_in_dim3A_323 = vector.broadcast %broadcast_in_dim3A_322 : i32 to vector<16xi32>
      %gather3A_324 = tpu.vector_load_idx %arg16[%add3A_185, %broadcast_in_dim3A_323] : memref<512x48xf32, #tpu.memory_space<vmem>>[vector<16xi32>, vector<16xi32>], vector<16xf32>,
      %broadcast_in_dim3A_325 = arith.constant 19 : i32
      %broadcast_in_dim3A_326 = vector.broadcast %broadcast_in_dim3A_325 : i32 to vector<16xi32>
      tpu.vector_store_idx %arg21[%add3A_185, %broadcast_in_dim3A_326], %gather3A_324 : memref<512x128xf32, #tpu.memory_space<vmem>>[vector<16xi32>, vector<16xi32>], vector<16xf32>,
      %broadcast_in_dim3A_327 = arith.constant 62 : i32
      %broadcast_in_dim3A_328 = vector.broadcast %broadcast_in_dim3A_327 : i32 to vector<16xi32>
      tpu.vector_store_idx %arg21[%add3A_185, %broadcast_in_dim3A_328], %gather3A_324 : memref<512x128xf32, #tpu.memory_space<vmem>>[vector<16xi32>, vector<16xi32>], vector<16xf32>,
      %broadcast_in_dim3A_329 = arith.constant 20 : i32
      %broadcast_in_dim3A_330 = vector.broadcast %broadcast_in_dim3A_329 : i32 to vector<16xi32>
      %gather3A_331 = tpu.vector_load_idx %arg16[%add3A_185, %broadcast_in_dim3A_330] : memref<512x48xf32, #tpu.memory_space<vmem>>[vector<16xi32>, vector<16xi32>], vector<16xf32>,
      %broadcast_in_dim3A_332 = arith.constant 20 : i32
      %broadcast_in_dim3A_333 = vector.broadcast %broadcast_in_dim3A_332 : i32 to vector<16xi32>
      tpu.vector_store_idx %arg21[%add3A_185, %broadcast_in_dim3A_333], %gather3A_331 : memref<512x128xf32, #tpu.memory_space<vmem>>[vector<16xi32>, vector<16xi32>], vector<16xf32>,
      %broadcast_in_dim3A_334 = arith.constant 63 : i32
      %broadcast_in_dim3A_335 = vector.broadcast %broadcast_in_dim3A_334 : i32 to vector<16xi32>
      tpu.vector_store_idx %arg21[%add3A_185, %broadcast_in_dim3A_335], %gather3A_331 : memref<512x128xf32, #tpu.memory_space<vmem>>[vector<16xi32>, vector<16xi32>], vector<16xf32>,
      %broadcast_in_dim3A_336 = arith.constant 21 : i32
      %broadcast_in_dim3A_337 = vector.broadcast %broadcast_in_dim3A_336 : i32 to vector<16xi32>
      %gather3A_338 = tpu.vector_load_idx %arg16[%add3A_185, %broadcast_in_dim3A_337] : memref<512x48xf32, #tpu.memory_space<vmem>>[vector<16xi32>, vector<16xi32>], vector<16xf32>,
      %broadcast_in_dim3A_339 = arith.constant 21 : i32
      %broadcast_in_dim3A_340 = vector.broadcast %broadcast_in_dim3A_339 : i32 to vector<16xi32>
      tpu.vector_store_idx %arg21[%add3A_185, %broadcast_in_dim3A_340], %gather3A_338 : memref<512x128xf32, #tpu.memory_space<vmem>>[vector<16xi32>, vector<16xi32>], vector<16xf32>,
      %broadcast_in_dim3A_341 = arith.constant 64 : i32
      %broadcast_in_dim3A_342 = vector.broadcast %broadcast_in_dim3A_341 : i32 to vector<16xi32>
      tpu.vector_store_idx %arg21[%add3A_185, %broadcast_in_dim3A_342], %gather3A_338 : memref<512x128xf32, #tpu.memory_space<vmem>>[vector<16xi32>, vector<16xi32>], vector<16xf32>,
      %broadcast_in_dim3A_343 = arith.constant 22 : i32
      %broadcast_in_dim3A_344 = vector.broadcast %broadcast_in_dim3A_343 : i32 to vector<16xi32>
      %gather3A_345 = tpu.vector_load_idx %arg16[%add3A_185, %broadcast_in_dim3A_344] : memref<512x48xf32, #tpu.memory_space<vmem>>[vector<16xi32>, vector<16xi32>], vector<16xf32>,
      %broadcast_in_dim3A_346 = arith.constant 22 : i32
      %broadcast_in_dim3A_347 = vector.broadcast %broadcast_in_dim3A_346 : i32 to vector<16xi32>
      tpu.vector_store_idx %arg21[%add3A_185, %broadcast_in_dim3A_347], %gather3A_345 : memref<512x128xf32, #tpu.memory_space<vmem>>[vector<16xi32>, vector<16xi32>], vector<16xf32>,
      %broadcast_in_dim3A_348 = arith.constant 65 : i32
      %broadcast_in_dim3A_349 = vector.broadcast %broadcast_in_dim3A_348 : i32 to vector<16xi32>
      tpu.vector_store_idx %arg21[%add3A_185, %broadcast_in_dim3A_349], %gather3A_345 : memref<512x128xf32, #tpu.memory_space<vmem>>[vector<16xi32>, vector<16xi32>], vector<16xf32>,
      %broadcast_in_dim3A_350 = arith.constant 23 : i32
      %broadcast_in_dim3A_351 = vector.broadcast %broadcast_in_dim3A_350 : i32 to vector<16xi32>
      %gather3A_352 = tpu.vector_load_idx %arg16[%add3A_185, %broadcast_in_dim3A_351] : memref<512x48xf32, #tpu.memory_space<vmem>>[vector<16xi32>, vector<16xi32>], vector<16xf32>,
      %broadcast_in_dim3A_353 = arith.constant 23 : i32
      %broadcast_in_dim3A_354 = vector.broadcast %broadcast_in_dim3A_353 : i32 to vector<16xi32>
      tpu.vector_store_idx %arg21[%add3A_185, %broadcast_in_dim3A_354], %gather3A_352 : memref<512x128xf32, #tpu.memory_space<vmem>>[vector<16xi32>, vector<16xi32>], vector<16xf32>,
      %broadcast_in_dim3A_355 = arith.constant 66 : i32
      %broadcast_in_dim3A_356 = vector.broadcast %broadcast_in_dim3A_355 : i32 to vector<16xi32>
      tpu.vector_store_idx %arg21[%add3A_185, %broadcast_in_dim3A_356], %gather3A_352 : memref<512x128xf32, #tpu.memory_space<vmem>>[vector<16xi32>, vector<16xi32>], vector<16xf32>,
      %broadcast_in_dim3A_357 = arith.constant 24 : i32
      %broadcast_in_dim3A_358 = vector.broadcast %broadcast_in_dim3A_357 : i32 to vector<16xi32>
      %gather3A_359 = tpu.vector_load_idx %arg16[%add3A_185, %broadcast_in_dim3A_358] : memref<512x48xf32, #tpu.memory_space<vmem>>[vector<16xi32>, vector<16xi32>], vector<16xf32>,
      %broadcast_in_dim3A_360 = arith.constant 24 : i32
      %broadcast_in_dim3A_361 = vector.broadcast %broadcast_in_dim3A_360 : i32 to vector<16xi32>
      tpu.vector_store_idx %arg21[%add3A_185, %broadcast_in_dim3A_361], %gather3A_359 : memref<512x128xf32, #tpu.memory_space<vmem>>[vector<16xi32>, vector<16xi32>], vector<16xf32>,
      %broadcast_in_dim3A_362 = arith.constant 67 : i32
      %broadcast_in_dim3A_363 = vector.broadcast %broadcast_in_dim3A_362 : i32 to vector<16xi32>
      tpu.vector_store_idx %arg21[%add3A_185, %broadcast_in_dim3A_363], %gather3A_359 : memref<512x128xf32, #tpu.memory_space<vmem>>[vector<16xi32>, vector<16xi32>], vector<16xf32>,
      %broadcast_in_dim3A_364 = arith.constant 25 : i32
      %broadcast_in_dim3A_365 = vector.broadcast %broadcast_in_dim3A_364 : i32 to vector<16xi32>
      %gather3A_366 = tpu.vector_load_idx %arg16[%add3A_185, %broadcast_in_dim3A_365] : memref<512x48xf32, #tpu.memory_space<vmem>>[vector<16xi32>, vector<16xi32>], vector<16xf32>,
      %broadcast_in_dim3A_367 = arith.constant 25 : i32
      %broadcast_in_dim3A_368 = vector.broadcast %broadcast_in_dim3A_367 : i32 to vector<16xi32>
      tpu.vector_store_idx %arg21[%add3A_185, %broadcast_in_dim3A_368], %gather3A_366 : memref<512x128xf32, #tpu.memory_space<vmem>>[vector<16xi32>, vector<16xi32>], vector<16xf32>,
      %broadcast_in_dim3A_369 = arith.constant 68 : i32
      %broadcast_in_dim3A_370 = vector.broadcast %broadcast_in_dim3A_369 : i32 to vector<16xi32>
      tpu.vector_store_idx %arg21[%add3A_185, %broadcast_in_dim3A_370], %gather3A_366 : memref<512x128xf32, #tpu.memory_space<vmem>>[vector<16xi32>, vector<16xi32>], vector<16xf32>,
      %broadcast_in_dim3A_371 = arith.constant 26 : i32
      %broadcast_in_dim3A_372 = vector.broadcast %broadcast_in_dim3A_371 : i32 to vector<16xi32>
      %gather3A_373 = tpu.vector_load_idx %arg16[%add3A_185, %broadcast_in_dim3A_372] : memref<512x48xf32, #tpu.memory_space<vmem>>[vector<16xi32>, vector<16xi32>], vector<16xf32>,
      %broadcast_in_dim3A_374 = arith.constant 26 : i32
      %broadcast_in_dim3A_375 = vector.broadcast %broadcast_in_dim3A_374 : i32 to vector<16xi32>
      tpu.vector_store_idx %arg21[%add3A_185, %broadcast_in_dim3A_375], %gather3A_373 : memref<512x128xf32, #tpu.memory_space<vmem>>[vector<16xi32>, vector<16xi32>], vector<16xf32>,
      %broadcast_in_dim3A_376 = arith.constant 69 : i32
      %broadcast_in_dim3A_377 = vector.broadcast %broadcast_in_dim3A_376 : i32 to vector<16xi32>
      tpu.vector_store_idx %arg21[%add3A_185, %broadcast_in_dim3A_377], %gather3A_373 : memref<512x128xf32, #tpu.memory_space<vmem>>[vector<16xi32>, vector<16xi32>], vector<16xf32>,
      %broadcast_in_dim3A_378 = arith.constant 27 : i32
      %broadcast_in_dim3A_379 = vector.broadcast %broadcast_in_dim3A_378 : i32 to vector<16xi32>
      %gather3A_380 = tpu.vector_load_idx %arg16[%add3A_185, %broadcast_in_dim3A_379] : memref<512x48xf32, #tpu.memory_space<vmem>>[vector<16xi32>, vector<16xi32>], vector<16xf32>,
      %broadcast_in_dim3A_381 = arith.constant 27 : i32
      %broadcast_in_dim3A_382 = vector.broadcast %broadcast_in_dim3A_381 : i32 to vector<16xi32>
      tpu.vector_store_idx %arg21[%add3A_185, %broadcast_in_dim3A_382], %gather3A_380 : memref<512x128xf32, #tpu.memory_space<vmem>>[vector<16xi32>, vector<16xi32>], vector<16xf32>,
      %broadcast_in_dim3A_383 = arith.constant 70 : i32
      %broadcast_in_dim3A_384 = vector.broadcast %broadcast_in_dim3A_383 : i32 to vector<16xi32>
      tpu.vector_store_idx %arg21[%add3A_185, %broadcast_in_dim3A_384], %gather3A_380 : memref<512x128xf32, #tpu.memory_space<vmem>>[vector<16xi32>, vector<16xi32>], vector<16xf32>,
      %broadcast_in_dim3A_385 = arith.constant 28 : i32
      %broadcast_in_dim3A_386 = vector.broadcast %broadcast_in_dim3A_385 : i32 to vector<16xi32>
      %gather3A_387 = tpu.vector_load_idx %arg16[%add3A_185, %broadcast_in_dim3A_386] : memref<512x48xf32, #tpu.memory_space<vmem>>[vector<16xi32>, vector<16xi32>], vector<16xf32>,
      %broadcast_in_dim3A_388 = arith.constant 28 : i32
      %broadcast_in_dim3A_389 = vector.broadcast %broadcast_in_dim3A_388 : i32 to vector<16xi32>
      tpu.vector_store_idx %arg21[%add3A_185, %broadcast_in_dim3A_389], %gather3A_387 : memref<512x128xf32, #tpu.memory_space<vmem>>[vector<16xi32>, vector<16xi32>], vector<16xf32>,
      %broadcast_in_dim3A_390 = arith.constant 71 : i32
      %broadcast_in_dim3A_391 = vector.broadcast %broadcast_in_dim3A_390 : i32 to vector<16xi32>
      tpu.vector_store_idx %arg21[%add3A_185, %broadcast_in_dim3A_391], %gather3A_387 : memref<512x128xf32, #tpu.memory_space<vmem>>[vector<16xi32>, vector<16xi32>], vector<16xf32>,
      %broadcast_in_dim3A_392 = arith.constant 29 : i32
      %broadcast_in_dim3A_393 = vector.broadcast %broadcast_in_dim3A_392 : i32 to vector<16xi32>
      %gather3A_394 = tpu.vector_load_idx %arg16[%add3A_185, %broadcast_in_dim3A_393] : memref<512x48xf32, #tpu.memory_space<vmem>>[vector<16xi32>, vector<16xi32>], vector<16xf32>,
      %broadcast_in_dim3A_395 = arith.constant 29 : i32
      %broadcast_in_dim3A_396 = vector.broadcast %broadcast_in_dim3A_395 : i32 to vector<16xi32>
      tpu.vector_store_idx %arg21[%add3A_185, %broadcast_in_dim3A_396], %gather3A_394 : memref<512x128xf32, #tpu.memory_space<vmem>>[vector<16xi32>, vector<16xi32>], vector<16xf32>,
      %broadcast_in_dim3A_397 = arith.constant 72 : i32
      %broadcast_in_dim3A_398 = vector.broadcast %broadcast_in_dim3A_397 : i32 to vector<16xi32>
      tpu.vector_store_idx %arg21[%add3A_185, %broadcast_in_dim3A_398], %gather3A_394 : memref<512x128xf32, #tpu.memory_space<vmem>>[vector<16xi32>, vector<16xi32>], vector<16xf32>,
      %broadcast_in_dim3A_399 = arith.constant 30 : i32
      %broadcast_in_dim3A_400 = vector.broadcast %broadcast_in_dim3A_399 : i32 to vector<16xi32>
      %gather3A_401 = tpu.vector_load_idx %arg16[%add3A_185, %broadcast_in_dim3A_400] : memref<512x48xf32, #tpu.memory_space<vmem>>[vector<16xi32>, vector<16xi32>], vector<16xf32>,
      %broadcast_in_dim3A_402 = arith.constant 30 : i32
      %broadcast_in_dim3A_403 = vector.broadcast %broadcast_in_dim3A_402 : i32 to vector<16xi32>
      tpu.vector_store_idx %arg21[%add3A_185, %broadcast_in_dim3A_403], %gather3A_401 : memref<512x128xf32, #tpu.memory_space<vmem>>[vector<16xi32>, vector<16xi32>], vector<16xf32>,
      %broadcast_in_dim3A_404 = arith.constant 73 : i32
      %broadcast_in_dim3A_405 = vector.broadcast %broadcast_in_dim3A_404 : i32 to vector<16xi32>
      tpu.vector_store_idx %arg21[%add3A_185, %broadcast_in_dim3A_405], %gather3A_401 : memref<512x128xf32, #tpu.memory_space<vmem>>[vector<16xi32>, vector<16xi32>], vector<16xf32>,
      %broadcast_in_dim3A_406 = arith.constant 31 : i32
      %broadcast_in_dim3A_407 = vector.broadcast %broadcast_in_dim3A_406 : i32 to vector<16xi32>
      %gather3A_408 = tpu.vector_load_idx %arg16[%add3A_185, %broadcast_in_dim3A_407] : memref<512x48xf32, #tpu.memory_space<vmem>>[vector<16xi32>, vector<16xi32>], vector<16xf32>,
      %broadcast_in_dim3A_409 = arith.constant 31 : i32
      %broadcast_in_dim3A_410 = vector.broadcast %broadcast_in_dim3A_409 : i32 to vector<16xi32>
      tpu.vector_store_idx %arg21[%add3A_185, %broadcast_in_dim3A_410], %gather3A_408 : memref<512x128xf32, #tpu.memory_space<vmem>>[vector<16xi32>, vector<16xi32>], vector<16xf32>,
      %broadcast_in_dim3A_411 = arith.constant 74 : i32
      %broadcast_in_dim3A_412 = vector.broadcast %broadcast_in_dim3A_411 : i32 to vector<16xi32>
      tpu.vector_store_idx %arg21[%add3A_185, %broadcast_in_dim3A_412], %gather3A_408 : memref<512x128xf32, #tpu.memory_space<vmem>>[vector<16xi32>, vector<16xi32>], vector<16xf32>,
      %broadcast_in_dim3A_413 = arith.constant 32 : i32
      %broadcast_in_dim3A_414 = vector.broadcast %broadcast_in_dim3A_413 : i32 to vector<16xi32>
      %gather3A_415 = tpu.vector_load_idx %arg16[%add3A_185, %broadcast_in_dim3A_414] : memref<512x48xf32, #tpu.memory_space<vmem>>[vector<16xi32>, vector<16xi32>], vector<16xf32>,
      %broadcast_in_dim3A_416 = arith.constant 32 : i32
      %broadcast_in_dim3A_417 = vector.broadcast %broadcast_in_dim3A_416 : i32 to vector<16xi32>
      tpu.vector_store_idx %arg21[%add3A_185, %broadcast_in_dim3A_417], %gather3A_415 : memref<512x128xf32, #tpu.memory_space<vmem>>[vector<16xi32>, vector<16xi32>], vector<16xf32>,
      %broadcast_in_dim3A_418 = arith.constant 75 : i32
      %broadcast_in_dim3A_419 = vector.broadcast %broadcast_in_dim3A_418 : i32 to vector<16xi32>
      tpu.vector_store_idx %arg21[%add3A_185, %broadcast_in_dim3A_419], %gather3A_415 : memref<512x128xf32, #tpu.memory_space<vmem>>[vector<16xi32>, vector<16xi32>], vector<16xf32>,
      %broadcast_in_dim3A_420 = arith.constant 33 : i32
      %broadcast_in_dim3A_421 = vector.broadcast %broadcast_in_dim3A_420 : i32 to vector<16xi32>
      %gather3A_422 = tpu.vector_load_idx %arg16[%add3A_185, %broadcast_in_dim3A_421] : memref<512x48xf32, #tpu.memory_space<vmem>>[vector<16xi32>, vector<16xi32>], vector<16xf32>,
      %broadcast_in_dim3A_423 = arith.constant 33 : i32
      %broadcast_in_dim3A_424 = vector.broadcast %broadcast_in_dim3A_423 : i32 to vector<16xi32>
      tpu.vector_store_idx %arg21[%add3A_185, %broadcast_in_dim3A_424], %gather3A_422 : memref<512x128xf32, #tpu.memory_space<vmem>>[vector<16xi32>, vector<16xi32>], vector<16xf32>,
      %broadcast_in_dim3A_425 = arith.constant 76 : i32
      %broadcast_in_dim3A_426 = vector.broadcast %broadcast_in_dim3A_425 : i32 to vector<16xi32>
      tpu.vector_store_idx %arg21[%add3A_185, %broadcast_in_dim3A_426], %gather3A_422 : memref<512x128xf32, #tpu.memory_space<vmem>>[vector<16xi32>, vector<16xi32>], vector<16xf32>,
      %broadcast_in_dim3A_427 = arith.constant 34 : i32
      %broadcast_in_dim3A_428 = vector.broadcast %broadcast_in_dim3A_427 : i32 to vector<16xi32>
      %gather3A_429 = tpu.vector_load_idx %arg16[%add3A_185, %broadcast_in_dim3A_428] : memref<512x48xf32, #tpu.memory_space<vmem>>[vector<16xi32>, vector<16xi32>], vector<16xf32>,
      %broadcast_in_dim3A_430 = arith.constant 34 : i32
      %broadcast_in_dim3A_431 = vector.broadcast %broadcast_in_dim3A_430 : i32 to vector<16xi32>
      tpu.vector_store_idx %arg21[%add3A_185, %broadcast_in_dim3A_431], %gather3A_429 : memref<512x128xf32, #tpu.memory_space<vmem>>[vector<16xi32>, vector<16xi32>], vector<16xf32>,
      %broadcast_in_dim3A_432 = arith.constant 77 : i32
      %broadcast_in_dim3A_433 = vector.broadcast %broadcast_in_dim3A_432 : i32 to vector<16xi32>
      tpu.vector_store_idx %arg21[%add3A_185, %broadcast_in_dim3A_433], %gather3A_429 : memref<512x128xf32, #tpu.memory_space<vmem>>[vector<16xi32>, vector<16xi32>], vector<16xf32>,
      %broadcast_in_dim3A_434 = arith.constant 35 : i32
      %broadcast_in_dim3A_435 = vector.broadcast %broadcast_in_dim3A_434 : i32 to vector<16xi32>
      %gather3A_436 = tpu.vector_load_idx %arg16[%add3A_185, %broadcast_in_dim3A_435] : memref<512x48xf32, #tpu.memory_space<vmem>>[vector<16xi32>, vector<16xi32>], vector<16xf32>,
      %broadcast_in_dim3A_437 = arith.constant 35 : i32
      %broadcast_in_dim3A_438 = vector.broadcast %broadcast_in_dim3A_437 : i32 to vector<16xi32>
      tpu.vector_store_idx %arg21[%add3A_185, %broadcast_in_dim3A_438], %gather3A_436 : memref<512x128xf32, #tpu.memory_space<vmem>>[vector<16xi32>, vector<16xi32>], vector<16xf32>,
      %broadcast_in_dim3A_439 = arith.constant 78 : i32
      %broadcast_in_dim3A_440 = vector.broadcast %broadcast_in_dim3A_439 : i32 to vector<16xi32>
      tpu.vector_store_idx %arg21[%add3A_185, %broadcast_in_dim3A_440], %gather3A_436 : memref<512x128xf32, #tpu.memory_space<vmem>>[vector<16xi32>, vector<16xi32>], vector<16xf32>,
      %broadcast_in_dim3A_441 = arith.constant 36 : i32
      %broadcast_in_dim3A_442 = vector.broadcast %broadcast_in_dim3A_441 : i32 to vector<16xi32>
      %gather3A_443 = tpu.vector_load_idx %arg16[%add3A_185, %broadcast_in_dim3A_442] : memref<512x48xf32, #tpu.memory_space<vmem>>[vector<16xi32>, vector<16xi32>], vector<16xf32>,
      %broadcast_in_dim3A_444 = arith.constant 36 : i32
      %broadcast_in_dim3A_445 = vector.broadcast %broadcast_in_dim3A_444 : i32 to vector<16xi32>
      tpu.vector_store_idx %arg21[%add3A_185, %broadcast_in_dim3A_445], %gather3A_443 : memref<512x128xf32, #tpu.memory_space<vmem>>[vector<16xi32>, vector<16xi32>], vector<16xf32>,
      %broadcast_in_dim3A_446 = arith.constant 79 : i32
      %broadcast_in_dim3A_447 = vector.broadcast %broadcast_in_dim3A_446 : i32 to vector<16xi32>
      tpu.vector_store_idx %arg21[%add3A_185, %broadcast_in_dim3A_447], %gather3A_443 : memref<512x128xf32, #tpu.memory_space<vmem>>[vector<16xi32>, vector<16xi32>], vector<16xf32>,
      %broadcast_in_dim3A_448 = arith.constant 37 : i32
      %broadcast_in_dim3A_449 = vector.broadcast %broadcast_in_dim3A_448 : i32 to vector<16xi32>
      %gather3A_450 = tpu.vector_load_idx %arg16[%add3A_185, %broadcast_in_dim3A_449] : memref<512x48xf32, #tpu.memory_space<vmem>>[vector<16xi32>, vector<16xi32>], vector<16xf32>,
      %broadcast_in_dim3A_451 = arith.constant 37 : i32
      %broadcast_in_dim3A_452 = vector.broadcast %broadcast_in_dim3A_451 : i32 to vector<16xi32>
      tpu.vector_store_idx %arg21[%add3A_185, %broadcast_in_dim3A_452], %gather3A_450 : memref<512x128xf32, #tpu.memory_space<vmem>>[vector<16xi32>, vector<16xi32>], vector<16xf32>,
      %broadcast_in_dim3A_453 = arith.constant 80 : i32
      %broadcast_in_dim3A_454 = vector.broadcast %broadcast_in_dim3A_453 : i32 to vector<16xi32>
      tpu.vector_store_idx %arg21[%add3A_185, %broadcast_in_dim3A_454], %gather3A_450 : memref<512x128xf32, #tpu.memory_space<vmem>>[vector<16xi32>, vector<16xi32>], vector<16xf32>,
      %broadcast_in_dim3A_455 = arith.constant 38 : i32
      %broadcast_in_dim3A_456 = vector.broadcast %broadcast_in_dim3A_455 : i32 to vector<16xi32>
      %gather3A_457 = tpu.vector_load_idx %arg16[%add3A_185, %broadcast_in_dim3A_456] : memref<512x48xf32, #tpu.memory_space<vmem>>[vector<16xi32>, vector<16xi32>], vector<16xf32>,
      %broadcast_in_dim3A_458 = arith.constant 38 : i32
      %broadcast_in_dim3A_459 = vector.broadcast %broadcast_in_dim3A_458 : i32 to vector<16xi32>
      tpu.vector_store_idx %arg21[%add3A_185, %broadcast_in_dim3A_459], %gather3A_457 : memref<512x128xf32, #tpu.memory_space<vmem>>[vector<16xi32>, vector<16xi32>], vector<16xf32>,
      %broadcast_in_dim3A_460 = arith.constant 81 : i32
      %broadcast_in_dim3A_461 = vector.broadcast %broadcast_in_dim3A_460 : i32 to vector<16xi32>
      tpu.vector_store_idx %arg21[%add3A_185, %broadcast_in_dim3A_461], %gather3A_457 : memref<512x128xf32, #tpu.memory_space<vmem>>[vector<16xi32>, vector<16xi32>], vector<16xf32>,
      %broadcast_in_dim3A_462 = arith.constant 39 : i32
      %broadcast_in_dim3A_463 = vector.broadcast %broadcast_in_dim3A_462 : i32 to vector<16xi32>
      %gather3A_464 = tpu.vector_load_idx %arg16[%add3A_185, %broadcast_in_dim3A_463] : memref<512x48xf32, #tpu.memory_space<vmem>>[vector<16xi32>, vector<16xi32>], vector<16xf32>,
      %broadcast_in_dim3A_465 = arith.constant 39 : i32
      %broadcast_in_dim3A_466 = vector.broadcast %broadcast_in_dim3A_465 : i32 to vector<16xi32>
      tpu.vector_store_idx %arg21[%add3A_185, %broadcast_in_dim3A_466], %gather3A_464 : memref<512x128xf32, #tpu.memory_space<vmem>>[vector<16xi32>, vector<16xi32>], vector<16xf32>,
      %broadcast_in_dim3A_467 = arith.constant 82 : i32
      %broadcast_in_dim3A_468 = vector.broadcast %broadcast_in_dim3A_467 : i32 to vector<16xi32>
      tpu.vector_store_idx %arg21[%add3A_185, %broadcast_in_dim3A_468], %gather3A_464 : memref<512x128xf32, #tpu.memory_space<vmem>>[vector<16xi32>, vector<16xi32>], vector<16xf32>,
      %broadcast_in_dim3A_469 = arith.constant 40 : i32
      %broadcast_in_dim3A_470 = vector.broadcast %broadcast_in_dim3A_469 : i32 to vector<16xi32>
      %gather3A_471 = tpu.vector_load_idx %arg16[%add3A_185, %broadcast_in_dim3A_470] : memref<512x48xf32, #tpu.memory_space<vmem>>[vector<16xi32>, vector<16xi32>], vector<16xf32>,
      %broadcast_in_dim3A_472 = arith.constant 40 : i32
      %broadcast_in_dim3A_473 = vector.broadcast %broadcast_in_dim3A_472 : i32 to vector<16xi32>
      tpu.vector_store_idx %arg21[%add3A_185, %broadcast_in_dim3A_473], %gather3A_471 : memref<512x128xf32, #tpu.memory_space<vmem>>[vector<16xi32>, vector<16xi32>], vector<16xf32>,
      %broadcast_in_dim3A_474 = arith.constant 83 : i32
      %broadcast_in_dim3A_475 = vector.broadcast %broadcast_in_dim3A_474 : i32 to vector<16xi32>
      tpu.vector_store_idx %arg21[%add3A_185, %broadcast_in_dim3A_475], %gather3A_471 : memref<512x128xf32, #tpu.memory_space<vmem>>[vector<16xi32>, vector<16xi32>], vector<16xf32>,
      %broadcast_in_dim3A_476 = arith.constant 41 : i32
      %broadcast_in_dim3A_477 = vector.broadcast %broadcast_in_dim3A_476 : i32 to vector<16xi32>
      %gather3A_478 = tpu.vector_load_idx %arg16[%add3A_185, %broadcast_in_dim3A_477] : memref<512x48xf32, #tpu.memory_space<vmem>>[vector<16xi32>, vector<16xi32>], vector<16xf32>,
      %broadcast_in_dim3A_479 = arith.constant 41 : i32
      %broadcast_in_dim3A_480 = vector.broadcast %broadcast_in_dim3A_479 : i32 to vector<16xi32>
      tpu.vector_store_idx %arg21[%add3A_185, %broadcast_in_dim3A_480], %gather3A_478 : memref<512x128xf32, #tpu.memory_space<vmem>>[vector<16xi32>, vector<16xi32>], vector<16xf32>,
      %broadcast_in_dim3A_481 = arith.constant 84 : i32
      %broadcast_in_dim3A_482 = vector.broadcast %broadcast_in_dim3A_481 : i32 to vector<16xi32>
      tpu.vector_store_idx %arg21[%add3A_185, %broadcast_in_dim3A_482], %gather3A_478 : memref<512x128xf32, #tpu.memory_space<vmem>>[vector<16xi32>, vector<16xi32>], vector<16xf32>,
      %broadcast_in_dim3A_483 = arith.constant 42 : i32
      %broadcast_in_dim3A_484 = vector.broadcast %broadcast_in_dim3A_483 : i32 to vector<16xi32>
      %gather3A_485 = tpu.vector_load_idx %arg16[%add3A_185, %broadcast_in_dim3A_484] : memref<512x48xf32, #tpu.memory_space<vmem>>[vector<16xi32>, vector<16xi32>], vector<16xf32>,
      %broadcast_in_dim3A_486 = arith.constant 42 : i32
      %broadcast_in_dim3A_487 = vector.broadcast %broadcast_in_dim3A_486 : i32 to vector<16xi32>
      tpu.vector_store_idx %arg21[%add3A_185, %broadcast_in_dim3A_487], %gather3A_485 : memref<512x128xf32, #tpu.memory_space<vmem>>[vector<16xi32>, vector<16xi32>], vector<16xf32>,
      %broadcast_in_dim3A_488 = arith.constant 85 : i32
      %broadcast_in_dim3A_489 = vector.broadcast %broadcast_in_dim3A_488 : i32 to vector<16xi32>
      tpu.vector_store_idx %arg21[%add3A_185, %broadcast_in_dim3A_489], %gather3A_485 : memref<512x128xf32, #tpu.memory_space<vmem>>[vector<16xi32>, vector<16xi32>], vector<16xf32>,
      %broadcast_in_dim3A_490 = arith.constant 0 : i32
      %broadcast_in_dim3A_491 = vector.broadcast %broadcast_in_dim3A_490 : i32 to vector<16xi32>
      %gather3A_492 = tpu.vector_load_idx %arg17[%get3A_187, %broadcast_in_dim3A_491] : memref<256x10xf32, #tpu.memory_space<vmem>>[vector<16xi32>, vector<16xi32>], vector<16xf32>,
      %broadcast_in_dim3A_493 = arith.constant 86 : i32
      %broadcast_in_dim3A_494 = vector.broadcast %broadcast_in_dim3A_493 : i32 to vector<16xi32>
      tpu.vector_store_idx %arg21[%add3A_185, %broadcast_in_dim3A_494], %gather3A_492 : memref<512x128xf32, #tpu.memory_space<vmem>>[vector<16xi32>, vector<16xi32>], vector<16xf32>,
      %broadcast_in_dim3A_495 = arith.constant 96 : i32
      %broadcast_in_dim3A_496 = vector.broadcast %broadcast_in_dim3A_495 : i32 to vector<16xi32>
      tpu.vector_store_idx %arg21[%add3A_185, %broadcast_in_dim3A_496], %gather3A_492 : memref<512x128xf32, #tpu.memory_space<vmem>>[vector<16xi32>, vector<16xi32>], vector<16xf32>,
      %broadcast_in_dim3A_497 = arith.constant 1 : i32
      %broadcast_in_dim3A_498 = vector.broadcast %broadcast_in_dim3A_497 : i32 to vector<16xi32>
      %gather3A_499 = tpu.vector_load_idx %arg17[%get3A_187, %broadcast_in_dim3A_498] : memref<256x10xf32, #tpu.memory_space<vmem>>[vector<16xi32>, vector<16xi32>], vector<16xf32>,
      %broadcast_in_dim3A_500 = arith.constant 87 : i32
      %broadcast_in_dim3A_501 = vector.broadcast %broadcast_in_dim3A_500 : i32 to vector<16xi32>
      tpu.vector_store_idx %arg21[%add3A_185, %broadcast_in_dim3A_501], %gather3A_499 : memref<512x128xf32, #tpu.memory_space<vmem>>[vector<16xi32>, vector<16xi32>], vector<16xf32>,
      %broadcast_in_dim3A_502 = arith.constant 97 : i32
      %broadcast_in_dim3A_503 = vector.broadcast %broadcast_in_dim3A_502 : i32 to vector<16xi32>
      tpu.vector_store_idx %arg21[%add3A_185, %broadcast_in_dim3A_503], %gather3A_499 : memref<512x128xf32, #tpu.memory_space<vmem>>[vector<16xi32>, vector<16xi32>], vector<16xf32>,
      %broadcast_in_dim3A_504 = arith.constant 2 : i32
      %broadcast_in_dim3A_505 = vector.broadcast %broadcast_in_dim3A_504 : i32 to vector<16xi32>
      %gather3A_506 = tpu.vector_load_idx %arg17[%get3A_187, %broadcast_in_dim3A_505] : memref<256x10xf32, #tpu.memory_space<vmem>>[vector<16xi32>, vector<16xi32>], vector<16xf32>,
      %broadcast_in_dim3A_507 = arith.constant 88 : i32
      %broadcast_in_dim3A_508 = vector.broadcast %broadcast_in_dim3A_507 : i32 to vector<16xi32>
      tpu.vector_store_idx %arg21[%add3A_185, %broadcast_in_dim3A_508], %gather3A_506 : memref<512x128xf32, #tpu.memory_space<vmem>>[vector<16xi32>, vector<16xi32>], vector<16xf32>,
      %broadcast_in_dim3A_509 = arith.constant 98 : i32
      %broadcast_in_dim3A_510 = vector.broadcast %broadcast_in_dim3A_509 : i32 to vector<16xi32>
      tpu.vector_store_idx %arg21[%add3A_185, %broadcast_in_dim3A_510], %gather3A_506 : memref<512x128xf32, #tpu.memory_space<vmem>>[vector<16xi32>, vector<16xi32>], vector<16xf32>,
      %broadcast_in_dim3A_511 = arith.constant 3 : i32
      %broadcast_in_dim3A_512 = vector.broadcast %broadcast_in_dim3A_511 : i32 to vector<16xi32>
      %gather3A_513 = tpu.vector_load_idx %arg17[%get3A_187, %broadcast_in_dim3A_512] : memref<256x10xf32, #tpu.memory_space<vmem>>[vector<16xi32>, vector<16xi32>], vector<16xf32>,
      %broadcast_in_dim3A_514 = arith.constant 89 : i32
      %broadcast_in_dim3A_515 = vector.broadcast %broadcast_in_dim3A_514 : i32 to vector<16xi32>
      tpu.vector_store_idx %arg21[%add3A_185, %broadcast_in_dim3A_515], %gather3A_513 : memref<512x128xf32, #tpu.memory_space<vmem>>[vector<16xi32>, vector<16xi32>], vector<16xf32>,
      %broadcast_in_dim3A_516 = arith.constant 99 : i32
      %broadcast_in_dim3A_517 = vector.broadcast %broadcast_in_dim3A_516 : i32 to vector<16xi32>
      tpu.vector_store_idx %arg21[%add3A_185, %broadcast_in_dim3A_517], %gather3A_513 : memref<512x128xf32, #tpu.memory_space<vmem>>[vector<16xi32>, vector<16xi32>], vector<16xf32>,
      %broadcast_in_dim3A_518 = arith.constant 4 : i32
      %broadcast_in_dim3A_519 = vector.broadcast %broadcast_in_dim3A_518 : i32 to vector<16xi32>
      %gather3A_520 = tpu.vector_load_idx %arg17[%get3A_187, %broadcast_in_dim3A_519] : memref<256x10xf32, #tpu.memory_space<vmem>>[vector<16xi32>, vector<16xi32>], vector<16xf32>,
      %broadcast_in_dim3A_521 = arith.constant 90 : i32
      %broadcast_in_dim3A_522 = vector.broadcast %broadcast_in_dim3A_521 : i32 to vector<16xi32>
      tpu.vector_store_idx %arg21[%add3A_185, %broadcast_in_dim3A_522], %gather3A_520 : memref<512x128xf32, #tpu.memory_space<vmem>>[vector<16xi32>, vector<16xi32>], vector<16xf32>,
      %broadcast_in_dim3A_523 = arith.constant 100 : i32
      %broadcast_in_dim3A_524 = vector.broadcast %broadcast_in_dim3A_523 : i32 to vector<16xi32>
      tpu.vector_store_idx %arg21[%add3A_185, %broadcast_in_dim3A_524], %gather3A_520 : memref<512x128xf32, #tpu.memory_space<vmem>>[vector<16xi32>, vector<16xi32>], vector<16xf32>,
      %broadcast_in_dim3A_525 = arith.constant 5 : i32
      %broadcast_in_dim3A_526 = vector.broadcast %broadcast_in_dim3A_525 : i32 to vector<16xi32>
      %gather3A_527 = tpu.vector_load_idx %arg17[%get3A_187, %broadcast_in_dim3A_526] : memref<256x10xf32, #tpu.memory_space<vmem>>[vector<16xi32>, vector<16xi32>], vector<16xf32>,
      %broadcast_in_dim3A_528 = arith.constant 91 : i32
      %broadcast_in_dim3A_529 = vector.broadcast %broadcast_in_dim3A_528 : i32 to vector<16xi32>
      tpu.vector_store_idx %arg21[%add3A_185, %broadcast_in_dim3A_529], %gather3A_527 : memref<512x128xf32, #tpu.memory_space<vmem>>[vector<16xi32>, vector<16xi32>], vector<16xf32>,
      %broadcast_in_dim3A_530 = arith.constant 101 : i32
      %broadcast_in_dim3A_531 = vector.broadcast %broadcast_in_dim3A_530 : i32 to vector<16xi32>
      tpu.vector_store_idx %arg21[%add3A_185, %broadcast_in_dim3A_531], %gather3A_527 : memref<512x128xf32, #tpu.memory_space<vmem>>[vector<16xi32>, vector<16xi32>], vector<16xf32>,
      %broadcast_in_dim3A_532 = arith.constant 6 : i32
      %broadcast_in_dim3A_533 = vector.broadcast %broadcast_in_dim3A_532 : i32 to vector<16xi32>
      %gather3A_534 = tpu.vector_load_idx %arg17[%get3A_187, %broadcast_in_dim3A_533] : memref<256x10xf32, #tpu.memory_space<vmem>>[vector<16xi32>, vector<16xi32>], vector<16xf32>,
      %broadcast_in_dim3A_535 = arith.constant 92 : i32
      %broadcast_in_dim3A_536 = vector.broadcast %broadcast_in_dim3A_535 : i32 to vector<16xi32>
      tpu.vector_store_idx %arg21[%add3A_185, %broadcast_in_dim3A_536], %gather3A_534 : memref<512x128xf32, #tpu.memory_space<vmem>>[vector<16xi32>, vector<16xi32>], vector<16xf32>,
      %broadcast_in_dim3A_537 = arith.constant 102 : i32
      %broadcast_in_dim3A_538 = vector.broadcast %broadcast_in_dim3A_537 : i32 to vector<16xi32>
      tpu.vector_store_idx %arg21[%add3A_185, %broadcast_in_dim3A_538], %gather3A_534 : memref<512x128xf32, #tpu.memory_space<vmem>>[vector<16xi32>, vector<16xi32>], vector<16xf32>,
      %broadcast_in_dim3A_539 = arith.constant 7 : i32
      %broadcast_in_dim3A_540 = vector.broadcast %broadcast_in_dim3A_539 : i32 to vector<16xi32>
      %gather3A_541 = tpu.vector_load_idx %arg17[%get3A_187, %broadcast_in_dim3A_540] : memref<256x10xf32, #tpu.memory_space<vmem>>[vector<16xi32>, vector<16xi32>], vector<16xf32>,
      %broadcast_in_dim3A_542 = arith.constant 93 : i32
      %broadcast_in_dim3A_543 = vector.broadcast %broadcast_in_dim3A_542 : i32 to vector<16xi32>
      tpu.vector_store_idx %arg21[%add3A_185, %broadcast_in_dim3A_543], %gather3A_541 : memref<512x128xf32, #tpu.memory_space<vmem>>[vector<16xi32>, vector<16xi32>], vector<16xf32>,
      %broadcast_in_dim3A_544 = arith.constant 103 : i32
      %broadcast_in_dim3A_545 = vector.broadcast %broadcast_in_dim3A_544 : i32 to vector<16xi32>
      tpu.vector_store_idx %arg21[%add3A_185, %broadcast_in_dim3A_545], %gather3A_541 : memref<512x128xf32, #tpu.memory_space<vmem>>[vector<16xi32>, vector<16xi32>], vector<16xf32>,
      %broadcast_in_dim3A_546 = arith.constant 8 : i32
      %broadcast_in_dim3A_547 = vector.broadcast %broadcast_in_dim3A_546 : i32 to vector<16xi32>
      %gather3A_548 = tpu.vector_load_idx %arg17[%get3A_187, %broadcast_in_dim3A_547] : memref<256x10xf32, #tpu.memory_space<vmem>>[vector<16xi32>, vector<16xi32>], vector<16xf32>,
      %broadcast_in_dim3A_549 = arith.constant 94 : i32
      %broadcast_in_dim3A_550 = vector.broadcast %broadcast_in_dim3A_549 : i32 to vector<16xi32>
      tpu.vector_store_idx %arg21[%add3A_185, %broadcast_in_dim3A_550], %gather3A_548 : memref<512x128xf32, #tpu.memory_space<vmem>>[vector<16xi32>, vector<16xi32>], vector<16xf32>,
      %broadcast_in_dim3A_551 = arith.constant 104 : i32
      %broadcast_in_dim3A_552 = vector.broadcast %broadcast_in_dim3A_551 : i32 to vector<16xi32>
      tpu.vector_store_idx %arg21[%add3A_185, %broadcast_in_dim3A_552], %gather3A_548 : memref<512x128xf32, #tpu.memory_space<vmem>>[vector<16xi32>, vector<16xi32>], vector<16xf32>,
      %broadcast_in_dim3A_553 = arith.constant 9 : i32
      %broadcast_in_dim3A_554 = vector.broadcast %broadcast_in_dim3A_553 : i32 to vector<16xi32>
      %gather3A_555 = tpu.vector_load_idx %arg17[%get3A_187, %broadcast_in_dim3A_554] : memref<256x10xf32, #tpu.memory_space<vmem>>[vector<16xi32>, vector<16xi32>], vector<16xf32>,
      %broadcast_in_dim3A_556 = arith.constant 95 : i32
      %broadcast_in_dim3A_557 = vector.broadcast %broadcast_in_dim3A_556 : i32 to vector<16xi32>
      tpu.vector_store_idx %arg21[%add3A_185, %broadcast_in_dim3A_557], %gather3A_555 : memref<512x128xf32, #tpu.memory_space<vmem>>[vector<16xi32>, vector<16xi32>], vector<16xf32>,
      %broadcast_in_dim3A_558 = arith.constant 105 : i32
      %broadcast_in_dim3A_559 = vector.broadcast %broadcast_in_dim3A_558 : i32 to vector<16xi32>
      tpu.vector_store_idx %arg21[%add3A_185, %broadcast_in_dim3A_559], %gather3A_555 : memref<512x128xf32, #tpu.memory_space<vmem>>[vector<16xi32>, vector<16xi32>], vector<16xf32>,
      %broadcast_in_dim3A_560 = arith.constant 0 : i32
      %broadcast_in_dim3A_561 = vector.broadcast %broadcast_in_dim3A_560 : i32 to vector<16xi32>
      %gather3A_562 = tpu.vector_load_idx %arg19[%get3A_190, %broadcast_in_dim3A_561] : memref<32x11xf32, #tpu.memory_space<vmem>>[vector<16xi32>, vector<16xi32>], vector<16xf32>,
      %broadcast_in_dim3A_563 = arith.constant 106 : i32
      %broadcast_in_dim3A_564 = vector.broadcast %broadcast_in_dim3A_563 : i32 to vector<16xi32>
      tpu.vector_store_idx %arg21[%add3A_185, %broadcast_in_dim3A_564], %gather3A_562 : memref<512x128xf32, #tpu.memory_space<vmem>>[vector<16xi32>, vector<16xi32>], vector<16xf32>,
      %broadcast_in_dim3A_565 = arith.constant 117 : i32
      %broadcast_in_dim3A_566 = vector.broadcast %broadcast_in_dim3A_565 : i32 to vector<16xi32>
      tpu.vector_store_idx %arg21[%add3A_185, %broadcast_in_dim3A_566], %gather3A_562 : memref<512x128xf32, #tpu.memory_space<vmem>>[vector<16xi32>, vector<16xi32>], vector<16xf32>,
      %broadcast_in_dim3A_567 = arith.constant 1 : i32
      %broadcast_in_dim3A_568 = vector.broadcast %broadcast_in_dim3A_567 : i32 to vector<16xi32>
      %gather3A_569 = tpu.vector_load_idx %arg19[%get3A_190, %broadcast_in_dim3A_568] : memref<32x11xf32, #tpu.memory_space<vmem>>[vector<16xi32>, vector<16xi32>], vector<16xf32>,
      %broadcast_in_dim3A_570 = arith.constant 107 : i32
      %broadcast_in_dim3A_571 = vector.broadcast %broadcast_in_dim3A_570 : i32 to vector<16xi32>
      tpu.vector_store_idx %arg21[%add3A_185, %broadcast_in_dim3A_571], %gather3A_569 : memref<512x128xf32, #tpu.memory_space<vmem>>[vector<16xi32>, vector<16xi32>], vector<16xf32>,
      %broadcast_in_dim3A_572 = arith.constant 118 : i32
      %broadcast_in_dim3A_573 = vector.broadcast %broadcast_in_dim3A_572 : i32 to vector<16xi32>
      tpu.vector_store_idx %arg21[%add3A_185, %broadcast_in_dim3A_573], %gather3A_569 : memref<512x128xf32, #tpu.memory_space<vmem>>[vector<16xi32>, vector<16xi32>], vector<16xf32>,
      %broadcast_in_dim3A_574 = arith.constant 2 : i32
      %broadcast_in_dim3A_575 = vector.broadcast %broadcast_in_dim3A_574 : i32 to vector<16xi32>
      %gather3A_576 = tpu.vector_load_idx %arg19[%get3A_190, %broadcast_in_dim3A_575] : memref<32x11xf32, #tpu.memory_space<vmem>>[vector<16xi32>, vector<16xi32>], vector<16xf32>,
      %broadcast_in_dim3A_577 = arith.constant 108 : i32
      %broadcast_in_dim3A_578 = vector.broadcast %broadcast_in_dim3A_577 : i32 to vector<16xi32>
      tpu.vector_store_idx %arg21[%add3A_185, %broadcast_in_dim3A_578], %gather3A_576 : memref<512x128xf32, #tpu.memory_space<vmem>>[vector<16xi32>, vector<16xi32>], vector<16xf32>,
      %broadcast_in_dim3A_579 = arith.constant 119 : i32
      %broadcast_in_dim3A_580 = vector.broadcast %broadcast_in_dim3A_579 : i32 to vector<16xi32>
      tpu.vector_store_idx %arg21[%add3A_185, %broadcast_in_dim3A_580], %gather3A_576 : memref<512x128xf32, #tpu.memory_space<vmem>>[vector<16xi32>, vector<16xi32>], vector<16xf32>,
      %broadcast_in_dim3A_581 = arith.constant 3 : i32
      %broadcast_in_dim3A_582 = vector.broadcast %broadcast_in_dim3A_581 : i32 to vector<16xi32>
      %gather3A_583 = tpu.vector_load_idx %arg19[%get3A_190, %broadcast_in_dim3A_582] : memref<32x11xf32, #tpu.memory_space<vmem>>[vector<16xi32>, vector<16xi32>], vector<16xf32>,
      %broadcast_in_dim3A_584 = arith.constant 109 : i32
      %broadcast_in_dim3A_585 = vector.broadcast %broadcast_in_dim3A_584 : i32 to vector<16xi32>
      tpu.vector_store_idx %arg21[%add3A_185, %broadcast_in_dim3A_585], %gather3A_583 : memref<512x128xf32, #tpu.memory_space<vmem>>[vector<16xi32>, vector<16xi32>], vector<16xf32>,
      %broadcast_in_dim3A_586 = arith.constant 120 : i32
      %broadcast_in_dim3A_587 = vector.broadcast %broadcast_in_dim3A_586 : i32 to vector<16xi32>
      tpu.vector_store_idx %arg21[%add3A_185, %broadcast_in_dim3A_587], %gather3A_583 : memref<512x128xf32, #tpu.memory_space<vmem>>[vector<16xi32>, vector<16xi32>], vector<16xf32>,
      %broadcast_in_dim3A_588 = arith.constant 4 : i32
      %broadcast_in_dim3A_589 = vector.broadcast %broadcast_in_dim3A_588 : i32 to vector<16xi32>
      %gather3A_590 = tpu.vector_load_idx %arg19[%get3A_190, %broadcast_in_dim3A_589] : memref<32x11xf32, #tpu.memory_space<vmem>>[vector<16xi32>, vector<16xi32>], vector<16xf32>,
      %broadcast_in_dim3A_591 = arith.constant 110 : i32
      %broadcast_in_dim3A_592 = vector.broadcast %broadcast_in_dim3A_591 : i32 to vector<16xi32>
      tpu.vector_store_idx %arg21[%add3A_185, %broadcast_in_dim3A_592], %gather3A_590 : memref<512x128xf32, #tpu.memory_space<vmem>>[vector<16xi32>, vector<16xi32>], vector<16xf32>,
      %broadcast_in_dim3A_593 = arith.constant 121 : i32
      %broadcast_in_dim3A_594 = vector.broadcast %broadcast_in_dim3A_593 : i32 to vector<16xi32>
      tpu.vector_store_idx %arg21[%add3A_185, %broadcast_in_dim3A_594], %gather3A_590 : memref<512x128xf32, #tpu.memory_space<vmem>>[vector<16xi32>, vector<16xi32>], vector<16xf32>,
      %broadcast_in_dim3A_595 = arith.constant 5 : i32
      %broadcast_in_dim3A_596 = vector.broadcast %broadcast_in_dim3A_595 : i32 to vector<16xi32>
      %gather3A_597 = tpu.vector_load_idx %arg19[%get3A_190, %broadcast_in_dim3A_596] : memref<32x11xf32, #tpu.memory_space<vmem>>[vector<16xi32>, vector<16xi32>], vector<16xf32>,
      %broadcast_in_dim3A_598 = arith.constant 111 : i32
      %broadcast_in_dim3A_599 = vector.broadcast %broadcast_in_dim3A_598 : i32 to vector<16xi32>
      tpu.vector_store_idx %arg21[%add3A_185, %broadcast_in_dim3A_599], %gather3A_597 : memref<512x128xf32, #tpu.memory_space<vmem>>[vector<16xi32>, vector<16xi32>], vector<16xf32>,
      %broadcast_in_dim3A_600 = arith.constant 122 : i32
      %broadcast_in_dim3A_601 = vector.broadcast %broadcast_in_dim3A_600 : i32 to vector<16xi32>
      tpu.vector_store_idx %arg21[%add3A_185, %broadcast_in_dim3A_601], %gather3A_597 : memref<512x128xf32, #tpu.memory_space<vmem>>[vector<16xi32>, vector<16xi32>], vector<16xf32>,
      %broadcast_in_dim3A_602 = arith.constant 6 : i32
      %broadcast_in_dim3A_603 = vector.broadcast %broadcast_in_dim3A_602 : i32 to vector<16xi32>
      %gather3A_604 = tpu.vector_load_idx %arg19[%get3A_190, %broadcast_in_dim3A_603] : memref<32x11xf32, #tpu.memory_space<vmem>>[vector<16xi32>, vector<16xi32>], vector<16xf32>,
      %broadcast_in_dim3A_605 = arith.constant 112 : i32
      %broadcast_in_dim3A_606 = vector.broadcast %broadcast_in_dim3A_605 : i32 to vector<16xi32>
      tpu.vector_store_idx %arg21[%add3A_185, %broadcast_in_dim3A_606], %gather3A_604 : memref<512x128xf32, #tpu.memory_space<vmem>>[vector<16xi32>, vector<16xi32>], vector<16xf32>,
      %broadcast_in_dim3A_607 = arith.constant 123 : i32
      %broadcast_in_dim3A_608 = vector.broadcast %broadcast_in_dim3A_607 : i32 to vector<16xi32>
      tpu.vector_store_idx %arg21[%add3A_185, %broadcast_in_dim3A_608], %gather3A_604 : memref<512x128xf32, #tpu.memory_space<vmem>>[vector<16xi32>, vector<16xi32>], vector<16xf32>,
      %broadcast_in_dim3A_609 = arith.constant 7 : i32
      %broadcast_in_dim3A_610 = vector.broadcast %broadcast_in_dim3A_609 : i32 to vector<16xi32>
      %gather3A_611 = tpu.vector_load_idx %arg19[%get3A_190, %broadcast_in_dim3A_610] : memref<32x11xf32, #tpu.memory_space<vmem>>[vector<16xi32>, vector<16xi32>], vector<16xf32>,
      %broadcast_in_dim3A_612 = arith.constant 113 : i32
      %broadcast_in_dim3A_613 = vector.broadcast %broadcast_in_dim3A_612 : i32 to vector<16xi32>
      tpu.vector_store_idx %arg21[%add3A_185, %broadcast_in_dim3A_613], %gather3A_611 : memref<512x128xf32, #tpu.memory_space<vmem>>[vector<16xi32>, vector<16xi32>], vector<16xf32>,
      %broadcast_in_dim3A_614 = arith.constant 124 : i32
      %broadcast_in_dim3A_615 = vector.broadcast %broadcast_in_dim3A_614 : i32 to vector<16xi32>
      tpu.vector_store_idx %arg21[%add3A_185, %broadcast_in_dim3A_615], %gather3A_611 : memref<512x128xf32, #tpu.memory_space<vmem>>[vector<16xi32>, vector<16xi32>], vector<16xf32>,
      %broadcast_in_dim3A_616 = arith.constant 8 : i32
      %broadcast_in_dim3A_617 = vector.broadcast %broadcast_in_dim3A_616 : i32 to vector<16xi32>
      %gather3A_618 = tpu.vector_load_idx %arg19[%get3A_190, %broadcast_in_dim3A_617] : memref<32x11xf32, #tpu.memory_space<vmem>>[vector<16xi32>, vector<16xi32>], vector<16xf32>,
      %broadcast_in_dim3A_619 = arith.constant 114 : i32
      %broadcast_in_dim3A_620 = vector.broadcast %broadcast_in_dim3A_619 : i32 to vector<16xi32>
      tpu.vector_store_idx %arg21[%add3A_185, %broadcast_in_dim3A_620], %gather3A_618 : memref<512x128xf32, #tpu.memory_space<vmem>>[vector<16xi32>, vector<16xi32>], vector<16xf32>,
      %broadcast_in_dim3A_621 = arith.constant 125 : i32
      %broadcast_in_dim3A_622 = vector.broadcast %broadcast_in_dim3A_621 : i32 to vector<16xi32>
      tpu.vector_store_idx %arg21[%add3A_185, %broadcast_in_dim3A_622], %gather3A_618 : memref<512x128xf32, #tpu.memory_space<vmem>>[vector<16xi32>, vector<16xi32>], vector<16xf32>,
      %broadcast_in_dim3A_623 = arith.constant 9 : i32
      %broadcast_in_dim3A_624 = vector.broadcast %broadcast_in_dim3A_623 : i32 to vector<16xi32>
      %gather3A_625 = tpu.vector_load_idx %arg19[%get3A_190, %broadcast_in_dim3A_624] : memref<32x11xf32, #tpu.memory_space<vmem>>[vector<16xi32>, vector<16xi32>], vector<16xf32>,
      %broadcast_in_dim3A_626 = arith.constant 115 : i32
      %broadcast_in_dim3A_627 = vector.broadcast %broadcast_in_dim3A_626 : i32 to vector<16xi32>
      tpu.vector_store_idx %arg21[%add3A_185, %broadcast_in_dim3A_627], %gather3A_625 : memref<512x128xf32, #tpu.memory_space<vmem>>[vector<16xi32>, vector<16xi32>], vector<16xf32>,
      %broadcast_in_dim3A_628 = arith.constant 126 : i32
      %broadcast_in_dim3A_629 = vector.broadcast %broadcast_in_dim3A_628 : i32 to vector<16xi32>
      tpu.vector_store_idx %arg21[%add3A_185, %broadcast_in_dim3A_629], %gather3A_625 : memref<512x128xf32, #tpu.memory_space<vmem>>[vector<16xi32>, vector<16xi32>], vector<16xf32>,
      %broadcast_in_dim3A_630 = arith.constant 10 : i32
      %broadcast_in_dim3A_631 = vector.broadcast %broadcast_in_dim3A_630 : i32 to vector<16xi32>
      %gather3A_632 = tpu.vector_load_idx %arg19[%get3A_190, %broadcast_in_dim3A_631] : memref<32x11xf32, #tpu.memory_space<vmem>>[vector<16xi32>, vector<16xi32>], vector<16xf32>,
      %broadcast_in_dim3A_633 = arith.constant 116 : i32
      %broadcast_in_dim3A_634 = vector.broadcast %broadcast_in_dim3A_633 : i32 to vector<16xi32>
      tpu.vector_store_idx %arg21[%add3A_185, %broadcast_in_dim3A_634], %gather3A_632 : memref<512x128xf32, #tpu.memory_space<vmem>>[vector<16xi32>, vector<16xi32>], vector<16xf32>,
      %broadcast_in_dim3A_635 = arith.constant 127 : i32
      %broadcast_in_dim3A_636 = vector.broadcast %broadcast_in_dim3A_635 : i32 to vector<16xi32>
      tpu.vector_store_idx %arg21[%add3A_185, %broadcast_in_dim3A_636], %gather3A_632 : memref<512x128xf32, #tpu.memory_space<vmem>>[vector<16xi32>, vector<16xi32>], vector<16xf32>,
      %scan3A_637 = arith.constant 0 : i32
      scf.yield %scan3A_637 : i32
    }
    %scan3A_92 = arith.constant 32 : i32
    "tpu.region"() ({
      %run_scoped3A = tpu.sem_alloc : memref<!tpu.dma_semaphore, #tpu.memory_space<semaphore_mem>>
      %dma_start3A_180 = arith.constant 0 : i32
      %dma_start3A_181 = tpu.memref_slice %arg11[%mul3A_2, %dma_start3A_180] : memref<16384x128xf32, #tpu.memory_space<hbm>> -> memref<512x128xf32, #tpu.memory_space<hbm>>
      %dma_start3A_182 = arith.constant 0 : i32
      %dma_start3A_183 = tpu.memref_slice %arg11[%mul3A_2, %dma_start3A_182] : memref<16384x128xf32, #tpu.memory_space<hbm>> -> memref<512x128xf32, #tpu.memory_space<hbm>>
      tpu.enqueue_dma source(%arg21 : memref<512x128xf32, #tpu.memory_space<vmem>>) target(%dma_start3A_183 : memref<512x128xf32, #tpu.memory_space<hbm>>) target_semaphore(%run_scoped3A : memref<!tpu.dma_semaphore, #tpu.memory_space<semaphore_mem>>)
      %dma_wait3A_184 = arith.constant 0 : i32
      %dma_wait3A_185 = tpu.memref_slice %arg11[%mul3A_2, %dma_wait3A_184] : memref<16384x128xf32, #tpu.memory_space<hbm>> -> memref<512x128xf32, #tpu.memory_space<hbm>>
      %dma_wait3A_186 = arith.constant 0 : i32
      %dma_wait3A_187 = tpu.memref_slice %arg11[%mul3A_2, %dma_wait3A_186] : memref<16384x128xf32, #tpu.memory_space<hbm>> -> memref<512x128xf32, #tpu.memory_space<hbm>>
      tpu.wait_dma2 semaphore(%run_scoped3A : memref<!tpu.dma_semaphore, #tpu.memory_space<semaphore_mem>>) src(%arg21 : memref<512x128xf32, #tpu.memory_space<vmem>>) dst(%dma_wait3A_187 : memref<512x128xf32, #tpu.memory_space<hbm>>)
      tpu.yield
    }) : () -> ()
    %dma_start3A_93 = arith.constant 0 : i32
    %dma_start3A_94 = arith.constant 0 : i32
    %dma_start3A_95 = arith.constant 0 : i32
    %dma_start3A_96 = tpu.memref_slice %arg16[%dma_start3A_94, %dma_start3A_95] : memref<512x48xf32, #tpu.memory_space<vmem>> -> memref<128x48xf32, #tpu.memory_space<vmem>>
    %dma_start3A_97 = arith.constant 0 : i32
    %dma_start3A_98 = tpu.memref_slice %arg13[%dma_start3A_93, %dma_start3A_97] : memref<4x128xi32, #tpu.memory_space<vmem>> -> memref<1x128xi32, #tpu.memory_space<vmem>>
    %dma_start3A_99 = tpu.memref_squeeze %dma_start3A_98 : memref<1x128xi32, #tpu.memory_space<vmem>> -> memref<128xi32, #tpu.memory_space<vmem>>
    %dma_start3A_100 = arith.constant 0 : i32
    %dma_start3A_101 = arith.constant 0 : i32
    %dma_start3A_102 = tpu.memref_slice %arg6[%dma_start3A_100, %dma_start3A_101] : memref<4096x48xf32, #tpu.memory_space<hbm>> -> memref<4096x48xf32, #tpu.memory_space<hbm>>
    tpu.enqueue_indirect_dma source(%dma_start3A_102 : memref<4096x48xf32, #tpu.memory_space<hbm>>) target(%dma_start3A_96 : memref<128x48xf32, #tpu.memory_space<vmem>>) offsets(%dma_start3A_99 : memref<128xi32, #tpu.memory_space<vmem>>) semaphore(%arg22 : memref<!tpu.dma_semaphore, #tpu.memory_space<semaphore_mem>>)
    %dma_start3A_103 = arith.constant 1 : i32
    %dma_start3A_104 = arith.constant 128 : i32
    %dma_start3A_105 = arith.constant 0 : i32
    %dma_start3A_106 = tpu.memref_slice %arg16[%dma_start3A_104, %dma_start3A_105] : memref<512x48xf32, #tpu.memory_space<vmem>> -> memref<128x48xf32, #tpu.memory_space<vmem>>
    %dma_start3A_107 = arith.constant 0 : i32
    %dma_start3A_108 = tpu.memref_slice %arg13[%dma_start3A_103, %dma_start3A_107] : memref<4x128xi32, #tpu.memory_space<vmem>> -> memref<1x128xi32, #tpu.memory_space<vmem>>
    %dma_start3A_109 = tpu.memref_squeeze %dma_start3A_108 : memref<1x128xi32, #tpu.memory_space<vmem>> -> memref<128xi32, #tpu.memory_space<vmem>>
    %dma_start3A_110 = arith.constant 0 : i32
    %dma_start3A_111 = arith.constant 0 : i32
    %dma_start3A_112 = tpu.memref_slice %arg6[%dma_start3A_110, %dma_start3A_111] : memref<4096x48xf32, #tpu.memory_space<hbm>> -> memref<4096x48xf32, #tpu.memory_space<hbm>>
    tpu.enqueue_indirect_dma source(%dma_start3A_112 : memref<4096x48xf32, #tpu.memory_space<hbm>>) target(%dma_start3A_106 : memref<128x48xf32, #tpu.memory_space<vmem>>) offsets(%dma_start3A_109 : memref<128xi32, #tpu.memory_space<vmem>>) semaphore(%arg22 : memref<!tpu.dma_semaphore, #tpu.memory_space<semaphore_mem>>)
    %dma_start3A_113 = arith.constant 2 : i32
    %dma_start3A_114 = arith.constant 256 : i32
    %dma_start3A_115 = arith.constant 0 : i32
    %dma_start3A_116 = tpu.memref_slice %arg16[%dma_start3A_114, %dma_start3A_115] : memref<512x48xf32, #tpu.memory_space<vmem>> -> memref<128x48xf32, #tpu.memory_space<vmem>>
    %dma_start3A_117 = arith.constant 0 : i32
    %dma_start3A_118 = tpu.memref_slice %arg13[%dma_start3A_113, %dma_start3A_117] : memref<4x128xi32, #tpu.memory_space<vmem>> -> memref<1x128xi32, #tpu.memory_space<vmem>>
    %dma_start3A_119 = tpu.memref_squeeze %dma_start3A_118 : memref<1x128xi32, #tpu.memory_space<vmem>> -> memref<128xi32, #tpu.memory_space<vmem>>
    %dma_start3A_120 = arith.constant 0 : i32
    %dma_start3A_121 = arith.constant 0 : i32
    %dma_start3A_122 = tpu.memref_slice %arg6[%dma_start3A_120, %dma_start3A_121] : memref<4096x48xf32, #tpu.memory_space<hbm>> -> memref<4096x48xf32, #tpu.memory_space<hbm>>
    tpu.enqueue_indirect_dma source(%dma_start3A_122 : memref<4096x48xf32, #tpu.memory_space<hbm>>) target(%dma_start3A_116 : memref<128x48xf32, #tpu.memory_space<vmem>>) offsets(%dma_start3A_119 : memref<128xi32, #tpu.memory_space<vmem>>) semaphore(%arg22 : memref<!tpu.dma_semaphore, #tpu.memory_space<semaphore_mem>>)
    %dma_start3A_123 = arith.constant 3 : i32
    %dma_start3A_124 = arith.constant 384 : i32
    %dma_start3A_125 = arith.constant 0 : i32
    %dma_start3A_126 = tpu.memref_slice %arg16[%dma_start3A_124, %dma_start3A_125] : memref<512x48xf32, #tpu.memory_space<vmem>> -> memref<128x48xf32, #tpu.memory_space<vmem>>
    %dma_start3A_127 = arith.constant 0 : i32
    %dma_start3A_128 = tpu.memref_slice %arg13[%dma_start3A_123, %dma_start3A_127] : memref<4x128xi32, #tpu.memory_space<vmem>> -> memref<1x128xi32, #tpu.memory_space<vmem>>
    %dma_start3A_129 = tpu.memref_squeeze %dma_start3A_128 : memref<1x128xi32, #tpu.memory_space<vmem>> -> memref<128xi32, #tpu.memory_space<vmem>>
    %dma_start3A_130 = arith.constant 0 : i32
    %dma_start3A_131 = arith.constant 0 : i32
    %dma_start3A_132 = tpu.memref_slice %arg6[%dma_start3A_130, %dma_start3A_131] : memref<4096x48xf32, #tpu.memory_space<hbm>> -> memref<4096x48xf32, #tpu.memory_space<hbm>>
    tpu.enqueue_indirect_dma source(%dma_start3A_132 : memref<4096x48xf32, #tpu.memory_space<hbm>>) target(%dma_start3A_126 : memref<128x48xf32, #tpu.memory_space<vmem>>) offsets(%dma_start3A_129 : memref<128xi32, #tpu.memory_space<vmem>>) semaphore(%arg22 : memref<!tpu.dma_semaphore, #tpu.memory_space<semaphore_mem>>)
    %dma_wait3A_133 = arith.constant 0 : i32
    %dma_wait3A_134 = arith.constant 0 : i32
    %dma_wait3A_135 = arith.constant 0 : i32
    %dma_wait3A_136 = tpu.memref_slice %arg16[%dma_wait3A_134, %dma_wait3A_135] : memref<512x48xf32, #tpu.memory_space<vmem>> -> memref<128x48xf32, #tpu.memory_space<vmem>>
    %dma_wait3A_137 = arith.constant 0 : i32
    %dma_wait3A_138 = tpu.memref_slice %arg13[%dma_wait3A_133, %dma_wait3A_137] : memref<4x128xi32, #tpu.memory_space<vmem>> -> memref<1x128xi32, #tpu.memory_space<vmem>>
    %dma_wait3A_139 = tpu.memref_squeeze %dma_wait3A_138 : memref<1x128xi32, #tpu.memory_space<vmem>> -> memref<128xi32, #tpu.memory_space<vmem>>
    %dma_wait3A_140 = arith.constant 0 : i32
    %dma_wait3A_141 = arith.constant 0 : i32
    %dma_wait3A_142 = tpu.memref_slice %arg6[%dma_wait3A_140, %dma_wait3A_141] : memref<4096x48xf32, #tpu.memory_space<hbm>> -> memref<4096x48xf32, #tpu.memory_space<hbm>>
    tpu.wait_indirect_dma semaphore(%arg22 : memref<!tpu.dma_semaphore, #tpu.memory_space<semaphore_mem>>) src(%dma_wait3A_142 : memref<4096x48xf32, #tpu.memory_space<hbm>>) dst(%dma_wait3A_136 : memref<128x48xf32, #tpu.memory_space<vmem>>)
    %dma_wait3A_143 = arith.constant 1 : i32
    %dma_wait3A_144 = arith.constant 128 : i32
    %dma_wait3A_145 = arith.constant 0 : i32
    %dma_wait3A_146 = tpu.memref_slice %arg16[%dma_wait3A_144, %dma_wait3A_145] : memref<512x48xf32, #tpu.memory_space<vmem>> -> memref<128x48xf32, #tpu.memory_space<vmem>>
    %dma_wait3A_147 = arith.constant 0 : i32
    %dma_wait3A_148 = tpu.memref_slice %arg13[%dma_wait3A_143, %dma_wait3A_147] : memref<4x128xi32, #tpu.memory_space<vmem>> -> memref<1x128xi32, #tpu.memory_space<vmem>>
    %dma_wait3A_149 = tpu.memref_squeeze %dma_wait3A_148 : memref<1x128xi32, #tpu.memory_space<vmem>> -> memref<128xi32, #tpu.memory_space<vmem>>
    %dma_wait3A_150 = arith.constant 0 : i32
    %dma_wait3A_151 = arith.constant 0 : i32
    %dma_wait3A_152 = tpu.memref_slice %arg6[%dma_wait3A_150, %dma_wait3A_151] : memref<4096x48xf32, #tpu.memory_space<hbm>> -> memref<4096x48xf32, #tpu.memory_space<hbm>>
    tpu.wait_indirect_dma semaphore(%arg22 : memref<!tpu.dma_semaphore, #tpu.memory_space<semaphore_mem>>) src(%dma_wait3A_152 : memref<4096x48xf32, #tpu.memory_space<hbm>>) dst(%dma_wait3A_146 : memref<128x48xf32, #tpu.memory_space<vmem>>)
    %dma_wait3A_153 = arith.constant 2 : i32
    %dma_wait3A_154 = arith.constant 256 : i32
    %dma_wait3A_155 = arith.constant 0 : i32
    %dma_wait3A_156 = tpu.memref_slice %arg16[%dma_wait3A_154, %dma_wait3A_155] : memref<512x48xf32, #tpu.memory_space<vmem>> -> memref<128x48xf32, #tpu.memory_space<vmem>>
    %dma_wait3A_157 = arith.constant 0 : i32
    %dma_wait3A_158 = tpu.memref_slice %arg13[%dma_wait3A_153, %dma_wait3A_157] : memref<4x128xi32, #tpu.memory_space<vmem>> -> memref<1x128xi32, #tpu.memory_space<vmem>>
    %dma_wait3A_159 = tpu.memref_squeeze %dma_wait3A_158 : memref<1x128xi32, #tpu.memory_space<vmem>> -> memref<128xi32, #tpu.memory_space<vmem>>
    %dma_wait3A_160 = arith.constant 0 : i32
    %dma_wait3A_161 = arith.constant 0 : i32
    %dma_wait3A_162 = tpu.memref_slice %arg6[%dma_wait3A_160, %dma_wait3A_161] : memref<4096x48xf32, #tpu.memory_space<hbm>> -> memref<4096x48xf32, #tpu.memory_space<hbm>>
    tpu.wait_indirect_dma semaphore(%arg22 : memref<!tpu.dma_semaphore, #tpu.memory_space<semaphore_mem>>) src(%dma_wait3A_162 : memref<4096x48xf32, #tpu.memory_space<hbm>>) dst(%dma_wait3A_156 : memref<128x48xf32, #tpu.memory_space<vmem>>)
    %dma_wait3A_163 = arith.constant 3 : i32
    %dma_wait3A_164 = arith.constant 384 : i32
    %dma_wait3A_165 = arith.constant 0 : i32
    %dma_wait3A_166 = tpu.memref_slice %arg16[%dma_wait3A_164, %dma_wait3A_165] : memref<512x48xf32, #tpu.memory_space<vmem>> -> memref<128x48xf32, #tpu.memory_space<vmem>>
    %dma_wait3A_167 = arith.constant 0 : i32
    %dma_wait3A_168 = tpu.memref_slice %arg13[%dma_wait3A_163, %dma_wait3A_167] : memref<4x128xi32, #tpu.memory_space<vmem>> -> memref<1x128xi32, #tpu.memory_space<vmem>>
    %dma_wait3A_169 = tpu.memref_squeeze %dma_wait3A_168 : memref<1x128xi32, #tpu.memory_space<vmem>> -> memref<128xi32, #tpu.memory_space<vmem>>
    %dma_wait3A_170 = arith.constant 0 : i32
    %dma_wait3A_171 = arith.constant 0 : i32
    %dma_wait3A_172 = tpu.memref_slice %arg6[%dma_wait3A_170, %dma_wait3A_171] : memref<4096x48xf32, #tpu.memory_space<hbm>> -> memref<4096x48xf32, #tpu.memory_space<hbm>>
    tpu.wait_indirect_dma semaphore(%arg22 : memref<!tpu.dma_semaphore, #tpu.memory_space<semaphore_mem>>) src(%dma_wait3A_172 : memref<4096x48xf32, #tpu.memory_space<hbm>>) dst(%dma_wait3A_166 : memref<128x48xf32, #tpu.memory_space<vmem>>)
    %scan3A_173 = arith.constant 0 : i32
    %scan3A_174 = arith.constant 0 : i32
    %scan3A_175 = arith.constant 32 : i32
    %scan3A_176 = arith.addi %scan3A_174, %scan3A_175 : i32
    %scan3A_177 = arith.constant 1 : i32
    %scan3A_178 = scf.for %scan3A_180 = %scan3A_174 to %scan3A_176 step %scan3A_177 iter_args(%scan3A_181 = %scan3A_173) -> (i32)  : i32 {
      %mul3A_182 = arith.constant 16 : i32
      %mul3A_183 = arith.muli %scan3A_180, %mul3A_182 : i32
      %add3A_184 = vector.broadcast %mul3A_183 : i32 to vector<16xi32>
      %add3A_185 = arith.addi %iota3A, %add3A_184 : vector<16xi32>
      %get3A = arith.index_cast %scan3A_180 : i32 to index
      %get3A_186 = arith.constant 0 : index
      %get3A_187 = tpu.vector_load %arg14[%get3A, %get3A_186] {strides = array<i32>} : memref<32x16xi32, #tpu.memory_space<vmem>>, vector<16xi32>,
      %get3A_188 = arith.index_cast %scan3A_180 : i32 to index
      %get3A_189 = arith.constant 0 : index
      %get3A_190 = tpu.vector_load %arg15[%get3A_188, %get3A_189] {strides = array<i32>} : memref<32x16xi32, #tpu.memory_space<vmem>>, vector<16xi32>,
      %broadcast_in_dim3A = arith.constant 0 : i32
      %broadcast_in_dim3A_191 = vector.broadcast %broadcast_in_dim3A : i32 to vector<16xi32>
      %gather3A = tpu.vector_load_idx %arg16[%add3A_185, %broadcast_in_dim3A_191] : memref<512x48xf32, #tpu.memory_space<vmem>>[vector<16xi32>, vector<16xi32>], vector<16xf32>,
      %broadcast_in_dim3A_192 = arith.constant 0 : i32
      %broadcast_in_dim3A_193 = vector.broadcast %broadcast_in_dim3A_192 : i32 to vector<16xi32>
      tpu.vector_store_idx %arg21[%add3A_185, %broadcast_in_dim3A_193], %gather3A : memref<512x128xf32, #tpu.memory_space<vmem>>[vector<16xi32>, vector<16xi32>], vector<16xf32>,
      %broadcast_in_dim3A_194 = arith.constant 43 : i32
      %broadcast_in_dim3A_195 = vector.broadcast %broadcast_in_dim3A_194 : i32 to vector<16xi32>
      tpu.vector_store_idx %arg21[%add3A_185, %broadcast_in_dim3A_195], %gather3A : memref<512x128xf32, #tpu.memory_space<vmem>>[vector<16xi32>, vector<16xi32>], vector<16xf32>,
      %broadcast_in_dim3A_196 = arith.constant 1 : i32
      %broadcast_in_dim3A_197 = vector.broadcast %broadcast_in_dim3A_196 : i32 to vector<16xi32>
      %gather3A_198 = tpu.vector_load_idx %arg16[%add3A_185, %broadcast_in_dim3A_197] : memref<512x48xf32, #tpu.memory_space<vmem>>[vector<16xi32>, vector<16xi32>], vector<16xf32>,
      %broadcast_in_dim3A_199 = arith.constant 1 : i32
      %broadcast_in_dim3A_200 = vector.broadcast %broadcast_in_dim3A_199 : i32 to vector<16xi32>
      tpu.vector_store_idx %arg21[%add3A_185, %broadcast_in_dim3A_200], %gather3A_198 : memref<512x128xf32, #tpu.memory_space<vmem>>[vector<16xi32>, vector<16xi32>], vector<16xf32>,
      %broadcast_in_dim3A_201 = arith.constant 44 : i32
      %broadcast_in_dim3A_202 = vector.broadcast %broadcast_in_dim3A_201 : i32 to vector<16xi32>
      tpu.vector_store_idx %arg21[%add3A_185, %broadcast_in_dim3A_202], %gather3A_198 : memref<512x128xf32, #tpu.memory_space<vmem>>[vector<16xi32>, vector<16xi32>], vector<16xf32>,
      %broadcast_in_dim3A_203 = arith.constant 2 : i32
      %broadcast_in_dim3A_204 = vector.broadcast %broadcast_in_dim3A_203 : i32 to vector<16xi32>
      %gather3A_205 = tpu.vector_load_idx %arg16[%add3A_185, %broadcast_in_dim3A_204] : memref<512x48xf32, #tpu.memory_space<vmem>>[vector<16xi32>, vector<16xi32>], vector<16xf32>,
      %broadcast_in_dim3A_206 = arith.constant 2 : i32
      %broadcast_in_dim3A_207 = vector.broadcast %broadcast_in_dim3A_206 : i32 to vector<16xi32>
      tpu.vector_store_idx %arg21[%add3A_185, %broadcast_in_dim3A_207], %gather3A_205 : memref<512x128xf32, #tpu.memory_space<vmem>>[vector<16xi32>, vector<16xi32>], vector<16xf32>,
      %broadcast_in_dim3A_208 = arith.constant 45 : i32
      %broadcast_in_dim3A_209 = vector.broadcast %broadcast_in_dim3A_208 : i32 to vector<16xi32>
      tpu.vector_store_idx %arg21[%add3A_185, %broadcast_in_dim3A_209], %gather3A_205 : memref<512x128xf32, #tpu.memory_space<vmem>>[vector<16xi32>, vector<16xi32>], vector<16xf32>,
      %broadcast_in_dim3A_210 = arith.constant 3 : i32
      %broadcast_in_dim3A_211 = vector.broadcast %broadcast_in_dim3A_210 : i32 to vector<16xi32>
      %gather3A_212 = tpu.vector_load_idx %arg16[%add3A_185, %broadcast_in_dim3A_211] : memref<512x48xf32, #tpu.memory_space<vmem>>[vector<16xi32>, vector<16xi32>], vector<16xf32>,
      %broadcast_in_dim3A_213 = arith.constant 3 : i32
      %broadcast_in_dim3A_214 = vector.broadcast %broadcast_in_dim3A_213 : i32 to vector<16xi32>
      tpu.vector_store_idx %arg21[%add3A_185, %broadcast_in_dim3A_214], %gather3A_212 : memref<512x128xf32, #tpu.memory_space<vmem>>[vector<16xi32>, vector<16xi32>], vector<16xf32>,
      %broadcast_in_dim3A_215 = arith.constant 46 : i32
      %broadcast_in_dim3A_216 = vector.broadcast %broadcast_in_dim3A_215 : i32 to vector<16xi32>
      tpu.vector_store_idx %arg21[%add3A_185, %broadcast_in_dim3A_216], %gather3A_212 : memref<512x128xf32, #tpu.memory_space<vmem>>[vector<16xi32>, vector<16xi32>], vector<16xf32>,
      %broadcast_in_dim3A_217 = arith.constant 4 : i32
      %broadcast_in_dim3A_218 = vector.broadcast %broadcast_in_dim3A_217 : i32 to vector<16xi32>
      %gather3A_219 = tpu.vector_load_idx %arg16[%add3A_185, %broadcast_in_dim3A_218] : memref<512x48xf32, #tpu.memory_space<vmem>>[vector<16xi32>, vector<16xi32>], vector<16xf32>,
      %broadcast_in_dim3A_220 = arith.constant 4 : i32
      %broadcast_in_dim3A_221 = vector.broadcast %broadcast_in_dim3A_220 : i32 to vector<16xi32>
      tpu.vector_store_idx %arg21[%add3A_185, %broadcast_in_dim3A_221], %gather3A_219 : memref<512x128xf32, #tpu.memory_space<vmem>>[vector<16xi32>, vector<16xi32>], vector<16xf32>,
      %broadcast_in_dim3A_222 = arith.constant 47 : i32
      %broadcast_in_dim3A_223 = vector.broadcast %broadcast_in_dim3A_222 : i32 to vector<16xi32>
      tpu.vector_store_idx %arg21[%add3A_185, %broadcast_in_dim3A_223], %gather3A_219 : memref<512x128xf32, #tpu.memory_space<vmem>>[vector<16xi32>, vector<16xi32>], vector<16xf32>,
      %broadcast_in_dim3A_224 = arith.constant 5 : i32
      %broadcast_in_dim3A_225 = vector.broadcast %broadcast_in_dim3A_224 : i32 to vector<16xi32>
      %gather3A_226 = tpu.vector_load_idx %arg16[%add3A_185, %broadcast_in_dim3A_225] : memref<512x48xf32, #tpu.memory_space<vmem>>[vector<16xi32>, vector<16xi32>], vector<16xf32>,
      %broadcast_in_dim3A_227 = arith.constant 5 : i32
      %broadcast_in_dim3A_228 = vector.broadcast %broadcast_in_dim3A_227 : i32 to vector<16xi32>
      tpu.vector_store_idx %arg21[%add3A_185, %broadcast_in_dim3A_228], %gather3A_226 : memref<512x128xf32, #tpu.memory_space<vmem>>[vector<16xi32>, vector<16xi32>], vector<16xf32>,
      %broadcast_in_dim3A_229 = arith.constant 48 : i32
      %broadcast_in_dim3A_230 = vector.broadcast %broadcast_in_dim3A_229 : i32 to vector<16xi32>
      tpu.vector_store_idx %arg21[%add3A_185, %broadcast_in_dim3A_230], %gather3A_226 : memref<512x128xf32, #tpu.memory_space<vmem>>[vector<16xi32>, vector<16xi32>], vector<16xf32>,
      %broadcast_in_dim3A_231 = arith.constant 6 : i32
      %broadcast_in_dim3A_232 = vector.broadcast %broadcast_in_dim3A_231 : i32 to vector<16xi32>
      %gather3A_233 = tpu.vector_load_idx %arg16[%add3A_185, %broadcast_in_dim3A_232] : memref<512x48xf32, #tpu.memory_space<vmem>>[vector<16xi32>, vector<16xi32>], vector<16xf32>,
      %broadcast_in_dim3A_234 = arith.constant 6 : i32
      %broadcast_in_dim3A_235 = vector.broadcast %broadcast_in_dim3A_234 : i32 to vector<16xi32>
      tpu.vector_store_idx %arg21[%add3A_185, %broadcast_in_dim3A_235], %gather3A_233 : memref<512x128xf32, #tpu.memory_space<vmem>>[vector<16xi32>, vector<16xi32>], vector<16xf32>,
      %broadcast_in_dim3A_236 = arith.constant 49 : i32
      %broadcast_in_dim3A_237 = vector.broadcast %broadcast_in_dim3A_236 : i32 to vector<16xi32>
      tpu.vector_store_idx %arg21[%add3A_185, %broadcast_in_dim3A_237], %gather3A_233 : memref<512x128xf32, #tpu.memory_space<vmem>>[vector<16xi32>, vector<16xi32>], vector<16xf32>,
      %broadcast_in_dim3A_238 = arith.constant 7 : i32
      %broadcast_in_dim3A_239 = vector.broadcast %broadcast_in_dim3A_238 : i32 to vector<16xi32>
      %gather3A_240 = tpu.vector_load_idx %arg16[%add3A_185, %broadcast_in_dim3A_239] : memref<512x48xf32, #tpu.memory_space<vmem>>[vector<16xi32>, vector<16xi32>], vector<16xf32>,
      %broadcast_in_dim3A_241 = arith.constant 7 : i32
      %broadcast_in_dim3A_242 = vector.broadcast %broadcast_in_dim3A_241 : i32 to vector<16xi32>
      tpu.vector_store_idx %arg21[%add3A_185, %broadcast_in_dim3A_242], %gather3A_240 : memref<512x128xf32, #tpu.memory_space<vmem>>[vector<16xi32>, vector<16xi32>], vector<16xf32>,
      %broadcast_in_dim3A_243 = arith.constant 50 : i32
      %broadcast_in_dim3A_244 = vector.broadcast %broadcast_in_dim3A_243 : i32 to vector<16xi32>
      tpu.vector_store_idx %arg21[%add3A_185, %broadcast_in_dim3A_244], %gather3A_240 : memref<512x128xf32, #tpu.memory_space<vmem>>[vector<16xi32>, vector<16xi32>], vector<16xf32>,
      %broadcast_in_dim3A_245 = arith.constant 8 : i32
      %broadcast_in_dim3A_246 = vector.broadcast %broadcast_in_dim3A_245 : i32 to vector<16xi32>
      %gather3A_247 = tpu.vector_load_idx %arg16[%add3A_185, %broadcast_in_dim3A_246] : memref<512x48xf32, #tpu.memory_space<vmem>>[vector<16xi32>, vector<16xi32>], vector<16xf32>,
      %broadcast_in_dim3A_248 = arith.constant 8 : i32
      %broadcast_in_dim3A_249 = vector.broadcast %broadcast_in_dim3A_248 : i32 to vector<16xi32>
      tpu.vector_store_idx %arg21[%add3A_185, %broadcast_in_dim3A_249], %gather3A_247 : memref<512x128xf32, #tpu.memory_space<vmem>>[vector<16xi32>, vector<16xi32>], vector<16xf32>,
      %broadcast_in_dim3A_250 = arith.constant 51 : i32
      %broadcast_in_dim3A_251 = vector.broadcast %broadcast_in_dim3A_250 : i32 to vector<16xi32>
      tpu.vector_store_idx %arg21[%add3A_185, %broadcast_in_dim3A_251], %gather3A_247 : memref<512x128xf32, #tpu.memory_space<vmem>>[vector<16xi32>, vector<16xi32>], vector<16xf32>,
      %broadcast_in_dim3A_252 = arith.constant 9 : i32
      %broadcast_in_dim3A_253 = vector.broadcast %broadcast_in_dim3A_252 : i32 to vector<16xi32>
      %gather3A_254 = tpu.vector_load_idx %arg16[%add3A_185, %broadcast_in_dim3A_253] : memref<512x48xf32, #tpu.memory_space<vmem>>[vector<16xi32>, vector<16xi32>], vector<16xf32>,
      %broadcast_in_dim3A_255 = arith.constant 9 : i32
      %broadcast_in_dim3A_256 = vector.broadcast %broadcast_in_dim3A_255 : i32 to vector<16xi32>
      tpu.vector_store_idx %arg21[%add3A_185, %broadcast_in_dim3A_256], %gather3A_254 : memref<512x128xf32, #tpu.memory_space<vmem>>[vector<16xi32>, vector<16xi32>], vector<16xf32>,
      %broadcast_in_dim3A_257 = arith.constant 52 : i32
      %broadcast_in_dim3A_258 = vector.broadcast %broadcast_in_dim3A_257 : i32 to vector<16xi32>
      tpu.vector_store_idx %arg21[%add3A_185, %broadcast_in_dim3A_258], %gather3A_254 : memref<512x128xf32, #tpu.memory_space<vmem>>[vector<16xi32>, vector<16xi32>], vector<16xf32>,
      %broadcast_in_dim3A_259 = arith.constant 10 : i32
      %broadcast_in_dim3A_260 = vector.broadcast %broadcast_in_dim3A_259 : i32 to vector<16xi32>
      %gather3A_261 = tpu.vector_load_idx %arg16[%add3A_185, %broadcast_in_dim3A_260] : memref<512x48xf32, #tpu.memory_space<vmem>>[vector<16xi32>, vector<16xi32>], vector<16xf32>,
      %broadcast_in_dim3A_262 = arith.constant 10 : i32
      %broadcast_in_dim3A_263 = vector.broadcast %broadcast_in_dim3A_262 : i32 to vector<16xi32>
      tpu.vector_store_idx %arg21[%add3A_185, %broadcast_in_dim3A_263], %gather3A_261 : memref<512x128xf32, #tpu.memory_space<vmem>>[vector<16xi32>, vector<16xi32>], vector<16xf32>,
      %broadcast_in_dim3A_264 = arith.constant 53 : i32
      %broadcast_in_dim3A_265 = vector.broadcast %broadcast_in_dim3A_264 : i32 to vector<16xi32>
      tpu.vector_store_idx %arg21[%add3A_185, %broadcast_in_dim3A_265], %gather3A_261 : memref<512x128xf32, #tpu.memory_space<vmem>>[vector<16xi32>, vector<16xi32>], vector<16xf32>,
      %broadcast_in_dim3A_266 = arith.constant 11 : i32
      %broadcast_in_dim3A_267 = vector.broadcast %broadcast_in_dim3A_266 : i32 to vector<16xi32>
      %gather3A_268 = tpu.vector_load_idx %arg16[%add3A_185, %broadcast_in_dim3A_267] : memref<512x48xf32, #tpu.memory_space<vmem>>[vector<16xi32>, vector<16xi32>], vector<16xf32>,
      %broadcast_in_dim3A_269 = arith.constant 11 : i32
      %broadcast_in_dim3A_270 = vector.broadcast %broadcast_in_dim3A_269 : i32 to vector<16xi32>
      tpu.vector_store_idx %arg21[%add3A_185, %broadcast_in_dim3A_270], %gather3A_268 : memref<512x128xf32, #tpu.memory_space<vmem>>[vector<16xi32>, vector<16xi32>], vector<16xf32>,
      %broadcast_in_dim3A_271 = arith.constant 54 : i32
      %broadcast_in_dim3A_272 = vector.broadcast %broadcast_in_dim3A_271 : i32 to vector<16xi32>
      tpu.vector_store_idx %arg21[%add3A_185, %broadcast_in_dim3A_272], %gather3A_268 : memref<512x128xf32, #tpu.memory_space<vmem>>[vector<16xi32>, vector<16xi32>], vector<16xf32>,
      %broadcast_in_dim3A_273 = arith.constant 12 : i32
      %broadcast_in_dim3A_274 = vector.broadcast %broadcast_in_dim3A_273 : i32 to vector<16xi32>
      %gather3A_275 = tpu.vector_load_idx %arg16[%add3A_185, %broadcast_in_dim3A_274] : memref<512x48xf32, #tpu.memory_space<vmem>>[vector<16xi32>, vector<16xi32>], vector<16xf32>,
      %broadcast_in_dim3A_276 = arith.constant 12 : i32
      %broadcast_in_dim3A_277 = vector.broadcast %broadcast_in_dim3A_276 : i32 to vector<16xi32>
      tpu.vector_store_idx %arg21[%add3A_185, %broadcast_in_dim3A_277], %gather3A_275 : memref<512x128xf32, #tpu.memory_space<vmem>>[vector<16xi32>, vector<16xi32>], vector<16xf32>,
      %broadcast_in_dim3A_278 = arith.constant 55 : i32
      %broadcast_in_dim3A_279 = vector.broadcast %broadcast_in_dim3A_278 : i32 to vector<16xi32>
      tpu.vector_store_idx %arg21[%add3A_185, %broadcast_in_dim3A_279], %gather3A_275 : memref<512x128xf32, #tpu.memory_space<vmem>>[vector<16xi32>, vector<16xi32>], vector<16xf32>,
      %broadcast_in_dim3A_280 = arith.constant 13 : i32
      %broadcast_in_dim3A_281 = vector.broadcast %broadcast_in_dim3A_280 : i32 to vector<16xi32>
      %gather3A_282 = tpu.vector_load_idx %arg16[%add3A_185, %broadcast_in_dim3A_281] : memref<512x48xf32, #tpu.memory_space<vmem>>[vector<16xi32>, vector<16xi32>], vector<16xf32>,
      %broadcast_in_dim3A_283 = arith.constant 13 : i32
      %broadcast_in_dim3A_284 = vector.broadcast %broadcast_in_dim3A_283 : i32 to vector<16xi32>
      tpu.vector_store_idx %arg21[%add3A_185, %broadcast_in_dim3A_284], %gather3A_282 : memref<512x128xf32, #tpu.memory_space<vmem>>[vector<16xi32>, vector<16xi32>], vector<16xf32>,
      %broadcast_in_dim3A_285 = arith.constant 56 : i32
      %broadcast_in_dim3A_286 = vector.broadcast %broadcast_in_dim3A_285 : i32 to vector<16xi32>
      tpu.vector_store_idx %arg21[%add3A_185, %broadcast_in_dim3A_286], %gather3A_282 : memref<512x128xf32, #tpu.memory_space<vmem>>[vector<16xi32>, vector<16xi32>], vector<16xf32>,
      %broadcast_in_dim3A_287 = arith.constant 14 : i32
      %broadcast_in_dim3A_288 = vector.broadcast %broadcast_in_dim3A_287 : i32 to vector<16xi32>
      %gather3A_289 = tpu.vector_load_idx %arg16[%add3A_185, %broadcast_in_dim3A_288] : memref<512x48xf32, #tpu.memory_space<vmem>>[vector<16xi32>, vector<16xi32>], vector<16xf32>,
      %broadcast_in_dim3A_290 = arith.constant 14 : i32
      %broadcast_in_dim3A_291 = vector.broadcast %broadcast_in_dim3A_290 : i32 to vector<16xi32>
      tpu.vector_store_idx %arg21[%add3A_185, %broadcast_in_dim3A_291], %gather3A_289 : memref<512x128xf32, #tpu.memory_space<vmem>>[vector<16xi32>, vector<16xi32>], vector<16xf32>,
      %broadcast_in_dim3A_292 = arith.constant 57 : i32
      %broadcast_in_dim3A_293 = vector.broadcast %broadcast_in_dim3A_292 : i32 to vector<16xi32>
      tpu.vector_store_idx %arg21[%add3A_185, %broadcast_in_dim3A_293], %gather3A_289 : memref<512x128xf32, #tpu.memory_space<vmem>>[vector<16xi32>, vector<16xi32>], vector<16xf32>,
      %broadcast_in_dim3A_294 = arith.constant 15 : i32
      %broadcast_in_dim3A_295 = vector.broadcast %broadcast_in_dim3A_294 : i32 to vector<16xi32>
      %gather3A_296 = tpu.vector_load_idx %arg16[%add3A_185, %broadcast_in_dim3A_295] : memref<512x48xf32, #tpu.memory_space<vmem>>[vector<16xi32>, vector<16xi32>], vector<16xf32>,
      %broadcast_in_dim3A_297 = arith.constant 15 : i32
      %broadcast_in_dim3A_298 = vector.broadcast %broadcast_in_dim3A_297 : i32 to vector<16xi32>
      tpu.vector_store_idx %arg21[%add3A_185, %broadcast_in_dim3A_298], %gather3A_296 : memref<512x128xf32, #tpu.memory_space<vmem>>[vector<16xi32>, vector<16xi32>], vector<16xf32>,
      %broadcast_in_dim3A_299 = arith.constant 58 : i32
      %broadcast_in_dim3A_300 = vector.broadcast %broadcast_in_dim3A_299 : i32 to vector<16xi32>
      tpu.vector_store_idx %arg21[%add3A_185, %broadcast_in_dim3A_300], %gather3A_296 : memref<512x128xf32, #tpu.memory_space<vmem>>[vector<16xi32>, vector<16xi32>], vector<16xf32>,
      %broadcast_in_dim3A_301 = arith.constant 16 : i32
      %broadcast_in_dim3A_302 = vector.broadcast %broadcast_in_dim3A_301 : i32 to vector<16xi32>
      %gather3A_303 = tpu.vector_load_idx %arg16[%add3A_185, %broadcast_in_dim3A_302] : memref<512x48xf32, #tpu.memory_space<vmem>>[vector<16xi32>, vector<16xi32>], vector<16xf32>,
      %broadcast_in_dim3A_304 = arith.constant 16 : i32
      %broadcast_in_dim3A_305 = vector.broadcast %broadcast_in_dim3A_304 : i32 to vector<16xi32>
      tpu.vector_store_idx %arg21[%add3A_185, %broadcast_in_dim3A_305], %gather3A_303 : memref<512x128xf32, #tpu.memory_space<vmem>>[vector<16xi32>, vector<16xi32>], vector<16xf32>,
      %broadcast_in_dim3A_306 = arith.constant 59 : i32
      %broadcast_in_dim3A_307 = vector.broadcast %broadcast_in_dim3A_306 : i32 to vector<16xi32>
      tpu.vector_store_idx %arg21[%add3A_185, %broadcast_in_dim3A_307], %gather3A_303 : memref<512x128xf32, #tpu.memory_space<vmem>>[vector<16xi32>, vector<16xi32>], vector<16xf32>,
      %broadcast_in_dim3A_308 = arith.constant 17 : i32
      %broadcast_in_dim3A_309 = vector.broadcast %broadcast_in_dim3A_308 : i32 to vector<16xi32>
      %gather3A_310 = tpu.vector_load_idx %arg16[%add3A_185, %broadcast_in_dim3A_309] : memref<512x48xf32, #tpu.memory_space<vmem>>[vector<16xi32>, vector<16xi32>], vector<16xf32>,
      %broadcast_in_dim3A_311 = arith.constant 17 : i32
      %broadcast_in_dim3A_312 = vector.broadcast %broadcast_in_dim3A_311 : i32 to vector<16xi32>
      tpu.vector_store_idx %arg21[%add3A_185, %broadcast_in_dim3A_312], %gather3A_310 : memref<512x128xf32, #tpu.memory_space<vmem>>[vector<16xi32>, vector<16xi32>], vector<16xf32>,
      %broadcast_in_dim3A_313 = arith.constant 60 : i32
      %broadcast_in_dim3A_314 = vector.broadcast %broadcast_in_dim3A_313 : i32 to vector<16xi32>
      tpu.vector_store_idx %arg21[%add3A_185, %broadcast_in_dim3A_314], %gather3A_310 : memref<512x128xf32, #tpu.memory_space<vmem>>[vector<16xi32>, vector<16xi32>], vector<16xf32>,
      %broadcast_in_dim3A_315 = arith.constant 18 : i32
      %broadcast_in_dim3A_316 = vector.broadcast %broadcast_in_dim3A_315 : i32 to vector<16xi32>
      %gather3A_317 = tpu.vector_load_idx %arg16[%add3A_185, %broadcast_in_dim3A_316] : memref<512x48xf32, #tpu.memory_space<vmem>>[vector<16xi32>, vector<16xi32>], vector<16xf32>,
      %broadcast_in_dim3A_318 = arith.constant 18 : i32
      %broadcast_in_dim3A_319 = vector.broadcast %broadcast_in_dim3A_318 : i32 to vector<16xi32>
      tpu.vector_store_idx %arg21[%add3A_185, %broadcast_in_dim3A_319], %gather3A_317 : memref<512x128xf32, #tpu.memory_space<vmem>>[vector<16xi32>, vector<16xi32>], vector<16xf32>,
      %broadcast_in_dim3A_320 = arith.constant 61 : i32
      %broadcast_in_dim3A_321 = vector.broadcast %broadcast_in_dim3A_320 : i32 to vector<16xi32>
      tpu.vector_store_idx %arg21[%add3A_185, %broadcast_in_dim3A_321], %gather3A_317 : memref<512x128xf32, #tpu.memory_space<vmem>>[vector<16xi32>, vector<16xi32>], vector<16xf32>,
      %broadcast_in_dim3A_322 = arith.constant 19 : i32
      %broadcast_in_dim3A_323 = vector.broadcast %broadcast_in_dim3A_322 : i32 to vector<16xi32>
      %gather3A_324 = tpu.vector_load_idx %arg16[%add3A_185, %broadcast_in_dim3A_323] : memref<512x48xf32, #tpu.memory_space<vmem>>[vector<16xi32>, vector<16xi32>], vector<16xf32>,
      %broadcast_in_dim3A_325 = arith.constant 19 : i32
      %broadcast_in_dim3A_326 = vector.broadcast %broadcast_in_dim3A_325 : i32 to vector<16xi32>
      tpu.vector_store_idx %arg21[%add3A_185, %broadcast_in_dim3A_326], %gather3A_324 : memref<512x128xf32, #tpu.memory_space<vmem>>[vector<16xi32>, vector<16xi32>], vector<16xf32>,
      %broadcast_in_dim3A_327 = arith.constant 62 : i32
      %broadcast_in_dim3A_328 = vector.broadcast %broadcast_in_dim3A_327 : i32 to vector<16xi32>
      tpu.vector_store_idx %arg21[%add3A_185, %broadcast_in_dim3A_328], %gather3A_324 : memref<512x128xf32, #tpu.memory_space<vmem>>[vector<16xi32>, vector<16xi32>], vector<16xf32>,
      %broadcast_in_dim3A_329 = arith.constant 20 : i32
      %broadcast_in_dim3A_330 = vector.broadcast %broadcast_in_dim3A_329 : i32 to vector<16xi32>
      %gather3A_331 = tpu.vector_load_idx %arg16[%add3A_185, %broadcast_in_dim3A_330] : memref<512x48xf32, #tpu.memory_space<vmem>>[vector<16xi32>, vector<16xi32>], vector<16xf32>,
      %broadcast_in_dim3A_332 = arith.constant 20 : i32
      %broadcast_in_dim3A_333 = vector.broadcast %broadcast_in_dim3A_332 : i32 to vector<16xi32>
      tpu.vector_store_idx %arg21[%add3A_185, %broadcast_in_dim3A_333], %gather3A_331 : memref<512x128xf32, #tpu.memory_space<vmem>>[vector<16xi32>, vector<16xi32>], vector<16xf32>,
      %broadcast_in_dim3A_334 = arith.constant 63 : i32
      %broadcast_in_dim3A_335 = vector.broadcast %broadcast_in_dim3A_334 : i32 to vector<16xi32>
      tpu.vector_store_idx %arg21[%add3A_185, %broadcast_in_dim3A_335], %gather3A_331 : memref<512x128xf32, #tpu.memory_space<vmem>>[vector<16xi32>, vector<16xi32>], vector<16xf32>,
      %broadcast_in_dim3A_336 = arith.constant 21 : i32
      %broadcast_in_dim3A_337 = vector.broadcast %broadcast_in_dim3A_336 : i32 to vector<16xi32>
      %gather3A_338 = tpu.vector_load_idx %arg16[%add3A_185, %broadcast_in_dim3A_337] : memref<512x48xf32, #tpu.memory_space<vmem>>[vector<16xi32>, vector<16xi32>], vector<16xf32>,
      %broadcast_in_dim3A_339 = arith.constant 21 : i32
      %broadcast_in_dim3A_340 = vector.broadcast %broadcast_in_dim3A_339 : i32 to vector<16xi32>
      tpu.vector_store_idx %arg21[%add3A_185, %broadcast_in_dim3A_340], %gather3A_338 : memref<512x128xf32, #tpu.memory_space<vmem>>[vector<16xi32>, vector<16xi32>], vector<16xf32>,
      %broadcast_in_dim3A_341 = arith.constant 64 : i32
      %broadcast_in_dim3A_342 = vector.broadcast %broadcast_in_dim3A_341 : i32 to vector<16xi32>
      tpu.vector_store_idx %arg21[%add3A_185, %broadcast_in_dim3A_342], %gather3A_338 : memref<512x128xf32, #tpu.memory_space<vmem>>[vector<16xi32>, vector<16xi32>], vector<16xf32>,
      %broadcast_in_dim3A_343 = arith.constant 22 : i32
      %broadcast_in_dim3A_344 = vector.broadcast %broadcast_in_dim3A_343 : i32 to vector<16xi32>
      %gather3A_345 = tpu.vector_load_idx %arg16[%add3A_185, %broadcast_in_dim3A_344] : memref<512x48xf32, #tpu.memory_space<vmem>>[vector<16xi32>, vector<16xi32>], vector<16xf32>,
      %broadcast_in_dim3A_346 = arith.constant 22 : i32
      %broadcast_in_dim3A_347 = vector.broadcast %broadcast_in_dim3A_346 : i32 to vector<16xi32>
      tpu.vector_store_idx %arg21[%add3A_185, %broadcast_in_dim3A_347], %gather3A_345 : memref<512x128xf32, #tpu.memory_space<vmem>>[vector<16xi32>, vector<16xi32>], vector<16xf32>,
      %broadcast_in_dim3A_348 = arith.constant 65 : i32
      %broadcast_in_dim3A_349 = vector.broadcast %broadcast_in_dim3A_348 : i32 to vector<16xi32>
      tpu.vector_store_idx %arg21[%add3A_185, %broadcast_in_dim3A_349], %gather3A_345 : memref<512x128xf32, #tpu.memory_space<vmem>>[vector<16xi32>, vector<16xi32>], vector<16xf32>,
      %broadcast_in_dim3A_350 = arith.constant 23 : i32
      %broadcast_in_dim3A_351 = vector.broadcast %broadcast_in_dim3A_350 : i32 to vector<16xi32>
      %gather3A_352 = tpu.vector_load_idx %arg16[%add3A_185, %broadcast_in_dim3A_351] : memref<512x48xf32, #tpu.memory_space<vmem>>[vector<16xi32>, vector<16xi32>], vector<16xf32>,
      %broadcast_in_dim3A_353 = arith.constant 23 : i32
      %broadcast_in_dim3A_354 = vector.broadcast %broadcast_in_dim3A_353 : i32 to vector<16xi32>
      tpu.vector_store_idx %arg21[%add3A_185, %broadcast_in_dim3A_354], %gather3A_352 : memref<512x128xf32, #tpu.memory_space<vmem>>[vector<16xi32>, vector<16xi32>], vector<16xf32>,
      %broadcast_in_dim3A_355 = arith.constant 66 : i32
      %broadcast_in_dim3A_356 = vector.broadcast %broadcast_in_dim3A_355 : i32 to vector<16xi32>
      tpu.vector_store_idx %arg21[%add3A_185, %broadcast_in_dim3A_356], %gather3A_352 : memref<512x128xf32, #tpu.memory_space<vmem>>[vector<16xi32>, vector<16xi32>], vector<16xf32>,
      %broadcast_in_dim3A_357 = arith.constant 24 : i32
      %broadcast_in_dim3A_358 = vector.broadcast %broadcast_in_dim3A_357 : i32 to vector<16xi32>
      %gather3A_359 = tpu.vector_load_idx %arg16[%add3A_185, %broadcast_in_dim3A_358] : memref<512x48xf32, #tpu.memory_space<vmem>>[vector<16xi32>, vector<16xi32>], vector<16xf32>,
      %broadcast_in_dim3A_360 = arith.constant 24 : i32
      %broadcast_in_dim3A_361 = vector.broadcast %broadcast_in_dim3A_360 : i32 to vector<16xi32>
      tpu.vector_store_idx %arg21[%add3A_185, %broadcast_in_dim3A_361], %gather3A_359 : memref<512x128xf32, #tpu.memory_space<vmem>>[vector<16xi32>, vector<16xi32>], vector<16xf32>,
      %broadcast_in_dim3A_362 = arith.constant 67 : i32
      %broadcast_in_dim3A_363 = vector.broadcast %broadcast_in_dim3A_362 : i32 to vector<16xi32>
      tpu.vector_store_idx %arg21[%add3A_185, %broadcast_in_dim3A_363], %gather3A_359 : memref<512x128xf32, #tpu.memory_space<vmem>>[vector<16xi32>, vector<16xi32>], vector<16xf32>,
      %broadcast_in_dim3A_364 = arith.constant 25 : i32
      %broadcast_in_dim3A_365 = vector.broadcast %broadcast_in_dim3A_364 : i32 to vector<16xi32>
      %gather3A_366 = tpu.vector_load_idx %arg16[%add3A_185, %broadcast_in_dim3A_365] : memref<512x48xf32, #tpu.memory_space<vmem>>[vector<16xi32>, vector<16xi32>], vector<16xf32>,
      %broadcast_in_dim3A_367 = arith.constant 25 : i32
      %broadcast_in_dim3A_368 = vector.broadcast %broadcast_in_dim3A_367 : i32 to vector<16xi32>
      tpu.vector_store_idx %arg21[%add3A_185, %broadcast_in_dim3A_368], %gather3A_366 : memref<512x128xf32, #tpu.memory_space<vmem>>[vector<16xi32>, vector<16xi32>], vector<16xf32>,
      %broadcast_in_dim3A_369 = arith.constant 68 : i32
      %broadcast_in_dim3A_370 = vector.broadcast %broadcast_in_dim3A_369 : i32 to vector<16xi32>
      tpu.vector_store_idx %arg21[%add3A_185, %broadcast_in_dim3A_370], %gather3A_366 : memref<512x128xf32, #tpu.memory_space<vmem>>[vector<16xi32>, vector<16xi32>], vector<16xf32>,
      %broadcast_in_dim3A_371 = arith.constant 26 : i32
      %broadcast_in_dim3A_372 = vector.broadcast %broadcast_in_dim3A_371 : i32 to vector<16xi32>
      %gather3A_373 = tpu.vector_load_idx %arg16[%add3A_185, %broadcast_in_dim3A_372] : memref<512x48xf32, #tpu.memory_space<vmem>>[vector<16xi32>, vector<16xi32>], vector<16xf32>,
      %broadcast_in_dim3A_374 = arith.constant 26 : i32
      %broadcast_in_dim3A_375 = vector.broadcast %broadcast_in_dim3A_374 : i32 to vector<16xi32>
      tpu.vector_store_idx %arg21[%add3A_185, %broadcast_in_dim3A_375], %gather3A_373 : memref<512x128xf32, #tpu.memory_space<vmem>>[vector<16xi32>, vector<16xi32>], vector<16xf32>,
      %broadcast_in_dim3A_376 = arith.constant 69 : i32
      %broadcast_in_dim3A_377 = vector.broadcast %broadcast_in_dim3A_376 : i32 to vector<16xi32>
      tpu.vector_store_idx %arg21[%add3A_185, %broadcast_in_dim3A_377], %gather3A_373 : memref<512x128xf32, #tpu.memory_space<vmem>>[vector<16xi32>, vector<16xi32>], vector<16xf32>,
      %broadcast_in_dim3A_378 = arith.constant 27 : i32
      %broadcast_in_dim3A_379 = vector.broadcast %broadcast_in_dim3A_378 : i32 to vector<16xi32>
      %gather3A_380 = tpu.vector_load_idx %arg16[%add3A_185, %broadcast_in_dim3A_379] : memref<512x48xf32, #tpu.memory_space<vmem>>[vector<16xi32>, vector<16xi32>], vector<16xf32>,
      %broadcast_in_dim3A_381 = arith.constant 27 : i32
      %broadcast_in_dim3A_382 = vector.broadcast %broadcast_in_dim3A_381 : i32 to vector<16xi32>
      tpu.vector_store_idx %arg21[%add3A_185, %broadcast_in_dim3A_382], %gather3A_380 : memref<512x128xf32, #tpu.memory_space<vmem>>[vector<16xi32>, vector<16xi32>], vector<16xf32>,
      %broadcast_in_dim3A_383 = arith.constant 70 : i32
      %broadcast_in_dim3A_384 = vector.broadcast %broadcast_in_dim3A_383 : i32 to vector<16xi32>
      tpu.vector_store_idx %arg21[%add3A_185, %broadcast_in_dim3A_384], %gather3A_380 : memref<512x128xf32, #tpu.memory_space<vmem>>[vector<16xi32>, vector<16xi32>], vector<16xf32>,
      %broadcast_in_dim3A_385 = arith.constant 28 : i32
      %broadcast_in_dim3A_386 = vector.broadcast %broadcast_in_dim3A_385 : i32 to vector<16xi32>
      %gather3A_387 = tpu.vector_load_idx %arg16[%add3A_185, %broadcast_in_dim3A_386] : memref<512x48xf32, #tpu.memory_space<vmem>>[vector<16xi32>, vector<16xi32>], vector<16xf32>,
      %broadcast_in_dim3A_388 = arith.constant 28 : i32
      %broadcast_in_dim3A_389 = vector.broadcast %broadcast_in_dim3A_388 : i32 to vector<16xi32>
      tpu.vector_store_idx %arg21[%add3A_185, %broadcast_in_dim3A_389], %gather3A_387 : memref<512x128xf32, #tpu.memory_space<vmem>>[vector<16xi32>, vector<16xi32>], vector<16xf32>,
      %broadcast_in_dim3A_390 = arith.constant 71 : i32
      %broadcast_in_dim3A_391 = vector.broadcast %broadcast_in_dim3A_390 : i32 to vector<16xi32>
      tpu.vector_store_idx %arg21[%add3A_185, %broadcast_in_dim3A_391], %gather3A_387 : memref<512x128xf32, #tpu.memory_space<vmem>>[vector<16xi32>, vector<16xi32>], vector<16xf32>,
      %broadcast_in_dim3A_392 = arith.constant 29 : i32
      %broadcast_in_dim3A_393 = vector.broadcast %broadcast_in_dim3A_392 : i32 to vector<16xi32>
      %gather3A_394 = tpu.vector_load_idx %arg16[%add3A_185, %broadcast_in_dim3A_393] : memref<512x48xf32, #tpu.memory_space<vmem>>[vector<16xi32>, vector<16xi32>], vector<16xf32>,
      %broadcast_in_dim3A_395 = arith.constant 29 : i32
      %broadcast_in_dim3A_396 = vector.broadcast %broadcast_in_dim3A_395 : i32 to vector<16xi32>
      tpu.vector_store_idx %arg21[%add3A_185, %broadcast_in_dim3A_396], %gather3A_394 : memref<512x128xf32, #tpu.memory_space<vmem>>[vector<16xi32>, vector<16xi32>], vector<16xf32>,
      %broadcast_in_dim3A_397 = arith.constant 72 : i32
      %broadcast_in_dim3A_398 = vector.broadcast %broadcast_in_dim3A_397 : i32 to vector<16xi32>
      tpu.vector_store_idx %arg21[%add3A_185, %broadcast_in_dim3A_398], %gather3A_394 : memref<512x128xf32, #tpu.memory_space<vmem>>[vector<16xi32>, vector<16xi32>], vector<16xf32>,
      %broadcast_in_dim3A_399 = arith.constant 30 : i32
      %broadcast_in_dim3A_400 = vector.broadcast %broadcast_in_dim3A_399 : i32 to vector<16xi32>
      %gather3A_401 = tpu.vector_load_idx %arg16[%add3A_185, %broadcast_in_dim3A_400] : memref<512x48xf32, #tpu.memory_space<vmem>>[vector<16xi32>, vector<16xi32>], vector<16xf32>,
      %broadcast_in_dim3A_402 = arith.constant 30 : i32
      %broadcast_in_dim3A_403 = vector.broadcast %broadcast_in_dim3A_402 : i32 to vector<16xi32>
      tpu.vector_store_idx %arg21[%add3A_185, %broadcast_in_dim3A_403], %gather3A_401 : memref<512x128xf32, #tpu.memory_space<vmem>>[vector<16xi32>, vector<16xi32>], vector<16xf32>,
      %broadcast_in_dim3A_404 = arith.constant 73 : i32
      %broadcast_in_dim3A_405 = vector.broadcast %broadcast_in_dim3A_404 : i32 to vector<16xi32>
      tpu.vector_store_idx %arg21[%add3A_185, %broadcast_in_dim3A_405], %gather3A_401 : memref<512x128xf32, #tpu.memory_space<vmem>>[vector<16xi32>, vector<16xi32>], vector<16xf32>,
      %broadcast_in_dim3A_406 = arith.constant 31 : i32
      %broadcast_in_dim3A_407 = vector.broadcast %broadcast_in_dim3A_406 : i32 to vector<16xi32>
      %gather3A_408 = tpu.vector_load_idx %arg16[%add3A_185, %broadcast_in_dim3A_407] : memref<512x48xf32, #tpu.memory_space<vmem>>[vector<16xi32>, vector<16xi32>], vector<16xf32>,
      %broadcast_in_dim3A_409 = arith.constant 31 : i32
      %broadcast_in_dim3A_410 = vector.broadcast %broadcast_in_dim3A_409 : i32 to vector<16xi32>
      tpu.vector_store_idx %arg21[%add3A_185, %broadcast_in_dim3A_410], %gather3A_408 : memref<512x128xf32, #tpu.memory_space<vmem>>[vector<16xi32>, vector<16xi32>], vector<16xf32>,
      %broadcast_in_dim3A_411 = arith.constant 74 : i32
      %broadcast_in_dim3A_412 = vector.broadcast %broadcast_in_dim3A_411 : i32 to vector<16xi32>
      tpu.vector_store_idx %arg21[%add3A_185, %broadcast_in_dim3A_412], %gather3A_408 : memref<512x128xf32, #tpu.memory_space<vmem>>[vector<16xi32>, vector<16xi32>], vector<16xf32>,
      %broadcast_in_dim3A_413 = arith.constant 32 : i32
      %broadcast_in_dim3A_414 = vector.broadcast %broadcast_in_dim3A_413 : i32 to vector<16xi32>
      %gather3A_415 = tpu.vector_load_idx %arg16[%add3A_185, %broadcast_in_dim3A_414] : memref<512x48xf32, #tpu.memory_space<vmem>>[vector<16xi32>, vector<16xi32>], vector<16xf32>,
      %broadcast_in_dim3A_416 = arith.constant 32 : i32
      %broadcast_in_dim3A_417 = vector.broadcast %broadcast_in_dim3A_416 : i32 to vector<16xi32>
      tpu.vector_store_idx %arg21[%add3A_185, %broadcast_in_dim3A_417], %gather3A_415 : memref<512x128xf32, #tpu.memory_space<vmem>>[vector<16xi32>, vector<16xi32>], vector<16xf32>,
      %broadcast_in_dim3A_418 = arith.constant 75 : i32
      %broadcast_in_dim3A_419 = vector.broadcast %broadcast_in_dim3A_418 : i32 to vector<16xi32>
      tpu.vector_store_idx %arg21[%add3A_185, %broadcast_in_dim3A_419], %gather3A_415 : memref<512x128xf32, #tpu.memory_space<vmem>>[vector<16xi32>, vector<16xi32>], vector<16xf32>,
      %broadcast_in_dim3A_420 = arith.constant 33 : i32
      %broadcast_in_dim3A_421 = vector.broadcast %broadcast_in_dim3A_420 : i32 to vector<16xi32>
      %gather3A_422 = tpu.vector_load_idx %arg16[%add3A_185, %broadcast_in_dim3A_421] : memref<512x48xf32, #tpu.memory_space<vmem>>[vector<16xi32>, vector<16xi32>], vector<16xf32>,
      %broadcast_in_dim3A_423 = arith.constant 33 : i32
      %broadcast_in_dim3A_424 = vector.broadcast %broadcast_in_dim3A_423 : i32 to vector<16xi32>
      tpu.vector_store_idx %arg21[%add3A_185, %broadcast_in_dim3A_424], %gather3A_422 : memref<512x128xf32, #tpu.memory_space<vmem>>[vector<16xi32>, vector<16xi32>], vector<16xf32>,
      %broadcast_in_dim3A_425 = arith.constant 76 : i32
      %broadcast_in_dim3A_426 = vector.broadcast %broadcast_in_dim3A_425 : i32 to vector<16xi32>
      tpu.vector_store_idx %arg21[%add3A_185, %broadcast_in_dim3A_426], %gather3A_422 : memref<512x128xf32, #tpu.memory_space<vmem>>[vector<16xi32>, vector<16xi32>], vector<16xf32>,
      %broadcast_in_dim3A_427 = arith.constant 34 : i32
      %broadcast_in_dim3A_428 = vector.broadcast %broadcast_in_dim3A_427 : i32 to vector<16xi32>
      %gather3A_429 = tpu.vector_load_idx %arg16[%add3A_185, %broadcast_in_dim3A_428] : memref<512x48xf32, #tpu.memory_space<vmem>>[vector<16xi32>, vector<16xi32>], vector<16xf32>,
      %broadcast_in_dim3A_430 = arith.constant 34 : i32
      %broadcast_in_dim3A_431 = vector.broadcast %broadcast_in_dim3A_430 : i32 to vector<16xi32>
      tpu.vector_store_idx %arg21[%add3A_185, %broadcast_in_dim3A_431], %gather3A_429 : memref<512x128xf32, #tpu.memory_space<vmem>>[vector<16xi32>, vector<16xi32>], vector<16xf32>,
      %broadcast_in_dim3A_432 = arith.constant 77 : i32
      %broadcast_in_dim3A_433 = vector.broadcast %broadcast_in_dim3A_432 : i32 to vector<16xi32>
      tpu.vector_store_idx %arg21[%add3A_185, %broadcast_in_dim3A_433], %gather3A_429 : memref<512x128xf32, #tpu.memory_space<vmem>>[vector<16xi32>, vector<16xi32>], vector<16xf32>,
      %broadcast_in_dim3A_434 = arith.constant 35 : i32
      %broadcast_in_dim3A_435 = vector.broadcast %broadcast_in_dim3A_434 : i32 to vector<16xi32>
      %gather3A_436 = tpu.vector_load_idx %arg16[%add3A_185, %broadcast_in_dim3A_435] : memref<512x48xf32, #tpu.memory_space<vmem>>[vector<16xi32>, vector<16xi32>], vector<16xf32>,
      %broadcast_in_dim3A_437 = arith.constant 35 : i32
      %broadcast_in_dim3A_438 = vector.broadcast %broadcast_in_dim3A_437 : i32 to vector<16xi32>
      tpu.vector_store_idx %arg21[%add3A_185, %broadcast_in_dim3A_438], %gather3A_436 : memref<512x128xf32, #tpu.memory_space<vmem>>[vector<16xi32>, vector<16xi32>], vector<16xf32>,
      %broadcast_in_dim3A_439 = arith.constant 78 : i32
      %broadcast_in_dim3A_440 = vector.broadcast %broadcast_in_dim3A_439 : i32 to vector<16xi32>
      tpu.vector_store_idx %arg21[%add3A_185, %broadcast_in_dim3A_440], %gather3A_436 : memref<512x128xf32, #tpu.memory_space<vmem>>[vector<16xi32>, vector<16xi32>], vector<16xf32>,
      %broadcast_in_dim3A_441 = arith.constant 36 : i32
      %broadcast_in_dim3A_442 = vector.broadcast %broadcast_in_dim3A_441 : i32 to vector<16xi32>
      %gather3A_443 = tpu.vector_load_idx %arg16[%add3A_185, %broadcast_in_dim3A_442] : memref<512x48xf32, #tpu.memory_space<vmem>>[vector<16xi32>, vector<16xi32>], vector<16xf32>,
      %broadcast_in_dim3A_444 = arith.constant 36 : i32
      %broadcast_in_dim3A_445 = vector.broadcast %broadcast_in_dim3A_444 : i32 to vector<16xi32>
      tpu.vector_store_idx %arg21[%add3A_185, %broadcast_in_dim3A_445], %gather3A_443 : memref<512x128xf32, #tpu.memory_space<vmem>>[vector<16xi32>, vector<16xi32>], vector<16xf32>,
      %broadcast_in_dim3A_446 = arith.constant 79 : i32
      %broadcast_in_dim3A_447 = vector.broadcast %broadcast_in_dim3A_446 : i32 to vector<16xi32>
      tpu.vector_store_idx %arg21[%add3A_185, %broadcast_in_dim3A_447], %gather3A_443 : memref<512x128xf32, #tpu.memory_space<vmem>>[vector<16xi32>, vector<16xi32>], vector<16xf32>,
      %broadcast_in_dim3A_448 = arith.constant 37 : i32
      %broadcast_in_dim3A_449 = vector.broadcast %broadcast_in_dim3A_448 : i32 to vector<16xi32>
      %gather3A_450 = tpu.vector_load_idx %arg16[%add3A_185, %broadcast_in_dim3A_449] : memref<512x48xf32, #tpu.memory_space<vmem>>[vector<16xi32>, vector<16xi32>], vector<16xf32>,
      %broadcast_in_dim3A_451 = arith.constant 37 : i32
      %broadcast_in_dim3A_452 = vector.broadcast %broadcast_in_dim3A_451 : i32 to vector<16xi32>
      tpu.vector_store_idx %arg21[%add3A_185, %broadcast_in_dim3A_452], %gather3A_450 : memref<512x128xf32, #tpu.memory_space<vmem>>[vector<16xi32>, vector<16xi32>], vector<16xf32>,
      %broadcast_in_dim3A_453 = arith.constant 80 : i32
      %broadcast_in_dim3A_454 = vector.broadcast %broadcast_in_dim3A_453 : i32 to vector<16xi32>
      tpu.vector_store_idx %arg21[%add3A_185, %broadcast_in_dim3A_454], %gather3A_450 : memref<512x128xf32, #tpu.memory_space<vmem>>[vector<16xi32>, vector<16xi32>], vector<16xf32>,
      %broadcast_in_dim3A_455 = arith.constant 38 : i32
      %broadcast_in_dim3A_456 = vector.broadcast %broadcast_in_dim3A_455 : i32 to vector<16xi32>
      %gather3A_457 = tpu.vector_load_idx %arg16[%add3A_185, %broadcast_in_dim3A_456] : memref<512x48xf32, #tpu.memory_space<vmem>>[vector<16xi32>, vector<16xi32>], vector<16xf32>,
      %broadcast_in_dim3A_458 = arith.constant 38 : i32
      %broadcast_in_dim3A_459 = vector.broadcast %broadcast_in_dim3A_458 : i32 to vector<16xi32>
      tpu.vector_store_idx %arg21[%add3A_185, %broadcast_in_dim3A_459], %gather3A_457 : memref<512x128xf32, #tpu.memory_space<vmem>>[vector<16xi32>, vector<16xi32>], vector<16xf32>,
      %broadcast_in_dim3A_460 = arith.constant 81 : i32
      %broadcast_in_dim3A_461 = vector.broadcast %broadcast_in_dim3A_460 : i32 to vector<16xi32>
      tpu.vector_store_idx %arg21[%add3A_185, %broadcast_in_dim3A_461], %gather3A_457 : memref<512x128xf32, #tpu.memory_space<vmem>>[vector<16xi32>, vector<16xi32>], vector<16xf32>,
      %broadcast_in_dim3A_462 = arith.constant 39 : i32
      %broadcast_in_dim3A_463 = vector.broadcast %broadcast_in_dim3A_462 : i32 to vector<16xi32>
      %gather3A_464 = tpu.vector_load_idx %arg16[%add3A_185, %broadcast_in_dim3A_463] : memref<512x48xf32, #tpu.memory_space<vmem>>[vector<16xi32>, vector<16xi32>], vector<16xf32>,
      %broadcast_in_dim3A_465 = arith.constant 39 : i32
      %broadcast_in_dim3A_466 = vector.broadcast %broadcast_in_dim3A_465 : i32 to vector<16xi32>
      tpu.vector_store_idx %arg21[%add3A_185, %broadcast_in_dim3A_466], %gather3A_464 : memref<512x128xf32, #tpu.memory_space<vmem>>[vector<16xi32>, vector<16xi32>], vector<16xf32>,
      %broadcast_in_dim3A_467 = arith.constant 82 : i32
      %broadcast_in_dim3A_468 = vector.broadcast %broadcast_in_dim3A_467 : i32 to vector<16xi32>
      tpu.vector_store_idx %arg21[%add3A_185, %broadcast_in_dim3A_468], %gather3A_464 : memref<512x128xf32, #tpu.memory_space<vmem>>[vector<16xi32>, vector<16xi32>], vector<16xf32>,
      %broadcast_in_dim3A_469 = arith.constant 40 : i32
      %broadcast_in_dim3A_470 = vector.broadcast %broadcast_in_dim3A_469 : i32 to vector<16xi32>
      %gather3A_471 = tpu.vector_load_idx %arg16[%add3A_185, %broadcast_in_dim3A_470] : memref<512x48xf32, #tpu.memory_space<vmem>>[vector<16xi32>, vector<16xi32>], vector<16xf32>,
      %broadcast_in_dim3A_472 = arith.constant 40 : i32
      %broadcast_in_dim3A_473 = vector.broadcast %broadcast_in_dim3A_472 : i32 to vector<16xi32>
      tpu.vector_store_idx %arg21[%add3A_185, %broadcast_in_dim3A_473], %gather3A_471 : memref<512x128xf32, #tpu.memory_space<vmem>>[vector<16xi32>, vector<16xi32>], vector<16xf32>,
      %broadcast_in_dim3A_474 = arith.constant 83 : i32
      %broadcast_in_dim3A_475 = vector.broadcast %broadcast_in_dim3A_474 : i32 to vector<16xi32>
      tpu.vector_store_idx %arg21[%add3A_185, %broadcast_in_dim3A_475], %gather3A_471 : memref<512x128xf32, #tpu.memory_space<vmem>>[vector<16xi32>, vector<16xi32>], vector<16xf32>,
      %broadcast_in_dim3A_476 = arith.constant 41 : i32
      %broadcast_in_dim3A_477 = vector.broadcast %broadcast_in_dim3A_476 : i32 to vector<16xi32>
      %gather3A_478 = tpu.vector_load_idx %arg16[%add3A_185, %broadcast_in_dim3A_477] : memref<512x48xf32, #tpu.memory_space<vmem>>[vector<16xi32>, vector<16xi32>], vector<16xf32>,
      %broadcast_in_dim3A_479 = arith.constant 41 : i32
      %broadcast_in_dim3A_480 = vector.broadcast %broadcast_in_dim3A_479 : i32 to vector<16xi32>
      tpu.vector_store_idx %arg21[%add3A_185, %broadcast_in_dim3A_480], %gather3A_478 : memref<512x128xf32, #tpu.memory_space<vmem>>[vector<16xi32>, vector<16xi32>], vector<16xf32>,
      %broadcast_in_dim3A_481 = arith.constant 84 : i32
      %broadcast_in_dim3A_482 = vector.broadcast %broadcast_in_dim3A_481 : i32 to vector<16xi32>
      tpu.vector_store_idx %arg21[%add3A_185, %broadcast_in_dim3A_482], %gather3A_478 : memref<512x128xf32, #tpu.memory_space<vmem>>[vector<16xi32>, vector<16xi32>], vector<16xf32>,
      %broadcast_in_dim3A_483 = arith.constant 42 : i32
      %broadcast_in_dim3A_484 = vector.broadcast %broadcast_in_dim3A_483 : i32 to vector<16xi32>
      %gather3A_485 = tpu.vector_load_idx %arg16[%add3A_185, %broadcast_in_dim3A_484] : memref<512x48xf32, #tpu.memory_space<vmem>>[vector<16xi32>, vector<16xi32>], vector<16xf32>,
      %broadcast_in_dim3A_486 = arith.constant 42 : i32
      %broadcast_in_dim3A_487 = vector.broadcast %broadcast_in_dim3A_486 : i32 to vector<16xi32>
      tpu.vector_store_idx %arg21[%add3A_185, %broadcast_in_dim3A_487], %gather3A_485 : memref<512x128xf32, #tpu.memory_space<vmem>>[vector<16xi32>, vector<16xi32>], vector<16xf32>,
      %broadcast_in_dim3A_488 = arith.constant 85 : i32
      %broadcast_in_dim3A_489 = vector.broadcast %broadcast_in_dim3A_488 : i32 to vector<16xi32>
      tpu.vector_store_idx %arg21[%add3A_185, %broadcast_in_dim3A_489], %gather3A_485 : memref<512x128xf32, #tpu.memory_space<vmem>>[vector<16xi32>, vector<16xi32>], vector<16xf32>,
      %broadcast_in_dim3A_490 = arith.constant 0 : i32
      %broadcast_in_dim3A_491 = vector.broadcast %broadcast_in_dim3A_490 : i32 to vector<16xi32>
      %gather3A_492 = tpu.vector_load_idx %arg18[%get3A_187, %broadcast_in_dim3A_491] : memref<256x10xf32, #tpu.memory_space<vmem>>[vector<16xi32>, vector<16xi32>], vector<16xf32>,
      %broadcast_in_dim3A_493 = arith.constant 86 : i32
      %broadcast_in_dim3A_494 = vector.broadcast %broadcast_in_dim3A_493 : i32 to vector<16xi32>
      tpu.vector_store_idx %arg21[%add3A_185, %broadcast_in_dim3A_494], %gather3A_492 : memref<512x128xf32, #tpu.memory_space<vmem>>[vector<16xi32>, vector<16xi32>], vector<16xf32>,
      %broadcast_in_dim3A_495 = arith.constant 96 : i32
      %broadcast_in_dim3A_496 = vector.broadcast %broadcast_in_dim3A_495 : i32 to vector<16xi32>
      tpu.vector_store_idx %arg21[%add3A_185, %broadcast_in_dim3A_496], %gather3A_492 : memref<512x128xf32, #tpu.memory_space<vmem>>[vector<16xi32>, vector<16xi32>], vector<16xf32>,
      %broadcast_in_dim3A_497 = arith.constant 1 : i32
      %broadcast_in_dim3A_498 = vector.broadcast %broadcast_in_dim3A_497 : i32 to vector<16xi32>
      %gather3A_499 = tpu.vector_load_idx %arg18[%get3A_187, %broadcast_in_dim3A_498] : memref<256x10xf32, #tpu.memory_space<vmem>>[vector<16xi32>, vector<16xi32>], vector<16xf32>,
      %broadcast_in_dim3A_500 = arith.constant 87 : i32
      %broadcast_in_dim3A_501 = vector.broadcast %broadcast_in_dim3A_500 : i32 to vector<16xi32>
      tpu.vector_store_idx %arg21[%add3A_185, %broadcast_in_dim3A_501], %gather3A_499 : memref<512x128xf32, #tpu.memory_space<vmem>>[vector<16xi32>, vector<16xi32>], vector<16xf32>,
      %broadcast_in_dim3A_502 = arith.constant 97 : i32
      %broadcast_in_dim3A_503 = vector.broadcast %broadcast_in_dim3A_502 : i32 to vector<16xi32>
      tpu.vector_store_idx %arg21[%add3A_185, %broadcast_in_dim3A_503], %gather3A_499 : memref<512x128xf32, #tpu.memory_space<vmem>>[vector<16xi32>, vector<16xi32>], vector<16xf32>,
      %broadcast_in_dim3A_504 = arith.constant 2 : i32
      %broadcast_in_dim3A_505 = vector.broadcast %broadcast_in_dim3A_504 : i32 to vector<16xi32>
      %gather3A_506 = tpu.vector_load_idx %arg18[%get3A_187, %broadcast_in_dim3A_505] : memref<256x10xf32, #tpu.memory_space<vmem>>[vector<16xi32>, vector<16xi32>], vector<16xf32>,
      %broadcast_in_dim3A_507 = arith.constant 88 : i32
      %broadcast_in_dim3A_508 = vector.broadcast %broadcast_in_dim3A_507 : i32 to vector<16xi32>
      tpu.vector_store_idx %arg21[%add3A_185, %broadcast_in_dim3A_508], %gather3A_506 : memref<512x128xf32, #tpu.memory_space<vmem>>[vector<16xi32>, vector<16xi32>], vector<16xf32>,
      %broadcast_in_dim3A_509 = arith.constant 98 : i32
      %broadcast_in_dim3A_510 = vector.broadcast %broadcast_in_dim3A_509 : i32 to vector<16xi32>
      tpu.vector_store_idx %arg21[%add3A_185, %broadcast_in_dim3A_510], %gather3A_506 : memref<512x128xf32, #tpu.memory_space<vmem>>[vector<16xi32>, vector<16xi32>], vector<16xf32>,
      %broadcast_in_dim3A_511 = arith.constant 3 : i32
      %broadcast_in_dim3A_512 = vector.broadcast %broadcast_in_dim3A_511 : i32 to vector<16xi32>
      %gather3A_513 = tpu.vector_load_idx %arg18[%get3A_187, %broadcast_in_dim3A_512] : memref<256x10xf32, #tpu.memory_space<vmem>>[vector<16xi32>, vector<16xi32>], vector<16xf32>,
      %broadcast_in_dim3A_514 = arith.constant 89 : i32
      %broadcast_in_dim3A_515 = vector.broadcast %broadcast_in_dim3A_514 : i32 to vector<16xi32>
      tpu.vector_store_idx %arg21[%add3A_185, %broadcast_in_dim3A_515], %gather3A_513 : memref<512x128xf32, #tpu.memory_space<vmem>>[vector<16xi32>, vector<16xi32>], vector<16xf32>,
      %broadcast_in_dim3A_516 = arith.constant 99 : i32
      %broadcast_in_dim3A_517 = vector.broadcast %broadcast_in_dim3A_516 : i32 to vector<16xi32>
      tpu.vector_store_idx %arg21[%add3A_185, %broadcast_in_dim3A_517], %gather3A_513 : memref<512x128xf32, #tpu.memory_space<vmem>>[vector<16xi32>, vector<16xi32>], vector<16xf32>,
      %broadcast_in_dim3A_518 = arith.constant 4 : i32
      %broadcast_in_dim3A_519 = vector.broadcast %broadcast_in_dim3A_518 : i32 to vector<16xi32>
      %gather3A_520 = tpu.vector_load_idx %arg18[%get3A_187, %broadcast_in_dim3A_519] : memref<256x10xf32, #tpu.memory_space<vmem>>[vector<16xi32>, vector<16xi32>], vector<16xf32>,
      %broadcast_in_dim3A_521 = arith.constant 90 : i32
      %broadcast_in_dim3A_522 = vector.broadcast %broadcast_in_dim3A_521 : i32 to vector<16xi32>
      tpu.vector_store_idx %arg21[%add3A_185, %broadcast_in_dim3A_522], %gather3A_520 : memref<512x128xf32, #tpu.memory_space<vmem>>[vector<16xi32>, vector<16xi32>], vector<16xf32>,
      %broadcast_in_dim3A_523 = arith.constant 100 : i32
      %broadcast_in_dim3A_524 = vector.broadcast %broadcast_in_dim3A_523 : i32 to vector<16xi32>
      tpu.vector_store_idx %arg21[%add3A_185, %broadcast_in_dim3A_524], %gather3A_520 : memref<512x128xf32, #tpu.memory_space<vmem>>[vector<16xi32>, vector<16xi32>], vector<16xf32>,
      %broadcast_in_dim3A_525 = arith.constant 5 : i32
      %broadcast_in_dim3A_526 = vector.broadcast %broadcast_in_dim3A_525 : i32 to vector<16xi32>
      %gather3A_527 = tpu.vector_load_idx %arg18[%get3A_187, %broadcast_in_dim3A_526] : memref<256x10xf32, #tpu.memory_space<vmem>>[vector<16xi32>, vector<16xi32>], vector<16xf32>,
      %broadcast_in_dim3A_528 = arith.constant 91 : i32
      %broadcast_in_dim3A_529 = vector.broadcast %broadcast_in_dim3A_528 : i32 to vector<16xi32>
      tpu.vector_store_idx %arg21[%add3A_185, %broadcast_in_dim3A_529], %gather3A_527 : memref<512x128xf32, #tpu.memory_space<vmem>>[vector<16xi32>, vector<16xi32>], vector<16xf32>,
      %broadcast_in_dim3A_530 = arith.constant 101 : i32
      %broadcast_in_dim3A_531 = vector.broadcast %broadcast_in_dim3A_530 : i32 to vector<16xi32>
      tpu.vector_store_idx %arg21[%add3A_185, %broadcast_in_dim3A_531], %gather3A_527 : memref<512x128xf32, #tpu.memory_space<vmem>>[vector<16xi32>, vector<16xi32>], vector<16xf32>,
      %broadcast_in_dim3A_532 = arith.constant 6 : i32
      %broadcast_in_dim3A_533 = vector.broadcast %broadcast_in_dim3A_532 : i32 to vector<16xi32>
      %gather3A_534 = tpu.vector_load_idx %arg18[%get3A_187, %broadcast_in_dim3A_533] : memref<256x10xf32, #tpu.memory_space<vmem>>[vector<16xi32>, vector<16xi32>], vector<16xf32>,
      %broadcast_in_dim3A_535 = arith.constant 92 : i32
      %broadcast_in_dim3A_536 = vector.broadcast %broadcast_in_dim3A_535 : i32 to vector<16xi32>
      tpu.vector_store_idx %arg21[%add3A_185, %broadcast_in_dim3A_536], %gather3A_534 : memref<512x128xf32, #tpu.memory_space<vmem>>[vector<16xi32>, vector<16xi32>], vector<16xf32>,
      %broadcast_in_dim3A_537 = arith.constant 102 : i32
      %broadcast_in_dim3A_538 = vector.broadcast %broadcast_in_dim3A_537 : i32 to vector<16xi32>
      tpu.vector_store_idx %arg21[%add3A_185, %broadcast_in_dim3A_538], %gather3A_534 : memref<512x128xf32, #tpu.memory_space<vmem>>[vector<16xi32>, vector<16xi32>], vector<16xf32>,
      %broadcast_in_dim3A_539 = arith.constant 7 : i32
      %broadcast_in_dim3A_540 = vector.broadcast %broadcast_in_dim3A_539 : i32 to vector<16xi32>
      %gather3A_541 = tpu.vector_load_idx %arg18[%get3A_187, %broadcast_in_dim3A_540] : memref<256x10xf32, #tpu.memory_space<vmem>>[vector<16xi32>, vector<16xi32>], vector<16xf32>,
      %broadcast_in_dim3A_542 = arith.constant 93 : i32
      %broadcast_in_dim3A_543 = vector.broadcast %broadcast_in_dim3A_542 : i32 to vector<16xi32>
      tpu.vector_store_idx %arg21[%add3A_185, %broadcast_in_dim3A_543], %gather3A_541 : memref<512x128xf32, #tpu.memory_space<vmem>>[vector<16xi32>, vector<16xi32>], vector<16xf32>,
      %broadcast_in_dim3A_544 = arith.constant 103 : i32
      %broadcast_in_dim3A_545 = vector.broadcast %broadcast_in_dim3A_544 : i32 to vector<16xi32>
      tpu.vector_store_idx %arg21[%add3A_185, %broadcast_in_dim3A_545], %gather3A_541 : memref<512x128xf32, #tpu.memory_space<vmem>>[vector<16xi32>, vector<16xi32>], vector<16xf32>,
      %broadcast_in_dim3A_546 = arith.constant 8 : i32
      %broadcast_in_dim3A_547 = vector.broadcast %broadcast_in_dim3A_546 : i32 to vector<16xi32>
      %gather3A_548 = tpu.vector_load_idx %arg18[%get3A_187, %broadcast_in_dim3A_547] : memref<256x10xf32, #tpu.memory_space<vmem>>[vector<16xi32>, vector<16xi32>], vector<16xf32>,
      %broadcast_in_dim3A_549 = arith.constant 94 : i32
      %broadcast_in_dim3A_550 = vector.broadcast %broadcast_in_dim3A_549 : i32 to vector<16xi32>
      tpu.vector_store_idx %arg21[%add3A_185, %broadcast_in_dim3A_550], %gather3A_548 : memref<512x128xf32, #tpu.memory_space<vmem>>[vector<16xi32>, vector<16xi32>], vector<16xf32>,
      %broadcast_in_dim3A_551 = arith.constant 104 : i32
      %broadcast_in_dim3A_552 = vector.broadcast %broadcast_in_dim3A_551 : i32 to vector<16xi32>
      tpu.vector_store_idx %arg21[%add3A_185, %broadcast_in_dim3A_552], %gather3A_548 : memref<512x128xf32, #tpu.memory_space<vmem>>[vector<16xi32>, vector<16xi32>], vector<16xf32>,
      %broadcast_in_dim3A_553 = arith.constant 9 : i32
      %broadcast_in_dim3A_554 = vector.broadcast %broadcast_in_dim3A_553 : i32 to vector<16xi32>
      %gather3A_555 = tpu.vector_load_idx %arg18[%get3A_187, %broadcast_in_dim3A_554] : memref<256x10xf32, #tpu.memory_space<vmem>>[vector<16xi32>, vector<16xi32>], vector<16xf32>,
      %broadcast_in_dim3A_556 = arith.constant 95 : i32
      %broadcast_in_dim3A_557 = vector.broadcast %broadcast_in_dim3A_556 : i32 to vector<16xi32>
      tpu.vector_store_idx %arg21[%add3A_185, %broadcast_in_dim3A_557], %gather3A_555 : memref<512x128xf32, #tpu.memory_space<vmem>>[vector<16xi32>, vector<16xi32>], vector<16xf32>,
      %broadcast_in_dim3A_558 = arith.constant 105 : i32
      %broadcast_in_dim3A_559 = vector.broadcast %broadcast_in_dim3A_558 : i32 to vector<16xi32>
      tpu.vector_store_idx %arg21[%add3A_185, %broadcast_in_dim3A_559], %gather3A_555 : memref<512x128xf32, #tpu.memory_space<vmem>>[vector<16xi32>, vector<16xi32>], vector<16xf32>,
      %broadcast_in_dim3A_560 = arith.constant 0 : i32
      %broadcast_in_dim3A_561 = vector.broadcast %broadcast_in_dim3A_560 : i32 to vector<16xi32>
      %gather3A_562 = tpu.vector_load_idx %arg20[%get3A_190, %broadcast_in_dim3A_561] : memref<32x11xf32, #tpu.memory_space<vmem>>[vector<16xi32>, vector<16xi32>], vector<16xf32>,
      %broadcast_in_dim3A_563 = arith.constant 106 : i32
      %broadcast_in_dim3A_564 = vector.broadcast %broadcast_in_dim3A_563 : i32 to vector<16xi32>
      tpu.vector_store_idx %arg21[%add3A_185, %broadcast_in_dim3A_564], %gather3A_562 : memref<512x128xf32, #tpu.memory_space<vmem>>[vector<16xi32>, vector<16xi32>], vector<16xf32>,
      %broadcast_in_dim3A_565 = arith.constant 117 : i32
      %broadcast_in_dim3A_566 = vector.broadcast %broadcast_in_dim3A_565 : i32 to vector<16xi32>
      tpu.vector_store_idx %arg21[%add3A_185, %broadcast_in_dim3A_566], %gather3A_562 : memref<512x128xf32, #tpu.memory_space<vmem>>[vector<16xi32>, vector<16xi32>], vector<16xf32>,
      %broadcast_in_dim3A_567 = arith.constant 1 : i32
      %broadcast_in_dim3A_568 = vector.broadcast %broadcast_in_dim3A_567 : i32 to vector<16xi32>
      %gather3A_569 = tpu.vector_load_idx %arg20[%get3A_190, %broadcast_in_dim3A_568] : memref<32x11xf32, #tpu.memory_space<vmem>>[vector<16xi32>, vector<16xi32>], vector<16xf32>,
      %broadcast_in_dim3A_570 = arith.constant 107 : i32
      %broadcast_in_dim3A_571 = vector.broadcast %broadcast_in_dim3A_570 : i32 to vector<16xi32>
      tpu.vector_store_idx %arg21[%add3A_185, %broadcast_in_dim3A_571], %gather3A_569 : memref<512x128xf32, #tpu.memory_space<vmem>>[vector<16xi32>, vector<16xi32>], vector<16xf32>,
      %broadcast_in_dim3A_572 = arith.constant 118 : i32
      %broadcast_in_dim3A_573 = vector.broadcast %broadcast_in_dim3A_572 : i32 to vector<16xi32>
      tpu.vector_store_idx %arg21[%add3A_185, %broadcast_in_dim3A_573], %gather3A_569 : memref<512x128xf32, #tpu.memory_space<vmem>>[vector<16xi32>, vector<16xi32>], vector<16xf32>,
      %broadcast_in_dim3A_574 = arith.constant 2 : i32
      %broadcast_in_dim3A_575 = vector.broadcast %broadcast_in_dim3A_574 : i32 to vector<16xi32>
      %gather3A_576 = tpu.vector_load_idx %arg20[%get3A_190, %broadcast_in_dim3A_575] : memref<32x11xf32, #tpu.memory_space<vmem>>[vector<16xi32>, vector<16xi32>], vector<16xf32>,
      %broadcast_in_dim3A_577 = arith.constant 108 : i32
      %broadcast_in_dim3A_578 = vector.broadcast %broadcast_in_dim3A_577 : i32 to vector<16xi32>
      tpu.vector_store_idx %arg21[%add3A_185, %broadcast_in_dim3A_578], %gather3A_576 : memref<512x128xf32, #tpu.memory_space<vmem>>[vector<16xi32>, vector<16xi32>], vector<16xf32>,
      %broadcast_in_dim3A_579 = arith.constant 119 : i32
      %broadcast_in_dim3A_580 = vector.broadcast %broadcast_in_dim3A_579 : i32 to vector<16xi32>
      tpu.vector_store_idx %arg21[%add3A_185, %broadcast_in_dim3A_580], %gather3A_576 : memref<512x128xf32, #tpu.memory_space<vmem>>[vector<16xi32>, vector<16xi32>], vector<16xf32>,
      %broadcast_in_dim3A_581 = arith.constant 3 : i32
      %broadcast_in_dim3A_582 = vector.broadcast %broadcast_in_dim3A_581 : i32 to vector<16xi32>
      %gather3A_583 = tpu.vector_load_idx %arg20[%get3A_190, %broadcast_in_dim3A_582] : memref<32x11xf32, #tpu.memory_space<vmem>>[vector<16xi32>, vector<16xi32>], vector<16xf32>,
      %broadcast_in_dim3A_584 = arith.constant 109 : i32
      %broadcast_in_dim3A_585 = vector.broadcast %broadcast_in_dim3A_584 : i32 to vector<16xi32>
      tpu.vector_store_idx %arg21[%add3A_185, %broadcast_in_dim3A_585], %gather3A_583 : memref<512x128xf32, #tpu.memory_space<vmem>>[vector<16xi32>, vector<16xi32>], vector<16xf32>,
      %broadcast_in_dim3A_586 = arith.constant 120 : i32
      %broadcast_in_dim3A_587 = vector.broadcast %broadcast_in_dim3A_586 : i32 to vector<16xi32>
      tpu.vector_store_idx %arg21[%add3A_185, %broadcast_in_dim3A_587], %gather3A_583 : memref<512x128xf32, #tpu.memory_space<vmem>>[vector<16xi32>, vector<16xi32>], vector<16xf32>,
      %broadcast_in_dim3A_588 = arith.constant 4 : i32
      %broadcast_in_dim3A_589 = vector.broadcast %broadcast_in_dim3A_588 : i32 to vector<16xi32>
      %gather3A_590 = tpu.vector_load_idx %arg20[%get3A_190, %broadcast_in_dim3A_589] : memref<32x11xf32, #tpu.memory_space<vmem>>[vector<16xi32>, vector<16xi32>], vector<16xf32>,
      %broadcast_in_dim3A_591 = arith.constant 110 : i32
      %broadcast_in_dim3A_592 = vector.broadcast %broadcast_in_dim3A_591 : i32 to vector<16xi32>
      tpu.vector_store_idx %arg21[%add3A_185, %broadcast_in_dim3A_592], %gather3A_590 : memref<512x128xf32, #tpu.memory_space<vmem>>[vector<16xi32>, vector<16xi32>], vector<16xf32>,
      %broadcast_in_dim3A_593 = arith.constant 121 : i32
      %broadcast_in_dim3A_594 = vector.broadcast %broadcast_in_dim3A_593 : i32 to vector<16xi32>
      tpu.vector_store_idx %arg21[%add3A_185, %broadcast_in_dim3A_594], %gather3A_590 : memref<512x128xf32, #tpu.memory_space<vmem>>[vector<16xi32>, vector<16xi32>], vector<16xf32>,
      %broadcast_in_dim3A_595 = arith.constant 5 : i32
      %broadcast_in_dim3A_596 = vector.broadcast %broadcast_in_dim3A_595 : i32 to vector<16xi32>
      %gather3A_597 = tpu.vector_load_idx %arg20[%get3A_190, %broadcast_in_dim3A_596] : memref<32x11xf32, #tpu.memory_space<vmem>>[vector<16xi32>, vector<16xi32>], vector<16xf32>,
      %broadcast_in_dim3A_598 = arith.constant 111 : i32
      %broadcast_in_dim3A_599 = vector.broadcast %broadcast_in_dim3A_598 : i32 to vector<16xi32>
      tpu.vector_store_idx %arg21[%add3A_185, %broadcast_in_dim3A_599], %gather3A_597 : memref<512x128xf32, #tpu.memory_space<vmem>>[vector<16xi32>, vector<16xi32>], vector<16xf32>,
      %broadcast_in_dim3A_600 = arith.constant 122 : i32
      %broadcast_in_dim3A_601 = vector.broadcast %broadcast_in_dim3A_600 : i32 to vector<16xi32>
      tpu.vector_store_idx %arg21[%add3A_185, %broadcast_in_dim3A_601], %gather3A_597 : memref<512x128xf32, #tpu.memory_space<vmem>>[vector<16xi32>, vector<16xi32>], vector<16xf32>,
      %broadcast_in_dim3A_602 = arith.constant 6 : i32
      %broadcast_in_dim3A_603 = vector.broadcast %broadcast_in_dim3A_602 : i32 to vector<16xi32>
      %gather3A_604 = tpu.vector_load_idx %arg20[%get3A_190, %broadcast_in_dim3A_603] : memref<32x11xf32, #tpu.memory_space<vmem>>[vector<16xi32>, vector<16xi32>], vector<16xf32>,
      %broadcast_in_dim3A_605 = arith.constant 112 : i32
      %broadcast_in_dim3A_606 = vector.broadcast %broadcast_in_dim3A_605 : i32 to vector<16xi32>
      tpu.vector_store_idx %arg21[%add3A_185, %broadcast_in_dim3A_606], %gather3A_604 : memref<512x128xf32, #tpu.memory_space<vmem>>[vector<16xi32>, vector<16xi32>], vector<16xf32>,
      %broadcast_in_dim3A_607 = arith.constant 123 : i32
      %broadcast_in_dim3A_608 = vector.broadcast %broadcast_in_dim3A_607 : i32 to vector<16xi32>
      tpu.vector_store_idx %arg21[%add3A_185, %broadcast_in_dim3A_608], %gather3A_604 : memref<512x128xf32, #tpu.memory_space<vmem>>[vector<16xi32>, vector<16xi32>], vector<16xf32>,
      %broadcast_in_dim3A_609 = arith.constant 7 : i32
      %broadcast_in_dim3A_610 = vector.broadcast %broadcast_in_dim3A_609 : i32 to vector<16xi32>
      %gather3A_611 = tpu.vector_load_idx %arg20[%get3A_190, %broadcast_in_dim3A_610] : memref<32x11xf32, #tpu.memory_space<vmem>>[vector<16xi32>, vector<16xi32>], vector<16xf32>,
      %broadcast_in_dim3A_612 = arith.constant 113 : i32
      %broadcast_in_dim3A_613 = vector.broadcast %broadcast_in_dim3A_612 : i32 to vector<16xi32>
      tpu.vector_store_idx %arg21[%add3A_185, %broadcast_in_dim3A_613], %gather3A_611 : memref<512x128xf32, #tpu.memory_space<vmem>>[vector<16xi32>, vector<16xi32>], vector<16xf32>,
      %broadcast_in_dim3A_614 = arith.constant 124 : i32
      %broadcast_in_dim3A_615 = vector.broadcast %broadcast_in_dim3A_614 : i32 to vector<16xi32>
      tpu.vector_store_idx %arg21[%add3A_185, %broadcast_in_dim3A_615], %gather3A_611 : memref<512x128xf32, #tpu.memory_space<vmem>>[vector<16xi32>, vector<16xi32>], vector<16xf32>,
      %broadcast_in_dim3A_616 = arith.constant 8 : i32
      %broadcast_in_dim3A_617 = vector.broadcast %broadcast_in_dim3A_616 : i32 to vector<16xi32>
      %gather3A_618 = tpu.vector_load_idx %arg20[%get3A_190, %broadcast_in_dim3A_617] : memref<32x11xf32, #tpu.memory_space<vmem>>[vector<16xi32>, vector<16xi32>], vector<16xf32>,
      %broadcast_in_dim3A_619 = arith.constant 114 : i32
      %broadcast_in_dim3A_620 = vector.broadcast %broadcast_in_dim3A_619 : i32 to vector<16xi32>
      tpu.vector_store_idx %arg21[%add3A_185, %broadcast_in_dim3A_620], %gather3A_618 : memref<512x128xf32, #tpu.memory_space<vmem>>[vector<16xi32>, vector<16xi32>], vector<16xf32>,
      %broadcast_in_dim3A_621 = arith.constant 125 : i32
      %broadcast_in_dim3A_622 = vector.broadcast %broadcast_in_dim3A_621 : i32 to vector<16xi32>
      tpu.vector_store_idx %arg21[%add3A_185, %broadcast_in_dim3A_622], %gather3A_618 : memref<512x128xf32, #tpu.memory_space<vmem>>[vector<16xi32>, vector<16xi32>], vector<16xf32>,
      %broadcast_in_dim3A_623 = arith.constant 9 : i32
      %broadcast_in_dim3A_624 = vector.broadcast %broadcast_in_dim3A_623 : i32 to vector<16xi32>
      %gather3A_625 = tpu.vector_load_idx %arg20[%get3A_190, %broadcast_in_dim3A_624] : memref<32x11xf32, #tpu.memory_space<vmem>>[vector<16xi32>, vector<16xi32>], vector<16xf32>,
      %broadcast_in_dim3A_626 = arith.constant 115 : i32
      %broadcast_in_dim3A_627 = vector.broadcast %broadcast_in_dim3A_626 : i32 to vector<16xi32>
      tpu.vector_store_idx %arg21[%add3A_185, %broadcast_in_dim3A_627], %gather3A_625 : memref<512x128xf32, #tpu.memory_space<vmem>>[vector<16xi32>, vector<16xi32>], vector<16xf32>,
      %broadcast_in_dim3A_628 = arith.constant 126 : i32
      %broadcast_in_dim3A_629 = vector.broadcast %broadcast_in_dim3A_628 : i32 to vector<16xi32>
      tpu.vector_store_idx %arg21[%add3A_185, %broadcast_in_dim3A_629], %gather3A_625 : memref<512x128xf32, #tpu.memory_space<vmem>>[vector<16xi32>, vector<16xi32>], vector<16xf32>,
      %broadcast_in_dim3A_630 = arith.constant 10 : i32
      %broadcast_in_dim3A_631 = vector.broadcast %broadcast_in_dim3A_630 : i32 to vector<16xi32>
      %gather3A_632 = tpu.vector_load_idx %arg20[%get3A_190, %broadcast_in_dim3A_631] : memref<32x11xf32, #tpu.memory_space<vmem>>[vector<16xi32>, vector<16xi32>], vector<16xf32>,
      %broadcast_in_dim3A_633 = arith.constant 116 : i32
      %broadcast_in_dim3A_634 = vector.broadcast %broadcast_in_dim3A_633 : i32 to vector<16xi32>
      tpu.vector_store_idx %arg21[%add3A_185, %broadcast_in_dim3A_634], %gather3A_632 : memref<512x128xf32, #tpu.memory_space<vmem>>[vector<16xi32>, vector<16xi32>], vector<16xf32>,
      %broadcast_in_dim3A_635 = arith.constant 127 : i32
      %broadcast_in_dim3A_636 = vector.broadcast %broadcast_in_dim3A_635 : i32 to vector<16xi32>
      tpu.vector_store_idx %arg21[%add3A_185, %broadcast_in_dim3A_636], %gather3A_632 : memref<512x128xf32, #tpu.memory_space<vmem>>[vector<16xi32>, vector<16xi32>], vector<16xf32>,
      %scan3A_637 = arith.constant 0 : i32
      scf.yield %scan3A_637 : i32
    }
    %scan3A_179 = arith.constant 32 : i32
    "tpu.region"() ({
      %run_scoped3A = tpu.sem_alloc : memref<!tpu.dma_semaphore, #tpu.memory_space<semaphore_mem>>
      %dma_start3A_180 = arith.constant 0 : i32
      %dma_start3A_181 = tpu.memref_slice %arg12[%mul3A_2, %dma_start3A_180] : memref<16384x128xf32, #tpu.memory_space<hbm>> -> memref<512x128xf32, #tpu.memory_space<hbm>>
      %dma_start3A_182 = arith.constant 0 : i32
      %dma_start3A_183 = tpu.memref_slice %arg12[%mul3A_2, %dma_start3A_182] : memref<16384x128xf32, #tpu.memory_space<hbm>> -> memref<512x128xf32, #tpu.memory_space<hbm>>
      tpu.enqueue_dma source(%arg21 : memref<512x128xf32, #tpu.memory_space<vmem>>) target(%dma_start3A_183 : memref<512x128xf32, #tpu.memory_space<hbm>>) target_semaphore(%run_scoped3A : memref<!tpu.dma_semaphore, #tpu.memory_space<semaphore_mem>>)
      %dma_wait3A_184 = arith.constant 0 : i32
      %dma_wait3A_185 = tpu.memref_slice %arg12[%mul3A_2, %dma_wait3A_184] : memref<16384x128xf32, #tpu.memory_space<hbm>> -> memref<512x128xf32, #tpu.memory_space<hbm>>
      %dma_wait3A_186 = arith.constant 0 : i32
      %dma_wait3A_187 = tpu.memref_slice %arg12[%mul3A_2, %dma_wait3A_186] : memref<16384x128xf32, #tpu.memory_space<hbm>> -> memref<512x128xf32, #tpu.memory_space<hbm>>
      tpu.wait_dma2 semaphore(%run_scoped3A : memref<!tpu.dma_semaphore, #tpu.memory_space<semaphore_mem>>) src(%arg21 : memref<512x128xf32, #tpu.memory_space<vmem>>) dst(%dma_wait3A_187 : memref<512x128xf32, #tpu.memory_space<hbm>>)
      tpu.yield
    }) : () -> ()
    return
  }
}

</mosaic_0001>

<sc_bundles>
// kernel: kernel.3.cloned.1.call-start
scs
__scs_entry_jumppad:
0x0: {  	(pc) =	sbr.rel $0x88, $3  }
0x1: {  	(tag) =	ssettag $0x0;
	lr =	simm.s32 $0x1  }
0x2: {  	[smem:$0x3F98] =	sst lr;
	_ =	strace $0xD0000000  }
0x3: {  	_ = 	snop  }
0x4: {  	_ = 	snop  }
0x5: {  	_ = 	snop  }
0x6: {  	_ = 	snop  }
0x7: {  	_ = 	snop  }
__scs_overlays_trampoline_lowered:
0x8: {  	[smem:$0x3FA7] =	sst s0  }
0x9: {  	[smem:$0x3FA8] =	sst s1  }
0xa: {  	[smem:$0x3FA9] =	sst s2  }
0xb: {  	[smem:$0x3FAA] =	sst s3  }
0xc: {  	[smem:$0x3FAB] =	sst s4  }
0xd: {  	[smem:$0x3FAC] =	sst s5  }
0xe: {  	[smem:$0x3FAD] =	sst s6  }
0xf: {  	[smem:$0x3FAE] =	sst s7  }
0x10: {  	[smem:$0x3FAF] =	sst s8  }
0x11: {  	[smem:$0x3FB0] =	sst s9;
	s0 =	simm.s32 @!p0 $0x0  }
0x12: {  	s1 =	sld [smem:$0x3F96];
	s0 =	simm.s32 @p0 $0x1  }
0x13: {  	[smem:$0x3FB1] =	sst s0;
	s0 =	simm.s32 @!p1 $0x0  }
0x14: {  	s2 =	sld [smem:$0x3F95];
	s0 =	simm.s32 @p1 $0x1  }
0x15: {  	[smem:$0x3FB2] =	sst s0;
	s0 =	simm.s32 @!p2 $0x0  }
0x16: {  	s3 =	sld [smem:$0x3FDB];
	s0 =	simm.s32 @p2 $0x1  }
0x17: {  	s4 =	simm.s32 $0x1BF5;
	[smem:$0x3FB4] =	sst s0  }
0x18: {  	s0 =	sld [smem:$0x3F97];
	_ =	swait.ge [sflag:s4], $0x0  }
0x19: {  	s7 =	sld [smem:$0x3F98]  }
0x1a: {  	s8 =	sadd.s32 $0xFFFFE003, lr  }
0x1b: {  	s9 =	sadd.s32 $0xFFFFFEF7, lr;
	s5 =	simm.s32 $0xFFFFFFFF;
	p2 =	slt.u32 s8, $0xFFFFF086  }
0x1c: {  	p1 =	slt.u32 s9, $0xF7A;
	s5 =	simm.s32 @!p2 $0x0  }
0x1d: {  	s5 =	simm.s32 @p1 $0x1;
	p0 =	seq.s32 s7, s2  }
0x1e: {  	s7 =	smul.u32 @!p0 $0xF7A, s2;
	p2 =	seq.s32 @!p0 s5, $0x0  }
0x1f: {  	s9 =	smul.u32 $0xF7A, s1;
	s8 =	simm.s32 @!p0 $0x1BF5;
	p2 =	por !p2, p0  }
0x20: {  	[sflag:s8] =	ssyncset.s32 @!p0 $0xFFFFF086;
	s6 =	sadd.s32 @!p0 s3, s7;
	s7 =	simm.s32 @!p0 $0x108  }
0x21: {  	s3 =	sadd.s32 s3, s9;
	s6 =	sadd.s32 @!p0 $0x88, s6;
	s7 =	simm.s32 @p2 $0x1082  }
0x22: {  	[simem:s7], [sflag:s8] =	dma.local @!p0 [hbm:s6], $0xF7A  }
0x23: {  	s9 =	sor.u32 $0xD0000000, s2;
	s6 =	simm.s32 $0x108;
	_ =	swait.ge @!p0 [sflag:s8], $0x0  }
0x24: {  	s3 =	sadd.s32 $0x88, s3;
	s6 =	simm.s32 @!p1 $0x1082;
	[sflag:s4] =	ssyncset.s32 $0xFFFFF086  }
0x25: {  	[simem:s6], [sflag:s4] =	dma.local [hbm:s3], $0xF7A  }
0x26: {  	[smem:$0x3F98] =	sst s1;
	(tag) =	ssettag s2;
	_ =	strace s9  }
0x27: {  	s1 =	sld [smem:$0x3FA8]  }
0x28: {  	s2 =	sld [smem:$0x3FA9]  }
0x29: {  	s4 =	sld [smem:$0x3FAB]  }
0x2a: {  	p0 =	seq.s32 s5, $0x0;
	s5 =	sld [smem:$0x3FAC]  }
0x2b: {  	s6 =	sld [smem:$0x3FAD]  }
0x2c: {  	s7 =	sld [smem:$0x3FAE]  }
0x2d: {  	s3 =	simm.s32 $0x108;
	s8 =	sld [smem:$0x3FAF]  }
0x2e: {  	s3 =	simm.s32 @!p0 $0x1082;
	s9 =	sld [smem:$0x3FB0]  }
0x2f: {  	lr =	sadd.s32 s0, s3;
	s0 =	sld [smem:$0x3FA7]  }
0x30: {  	s3 =	sld [smem:$0x3FAA]  }
0x31: {  	[smem:$0x3FB3] =	sst s10  }
0x32: {  	s10 =	sld [smem:$0x3FB1];
	_ =	sdelay $0x3  }
0x33: {  	p0 =	seq.s32 s10, $0x1;
	s10 =	sld [smem:$0x3FB3];
	_ =	sdelay $0x3  }
0x34: {  	[smem:$0x3FB3] =	sst s10  }
0x35: {  	s10 =	sld [smem:$0x3FB2];
	_ =	sdelay $0x3  }
0x36: {  	p1 =	seq.s32 s10, $0x1;
	s10 =	sld [smem:$0x3FB3];
	_ =	sdelay $0x3  }
0x37: {  	[smem:$0x3FB3] =	sst s10  }
0x38: {  	s10 =	sld [smem:$0x3FB4]  }
0x39: {  	_ = 	snop;
	(pc) =	sbr.ind lr, $3  }
0x3a: {  	_ = 	snop  }
0x3b: {  	_ = 	snop  }
0x3c: {  	p2 =	seq.s32 s10, $0x1;
	s10 =	sld [smem:$0x3FB3]  }
0x3d: {  	_ =	shalt  }
0x3e: {  	_ =	shalt  }
0x3f: {  	_ =	shalt  }
0x40: {  	_ =	shalt  }
0x41: {  	_ =	shalt  }
0x42: {  	_ =	shalt  }
0x43: {  	_ =	shalt  }
0x44: {  	_ =	shalt  }
0x45: {  	_ =	shalt  }
0x46: {  	_ =	shalt  }
0x47: {  	_ =	shalt  }
0x48: {  	_ =	shalt  }
0x49: {  	_ =	shalt  }
0x4a: {  	_ =	shalt  }
0x4b: {  	_ =	shalt  }
0x4c: {  	_ =	shalt  }
0x4d: {  	_ =	shalt  }
0x4e: {  	_ =	shalt  }
0x4f: {  	_ =	shalt  }
0x50: {  	_ =	shalt  }
0x51: {  	_ =	shalt  }
0x52: {  	_ =	shalt  }
0x53: {  	_ =	shalt  }
0x54: {  	_ =	shalt  }
0x55: {  	_ =	shalt  }
0x56: {  	_ =	shalt  }
0x57: {  	_ =	shalt  }
0x58: {  	_ =	shalt  }
0x59: {  	_ =	shalt  }
0x5a: {  	_ =	shalt  }
0x5b: {  	_ =	shalt  }
0x5c: {  	_ =	shalt  }
0x5d: {  	_ =	shalt  }
0x5e: {  	_ =	shalt  }
0x5f: {  	_ =	shalt  }
0x60: {  	_ =	shalt  }
0x61: {  	_ =	shalt  }
0x62: {  	_ =	shalt  }
0x63: {  	_ =	shalt  }
0x64: {  	_ =	shalt  }
0x65: {  	_ =	shalt  }
0x66: {  	_ =	shalt  }
0x67: {  	_ =	shalt  }
0x68: {  	_ =	shalt  }
0x69: {  	_ =	shalt  }
0x6a: {  	_ =	shalt  }
0x6b: {  	_ =	shalt  }
0x6c: {  	_ =	shalt  }
0x6d: {  	_ =	shalt  }
0x6e: {  	_ =	shalt  }
0x6f: {  	_ =	shalt  }
0x70: {  	_ =	shalt  }
0x71: {  	_ =	shalt  }
0x72: {  	_ =	shalt  }
0x73: {  	_ =	shalt  }
0x74: {  	_ =	shalt  }
0x75: {  	_ =	shalt  }
0x76: {  	_ =	shalt  }
0x77: {  	_ =	shalt  }
0x78: {  	_ =	shalt  }
0x79: {  	_ =	shalt  }
0x7a: {  	_ =	shalt  }
0x7b: {  	_ =	shalt  }
0x7c: {  	_ =	shalt  }
0x7d: {  	_ =	shalt  }
0x7e: {  	_ =	shalt  }
0x7f: {  	_ =	shalt  }
0x80: {  	_ =	shalt  }
0x81: {  	_ =	shalt  }
0x82: {  	_ =	shalt  }
0x83: {  	_ =	shalt  }
0x84: {  	_ =	shalt  }
0x85: {  	_ =	shalt  }
0x86: {  	_ =	shalt  }
0x87: {  	_ =	shalt  }
.Lfunc_end0:
.L_simem_size_0:
called_computation_lowered:
.L_overlay_start_0:
0x88: {  	s2 =	sld [smem:$0x3FD9]  }
0x89: {  	s3 =	sld [smem:$0x3FFE];
	_ =	sdelay $0x1  }
0x8a: {  	s1 =	srdreg.scid  }
0x8b: {  	s0 =	sand.u32 $0x1, s1  }
0x8c: {  	s14 =	sshll.u32 s0, $0xA;
	s2 =	sadd.s32 s3, s2  }
0x8d: {  	s2 =	sadd.s32 s2, s14  }
0x8e: {  	[smem:$0x3FBF] =	sst s2  }
0x8f: {  	_ = 	snop  }
0x90: {  	s2 =	sld [smem:$0x3FD0];
	_ =	sdelay $0x2  }
0x91: {  	s15 =	simm.s32 $0xA;
	s4 =	simm.s32 $0x10  }
0x92: {  	[smem:s4], [sflag:s15] =	dma.local [hbm:s2], $0x1  }
0x93: {  	_ =	swait.eq [sflag:s15], $0x1  }
0x94: {  	[sflag:s15] =	ssyncset.done $0x0  }
0x95: {  	s16 =	sld [smem:$0x10];
	[sflag:s15] =	ssyncadd.s32 $0xFFFFFFFF  }
0x96: {  	s17 =	sld [smem:$0x11];
	(tm) =	ssettm $0x1  }
0x97: {  	s18 =	sld [smem:$0x3FFB];
	_ =	sdelay $0x3  }
0x98: {  	_ =	strace s18  }
0x99: {  	s4 =	sld [smem:$0x3FFC];
	_ =	sdelay $0x3  }
0x9a: {  	_ =	strace s4  }
0x9b: {  	s4 =	sld [smem:$0x3FFD];
	_ =	sdelay $0x3  }
0x9c: {  	_ =	strace s4  }
0x9d: {  	_ =	strace $0x8FFFFFFF  }
0x9e: {  	s19 =	sld [smem:$0x3FDB];
	_ =	sdelay $0x1  }
0x9f: {  	s5 =	simm.s32 $_scs_section_size  }
0xa0: {  	s6 =	simm.s32 $_size__tile_overlayer_lowered;
	s7 =	simm.s32 $_tile_overlayer_lowered  }
0xa1: {  	s22 =	simm.s32 $0x1BFF;
	s21 =	sshll.u32 s7, $0x1;
	s4 =	sadd.s32 s5, s19  }
0xa2: {  	s8 =	simm.s32 $0x0;
	s20 =	sshll.u32 s6, $0x1;
	s6 =	sadd.s32 s21, s4  }
0xa3: {  	[timem:s8], [sflag:s22] =	dma.local [hbm:s6], s20  }
0xa4: {  	_ =	swait.ge [sflag:s22], s20  }
0xa5: {  	s5 =	ssub.s32 $0x0, s20;
	[sflag:s22] =	ssyncset.done $0x0  }
0xa6: {  	[sflag:s22] =	ssyncadd.s32 s5;
	_ =	sdelay $0x1  }
0xa7: {  	s23 =	simm.s32 $0x1B8B  }
0xa8: {  	_ =	swait.ge [sflag:s23], $0x1  }
0xa9: {  	[sflag:s23] =	ssyncset.done $0x0  }
0xaa: {  	s25 =	simm.s32 $0x1B8E;
	s24 =	sld [smem:$0x3FFE];
	[sflag:s23] =	ssyncadd.s32 $0xFFFFFFFF  }
0xab: {  	s26 =	simm.s32 $execute0_lowered;
	[smem:$0x3FD2] =	sst s25  }
0xac: {  	s6 =	sshll.u32 s26, $0x1;
	_ =	strace $0x80000046;
	[dreg:$0x1] =	wrdreg $0xFFFFFFFF  }
0xad: {  	s28 =	simm.s32 $_size_execute0_lowered;
	s4 =	sadd.s32 s4, s6;
	[dreg:$0x0] =	wrdreg $0x0  }
0xae: {  	s6 =	sshll.u32 s28, $0x1;
	[dreg:$0x2] =	wrdreg s4  }
0xaf: {  	[dreg:$0x3] =	wrdreg s6  }
0xb0: {  	[dreg:$0x4] =	wrdreg $0xC0  }
0xb1: {  	_ =	task [dreg:s8], $0x5FFFF  }
0xb2: {  	[dreg:$0x1] =	wrdreg $0xFFFFFFFF  }
0xb3: {  	[dreg:$0x0] =	wrdreg $0x60  }
0xb4: {  	[dreg:$0x2] =	wrdreg s24  }
0xb5: {  	[dreg:$0x3] =	wrdreg s16  }
0xb6: {  	[dreg:$0x4] =	wrdreg s17  }
0xb7: {  	[dreg:$0x5] =	wrdreg $0x9  }
0xb8: {  	_ =	task.clear_ibuf [dreg:s8], $0x6FFFF;
	_ =	strace $0x90000046  }
0xb9: {  	s29 =	simm.s32 $0x9;
	_ =	strace $0x80000048  }
0xba: {  	_ =	swait.ge [sflag:s29], $0x1  }
0xbb: {  	[sflag:s29] =	ssyncadd.s32 $0xFFFFFFFF  }
0xbc: {  	_ =	strace $0x90000048  }
0xbd: {  	_ =	sfence  }
0xbe: {  	s30 =	sld [smem:$0x0];
	_ =	sdelay $0x2  }
0xbf: {  	s31 =	sshll.u32 s1, $0xD;
	s1 =	sshrl.u32 s1, $0x2  }
0xc0: {  	s3 =	sand.u32 $0x4000, s31;
	s1 =	sadd.s32 s1, s30  }
0xc1: {  	s0 =	sor.u32 s3, s0;
	s1 =	sshll.u32 s1, $0x11  }
0xc2: {  	s0 =	sor.u32 s1, s0  }
0xc3: {  	s0 =	sadd.s32 $0x8F2B, s0  }
0xc4: {  	[sflag:s0] =	ssyncadd.remote.s32 $0x1  }
0xc5: {  	_ =	sfence.sel $0xFFFF  }
0xc6: {  	[dreg:$0x0] =	wrdreg $0xFFFFFFFF;
	(pc) =	sbr.abs _section_cstart, $3  }
0xc7: {  	[dreg:$0x1] =	wrdreg $0xFFFFFFFF  }
0xc8: {  	_ =	task.clear_ibuf [dreg:s8], $0x2FFFF;
	_ =	strace $0x9FFFFFFF  }
0xc9: {  	(tm) =	ssettm $0x7FFFFFFF  }
tec
execute0_lowered:
.L_overlay_start_1:
0x0: {  	(tag) =	ssettag $0x1  }
0x1: {  	s0 =	rddreg [dreg:$0x0]  }
0x2: {  	s1 =	rddreg [dreg:$0x1];
	s2 =	srdreg.scid  }
0x3: {  	s3 =	stileid.u32;
	s13 =	rddreg [dreg:$0x2]  }
0x4: {  	s15 =	simm.s32 $0x2;
	s16 =	simm.s32 $0x6600;
	s17 =	simm.s32 $0x7600  }
0x5: {  	s18 =	simm.s32 $0x8600;
	s19 =	simm.s32 $0x8800;
	s20 =	simm.s32 $0x80  }
0x6: {  	s21 =	simm.s32 $0x600;
	s22 =	simm.s32 $0x1E00;
	s23 =	simm.s32 $0x100  }
0x7: {  	s24 =	simm.s32 $0x3600;
	s25 =	simm.s32 $0x180;
	s26 =	simm.s32 $0x4E00  }
0x8: {  	s28 =	simm.s32 $0x1;
	s29 =	simm.s32 $0x8A00;
	s30 =	simm.s32 $0x0  }
0x9: {  	s6 =	sand.u32 $0x1, s2;
	s3 =	sshll.u32 s3, $0x1;
	s2 =	simm.s32 $0x0  }
0xa: {  	s4 =	sadd.s32 $0x3400, s0;
	s5 =	sadd.s32 $0x3200, s0;
	s7 =	sadd.s32 $0x1400, s0  }
0xb: {  	s8 =	sadd.s32 $0x1600, s0;
	s12 =	sor.u32 s6, s3;
	[smem:$0x7FF] =	sst s2  }
0xc: {  	s9 =	ssub.s32 $0x2, s6;
	s6 =	sadd.s32 $0x3000, s0;
	s3 =	sshll.u32 s12, $0x6  }
0xd: {  	_ =	strace $0x80000047;
	s10 =	sshrl.u32 s9, $0x1;
	s14 =	sshll.u32 s12, $0xD  }
0xe: {  	s11 =	sadd.s32 s3, s0;
	s3 =	sadd.s32 $0x9400, s0;
	s31 =	ssub.s32 s9, s10  }
0xf: {  	s12 =	sadd.s32 s1, s14;
	s13 =	sadd.s32 s13, s14;
	s9 =	sadd.s32 $0x1800, s11  }
0x10: {  	v0 =	vlaneseq.u32;
	s10 =	sadd.s32 $0x2000, s11;
	s11 =	sadd.s32 $0x2800, s11;
	s14 =	smax.u32 s31, $0x1  }
.LBB2_1:
0x11: {  	[tilespmem:s2], [sflag:$0x2] =	stream.linear.gather [hbm4b:s9+s2], $0x200, $0x38;
	[tilespmem:$0x18A00] =	vst v63  }
0x12: {  	_ =	swait.ge [sflag:s15], $0x200  }
0x13: {  	[sflag:s15] =	ssyncset.done $0x0  }
0x14: {  	s31 =	simm.s32 $0x200;
	[sflag:s15] =	ssyncadd.s32 $0xFFFFFE00  }
0x15: {  	[tilespmem:s31], [sflag:$0x2] =	stream.linear.gather [hbm4b:s10+s2], $0x200, $0x38;
	[tilespmem:$0x18A00] =	vst v63  }
0x16: {  	_ =	swait.ge [sflag:s15], $0x200  }
0x17: {  	[sflag:s15] =	ssyncset.done $0x0  }
0x18: {  	s1 =	simm.s32 $0x400;
	[sflag:s15] =	ssyncadd.s32 $0xFFFFFE00  }
0x19: {  	[tilespmem:s1], [sflag:$0x2] =	stream.linear.gather [hbm4b:s11+s2], $0x200, $0x38;
	[tilespmem:$0x18A00] =	vst v63  }
0x1a: {  	_ =	swait.ge [sflag:s15], $0x200  }
0x1b: {  	[sflag:s15] =	ssyncset.done $0x0  }
0x1c: {  	[sflag:s15] =	ssyncadd.s32 $0xFFFFFE00  }
0x1d: {  	[tilespmem:s16], [sflag:$0x1] =	stream.linear.gather [hbm4b:s5+s2], $0x1000, $0x38;
	[tilespmem:$0x18A00] =	vst v63  }
0x1e: {  	_ = 	snop  }
0x1f: {  	[tilespmem:s17], [sflag:$0x1] =	stream.linear.gather [hbm4b:s6+s2], $0x1000, $0x38;
	[tilespmem:$0x18A00] =	vst v63  }
0x20: {  	_ = 	snop  }
0x21: {  	[tilespmem:s18], [sflag:$0x1] =	stream.linear.gather [hbm4b:s7+s2], $0x200, $0x38;
	[tilespmem:$0x18A00] =	vst v63  }
0x22: {  	_ = 	snop  }
0x23: {  	[tilespmem:s19], [sflag:$0x1] =	stream.linear.gather [hbm4b:s8+s2], $0x200, $0x38;
	[tilespmem:$0x18A00] =	vst v63  }
0x24: {  	_ = 	snop  }
0x25: {  	[tilespmem:s21], [sflag:$0x1] =	stream.indirect.gather [hbm4b:s3+s20], $0x30, s2, s20, $0xb8;
	[tilespmem:$0x18A00] =	vst v63  }
0x26: {  	_ = 	snop  }
0x27: {  	[tilespmem:s22], [sflag:$0x1] =	stream.indirect.gather [hbm4b:s3+s20], $0x30, s20, s20, $0xb8;
	[tilespmem:$0x18A00] =	vst v63  }
0x28: {  	_ = 	snop  }
0x29: {  	[tilespmem:s24], [sflag:$0x1] =	stream.indirect.gather [hbm4b:s3+s20], $0x30, s23, s20, $0xb8;
	[tilespmem:$0x18A00] =	vst v63  }
0x2a: {  	_ = 	snop  }
0x2b: {  	[tilespmem:s26], [sflag:$0x1] =	stream.indirect.gather [hbm4b:s3+s20], $0x30, s25, s20, $0xb8;
	[tilespmem:$0x18A00] =	vst v63  }
0x2c: {  	_ =	swait.ge [sflag:s28], $0x1800  }
0x2d: {  	[sflag:s28] =	ssyncset.done $0x0  }
0x2e: {  	[sflag:s28] =	ssyncadd.s32 $0xFFFFE800  }
0x2f: {  	_ =	swait.ge [sflag:s28], $0x1800  }
0x30: {  	[sflag:s28] =	ssyncset.done $0x0  }
0x31: {  	[sflag:s28] =	ssyncadd.s32 $0xFFFFE800  }
0x32: {  	_ =	swait.ge [sflag:s28], $0x1800  }
0x33: {  	[sflag:s28] =	ssyncset.done $0x0  }
0x34: {  	[sflag:s28] =	ssyncadd.s32 $0xFFFFE800  }
0x35: {  	_ =	swait.ge [sflag:s28], $0x1800  }
0x36: {  	[sflag:s28] =	ssyncset.done $0x0  }
0x37: {  	[sflag:s28] =	ssyncadd.s32 $0xFFFFE800  }
0x38: {  	_ =	swait.ge [sflag:s28], $0x1000  }
0x39: {  	[sflag:s28] =	ssyncset.done $0x0  }
0x3a: {  	[sflag:s28] =	ssyncadd.s32 $0xFFFFF000  }
0x3b: {  	_ =	swait.ge [sflag:s28], $0x1000  }
0x3c: {  	[sflag:s28] =	ssyncset.done $0x0  }
0x3d: {  	[sflag:s28] =	ssyncadd.s32 $0xFFFFF000  }
0x3e: {  	_ =	swait.ge [sflag:s28], $0x200  }
0x3f: {  	[sflag:s28] =	ssyncset.done $0x0  }
0x40: {  	[sflag:s28] =	ssyncadd.s32 $0xFFFFFE00  }
0x41: {  	_ =	swait.ge [sflag:s28], $0x200  }
0x42: {  	[sflag:s28] =	ssyncset.done $0x0  }
0x43: {  	s0 =	simm.s32 $0x0;
	[sflag:s28] =	ssyncadd.s32 $0xFFFFFE00  }
.LBB2_2:
0x44: {  	v1 =	vor.u32 s0, v0  }
0x45: {  	v4 =	vmul.u32 $0x30, v1;
	_ =	sdelay $0x5  }
0x46: {  	v1 =	vshll.u32 v1, $0x7;
	v5 =	vld.idx.msk [tilespmem:v4+s21+$0x0], $0xffff  }
0x47: {  	v6 =	vor.u32 $0x2B, v1  }
0x48: {  	v7 =	vor.u32 $0x1, v4;
	_ =	sdelay $0x1  }
0x49: {  	v3 =	vld [tilespmem:s31+$0x0]  }
0x4a: {  	v2 =	vld [tilespmem:s1+$0x0];
	[tilespmem:v1+s29+$0x0] =	vst.idx.msk $0xffff, v5  }
0x4b: {  	[tilespmem:v6+s29+$0x0] =	vst.idx.msk $0xffff, v5  }
0x4c: {  	v44 =	vor.u32 $0x1, v1;
	v5 =	vld.idx.msk [tilespmem:v7+s21+$0x0], $0xffff  }
0x4d: {  	v45 =	vor.u32 $0x2C, v1  }
0x4e: {  	v8 =	vor.u32 $0x2, v4;
	_ =	sdelay $0x2  }
0x4f: {  	[tilespmem:v44+s29+$0x0] =	vst.idx.msk $0xffff, v5  }
0x50: {  	[tilespmem:v45+s29+$0x0] =	vst.idx.msk $0xffff, v5  }
0x51: {  	v46 =	vor.u32 $0x2, v1;
	v5 =	vld.idx.msk [tilespmem:v8+s21+$0x0], $0xffff  }
0x52: {  	v47 =	vor.u32 $0x2D, v1  }
0x53: {  	v48 =	vor.u32 $0x3, v4;
	_ =	sdelay $0x2  }
0x54: {  	[tilespmem:v46+s29+$0x0] =	vst.idx.msk $0xffff, v5  }
0x55: {  	[tilespmem:v47+s29+$0x0] =	vst.idx.msk $0xffff, v5  }
0x56: {  	v49 =	vor.u32 $0x3, v1;
	v5 =	vld.idx.msk [tilespmem:v48+s21+$0x0], $0xffff  }
0x57: {  	v50 =	vor.u32 $0x2E, v1  }
0x58: {  	v51 =	vor.u32 $0x4, v4;
	_ =	sdelay $0x2  }
0x59: {  	[tilespmem:v49+s29+$0x0] =	vst.idx.msk $0xffff, v5  }
0x5a: {  	[tilespmem:v50+s29+$0x0] =	vst.idx.msk $0xffff, v5  }
0x5b: {  	v52 =	vor.u32 $0x4, v1;
	v5 =	vld.idx.msk [tilespmem:v51+s21+$0x0], $0xffff  }
0x5c: {  	v53 =	vor.u32 $0x2F, v1  }
0x5d: {  	v54 =	vor.u32 $0x5, v4;
	_ =	sdelay $0x2  }
0x5e: {  	[tilespmem:v52+s29+$0x0] =	vst.idx.msk $0xffff, v5  }
0x5f: {  	[tilespmem:v53+s29+$0x0] =	vst.idx.msk $0xffff, v5  }
0x60: {  	v55 =	vor.u32 $0x5, v1;
	v5 =	vld.idx.msk [tilespmem:v54+s21+$0x0], $0xffff  }
0x61: {  	v56 =	vor.u32 $0x30, v1  }
0x62: {  	v57 =	vor.u32 $0x6, v4;
	_ =	sdelay $0x2  }
0x63: {  	[tilespmem:v55+s29+$0x0] =	vst.idx.msk $0xffff, v5  }
0x64: {  	[tilespmem:v56+s29+$0x0] =	vst.idx.msk $0xffff, v5  }
0x65: {  	v58 =	vor.u32 $0x6, v1;
	v5 =	vld.idx.msk [tilespmem:v57+s21+$0x0], $0xffff  }
0x66: {  	v59 =	vor.u32 $0x31, v1  }
0x67: {  	v60 =	vor.u32 $0x7, v4;
	_ =	sdelay $0x2  }
0x68: {  	[tilespmem:v58+s29+$0x0] =	vst.idx.msk $0xffff, v5  }
0x69: {  	[tilespmem:v59+s29+$0x0] =	vst.idx.msk $0xffff, v5  }
0x6a: {  	v61 =	vor.u32 $0x7, v1;
	v5 =	vld.idx.msk [tilespmem:v60+s21+$0x0], $0xffff  }
0x6b: {  	v62 =	vor.u32 $0x32, v1  }
0x6c: {  	v63 =	vor.u32 $0x8, v4;
	_ =	sdelay $0x2  }
0x6d: {  	[tilespmem:v61+s29+$0x0] =	vst.idx.msk $0xffff, v5  }
0x6e: {  	[tilespmem:v62+s29+$0x0] =	vst.idx.msk $0xffff, v5  }
0x6f: {  	v12 =	vor.u32 $0x8, v1;
	v5 =	vld.idx.msk [tilespmem:v63+s21+$0x0], $0xffff  }
0x70: {  	v13 =	vor.u32 $0x33, v1  }
0x71: {  	v14 =	vor.u32 $0x9, v4;
	_ =	sdelay $0x2  }
0x72: {  	[tilespmem:v12+s29+$0x0] =	vst.idx.msk $0xffff, v5  }
0x73: {  	[tilespmem:v13+s29+$0x0] =	vst.idx.msk $0xffff, v5  }
0x74: {  	v15 =	vor.u32 $0x9, v1;
	v5 =	vld.idx.msk [tilespmem:v14+s21+$0x0], $0xffff  }
0x75: {  	v16 =	vor.u32 $0x34, v1  }
0x76: {  	v17 =	vor.u32 $0xA, v4;
	_ =	sdelay $0x2  }
0x77: {  	[tilespmem:v15+s29+$0x0] =	vst.idx.msk $0xffff, v5  }
0x78: {  	[tilespmem:v16+s29+$0x0] =	vst.idx.msk $0xffff, v5  }
0x79: {  	v18 =	vor.u32 $0xA, v1;
	v5 =	vld.idx.msk [tilespmem:v17+s21+$0x0], $0xffff  }
0x7a: {  	v19 =	vor.u32 $0x35, v1  }
0x7b: {  	v20 =	vor.u32 $0xB, v4;
	_ =	sdelay $0x2  }
0x7c: {  	[tilespmem:v18+s29+$0x0] =	vst.idx.msk $0xffff, v5  }
0x7d: {  	[tilespmem:v19+s29+$0x0] =	vst.idx.msk $0xffff, v5  }
0x7e: {  	v21 =	vor.u32 $0xB, v1;
	v5 =	vld.idx.msk [tilespmem:v20+s21+$0x0], $0xffff  }
0x7f: {  	v22 =	vor.u32 $0x36, v1  }
0x80: {  	v23 =	vor.u32 $0xC, v4;
	_ =	sdelay $0x2  }
0x81: {  	[tilespmem:v21+s29+$0x0] =	vst.idx.msk $0xffff, v5  }
0x82: {  	[tilespmem:v22+s29+$0x0] =	vst.idx.msk $0xffff, v5  }
0x83: {  	v24 =	vor.u32 $0xC, v1;
	v5 =	vld.idx.msk [tilespmem:v23+s21+$0x0], $0xffff  }
0x84: {  	v25 =	vor.u32 $0x37, v1  }
0x85: {  	v26 =	vor.u32 $0xD, v4;
	_ =	sdelay $0x2  }
0x86: {  	[tilespmem:v24+s29+$0x0] =	vst.idx.msk $0xffff, v5  }
0x87: {  	[tilespmem:v25+s29+$0x0] =	vst.idx.msk $0xffff, v5  }
0x88: {  	v27 =	vor.u32 $0xD, v1;
	v5 =	vld.idx.msk [tilespmem:v26+s21+$0x0], $0xffff  }
0x89: {  	v28 =	vor.u32 $0x38, v1  }
0x8a: {  	v29 =	vor.u32 $0xE, v4;
	_ =	sdelay $0x2  }
0x8b: {  	[tilespmem:v27+s29+$0x0] =	vst.idx.msk $0xffff, v5  }
0x8c: {  	[tilespmem:v28+s29+$0x0] =	vst.idx.msk $0xffff, v5  }
0x8d: {  	v30 =	vor.u32 $0xE, v1;
	v5 =	vld.idx.msk [tilespmem:v29+s21+$0x0], $0xffff  }
0x8e: {  	v31 =	vor.u32 $0x39, v1  }
0x8f: {  	v32 =	vor.u32 $0xF, v4;
	_ =	sdelay $0x2  }
0x90: {  	[tilespmem:v30+s29+$0x0] =	vst.idx.msk $0xffff, v5  }
0x91: {  	[tilespmem:v31+s29+$0x0] =	vst.idx.msk $0xffff, v5  }
0x92: {  	v33 =	vor.u32 $0xF, v1;
	v5 =	vld.idx.msk [tilespmem:v32+s21+$0x0], $0xffff  }
0x93: {  	v34 =	vor.u32 $0x3A, v1  }
0x94: {  	v35 =	vadd.s32 $0x10, v4;
	_ =	sdelay $0x2  }
0x95: {  	[tilespmem:v33+s29+$0x0] =	vst.idx.msk $0xffff, v5  }
0x96: {  	[tilespmem:v34+s29+$0x0] =	vst.idx.msk $0xffff, v5  }
0x97: {  	v36 =	vor.u32 $0x10, v1;
	v5 =	vld.idx.msk [tilespmem:v35+s21+$0x0], $0xffff  }
0x98: {  	v37 =	vor.u32 $0x3B, v1  }
0x99: {  	v38 =	vadd.s32 $0x11, v4;
	_ =	sdelay $0x2  }
0x9a: {  	[tilespmem:v36+s29+$0x0] =	vst.idx.msk $0xffff, v5  }
0x9b: {  	[tilespmem:v37+s29+$0x0] =	vst.idx.msk $0xffff, v5  }
0x9c: {  	v39 =	vor.u32 $0x11, v1;
	v5 =	vld.idx.msk [tilespmem:v38+s21+$0x0], $0xffff  }
0x9d: {  	v40 =	vor.u32 $0x3C, v1  }
0x9e: {  	v41 =	vadd.s32 $0x12, v4;
	_ =	sdelay $0x2  }
0x9f: {  	[tilespmem:v39+s29+$0x0] =	vst.idx.msk $0xffff, v5  }
0xa0: {  	[tilespmem:v40+s29+$0x0] =	vst.idx.msk $0xffff, v5  }
0xa1: {  	v42 =	vor.u32 $0x12, v1;
	v5 =	vld.idx.msk [tilespmem:v41+s21+$0x0], $0xffff  }
0xa2: {  	v43 =	vor.u32 $0x3D, v1  }
0xa3: {  	v44 =	vadd.s32 $0x13, v4;
	_ =	sdelay $0x2  }
0xa4: {  	[tilespmem:v42+s29+$0x0] =	vst.idx.msk $0xffff, v5  }
0xa5: {  	[tilespmem:v43+s29+$0x0] =	vst.idx.msk $0xffff, v5  }
0xa6: {  	v45 =	vor.u32 $0x13, v1;
	v5 =	vld.idx.msk [tilespmem:v44+s21+$0x0], $0xffff  }
0xa7: {  	v46 =	vor.u32 $0x3E, v1  }
0xa8: {  	v47 =	vadd.s32 $0x14, v4;
	_ =	sdelay $0x2  }
0xa9: {  	[tilespmem:v45+s29+$0x0] =	vst.idx.msk $0xffff, v5  }
0xaa: {  	[tilespmem:v46+s29+$0x0] =	vst.idx.msk $0xffff, v5  }
0xab: {  	v48 =	vor.u32 $0x14, v1;
	v5 =	vld.idx.msk [tilespmem:v47+s21+$0x0], $0xffff  }
0xac: {  	v49 =	vor.u32 $0x3F, v1  }
0xad: {  	v50 =	vadd.s32 $0x15, v4;
	_ =	sdelay $0x2  }
0xae: {  	[tilespmem:v48+s29+$0x0] =	vst.idx.msk $0xffff, v5  }
0xaf: {  	[tilespmem:v49+s29+$0x0] =	vst.idx.msk $0xffff, v5  }
0xb0: {  	v51 =	vor.u32 $0x15, v1;
	v5 =	vld.idx.msk [tilespmem:v50+s21+$0x0], $0xffff  }
0xb1: {  	v52 =	vor.u32 $0x40, v1  }
0xb2: {  	v53 =	vadd.s32 $0x16, v4;
	_ =	sdelay $0x2  }
0xb3: {  	[tilespmem:v51+s29+$0x0] =	vst.idx.msk $0xffff, v5  }
0xb4: {  	[tilespmem:v52+s29+$0x0] =	vst.idx.msk $0xffff, v5  }
0xb5: {  	v54 =	vor.u32 $0x16, v1;
	v5 =	vld.idx.msk [tilespmem:v53+s21+$0x0], $0xffff  }
0xb6: {  	v55 =	vor.u32 $0x41, v1  }
0xb7: {  	v56 =	vadd.s32 $0x17, v4;
	_ =	sdelay $0x2  }
0xb8: {  	[tilespmem:v54+s29+$0x0] =	vst.idx.msk $0xffff, v5  }
0xb9: {  	[tilespmem:v55+s29+$0x0] =	vst.idx.msk $0xffff, v5  }
0xba: {  	v57 =	vor.u32 $0x17, v1;
	v5 =	vld.idx.msk [tilespmem:v56+s21+$0x0], $0xffff  }
0xbb: {  	v58 =	vor.u32 $0x42, v1  }
0xbc: {  	v59 =	vadd.s32 $0x18, v4;
	_ =	sdelay $0x2  }
0xbd: {  	[tilespmem:v57+s29+$0x0] =	vst.idx.msk $0xffff, v5  }
0xbe: {  	[tilespmem:v58+s29+$0x0] =	vst.idx.msk $0xffff, v5  }
0xbf: {  	v60 =	vor.u32 $0x18, v1;
	v5 =	vld.idx.msk [tilespmem:v59+s21+$0x0], $0xffff  }
0xc0: {  	v61 =	vor.u32 $0x43, v1  }
0xc1: {  	v62 =	vadd.s32 $0x19, v4;
	_ =	sdelay $0x2  }
0xc2: {  	[tilespmem:v60+s29+$0x0] =	vst.idx.msk $0xffff, v5  }
0xc3: {  	[tilespmem:v61+s29+$0x0] =	vst.idx.msk $0xffff, v5  }
0xc4: {  	v63 =	vor.u32 $0x19, v1;
	v5 =	vld.idx.msk [tilespmem:v62+s21+$0x0], $0xffff  }
0xc5: {  	v12 =	vor.u32 $0x44, v1  }
0xc6: {  	v13 =	vadd.s32 $0x1A, v4;
	_ =	sdelay $0x2  }
0xc7: {  	[tilespmem:v63+s29+$0x0] =	vst.idx.msk $0xffff, v5  }
0xc8: {  	[tilespmem:v12+s29+$0x0] =	vst.idx.msk $0xffff, v5  }
0xc9: {  	v14 =	vor.u32 $0x1A, v1;
	v5 =	vld.idx.msk [tilespmem:v13+s21+$0x0], $0xffff  }
0xca: {  	v15 =	vor.u32 $0x45, v1  }
0xcb: {  	v16 =	vadd.s32 $0x1B, v4;
	_ =	sdelay $0x2  }
0xcc: {  	[tilespmem:v14+s29+$0x0] =	vst.idx.msk $0xffff, v5  }
0xcd: {  	[tilespmem:v15+s29+$0x0] =	vst.idx.msk $0xffff, v5  }
0xce: {  	v17 =	vor.u32 $0x1B, v1;
	v5 =	vld.idx.msk [tilespmem:v16+s21+$0x0], $0xffff  }
0xcf: {  	v18 =	vor.u32 $0x46, v1  }
0xd0: {  	v19 =	vadd.s32 $0x1C, v4;
	_ =	sdelay $0x2  }
0xd1: {  	[tilespmem:v17+s29+$0x0] =	vst.idx.msk $0xffff, v5  }
0xd2: {  	[tilespmem:v18+s29+$0x0] =	vst.idx.msk $0xffff, v5  }
0xd3: {  	v20 =	vor.u32 $0x1C, v1;
	v5 =	vld.idx.msk [tilespmem:v19+s21+$0x0], $0xffff  }
0xd4: {  	v21 =	vor.u32 $0x47, v1  }
0xd5: {  	v22 =	vadd.s32 $0x1D, v4;
	_ =	sdelay $0x2  }
0xd6: {  	[tilespmem:v20+s29+$0x0] =	vst.idx.msk $0xffff, v5  }
0xd7: {  	[tilespmem:v21+s29+$0x0] =	vst.idx.msk $0xffff, v5  }
0xd8: {  	v23 =	vor.u32 $0x1D, v1;
	v5 =	vld.idx.msk [tilespmem:v22+s21+$0x0], $0xffff  }
0xd9: {  	v24 =	vor.u32 $0x48, v1  }
0xda: {  	v25 =	vadd.s32 $0x1E, v4;
	_ =	sdelay $0x2  }
0xdb: {  	[tilespmem:v23+s29+$0x0] =	vst.idx.msk $0xffff, v5  }
0xdc: {  	[tilespmem:v24+s29+$0x0] =	vst.idx.msk $0xffff, v5  }
0xdd: {  	v26 =	vor.u32 $0x1E, v1;
	v5 =	vld.idx.msk [tilespmem:v25+s21+$0x0], $0xffff  }
0xde: {  	v27 =	vor.u32 $0x49, v1  }
0xdf: {  	v28 =	vadd.s32 $0x1F, v4;
	_ =	sdelay $0x2  }
0xe0: {  	[tilespmem:v26+s29+$0x0] =	vst.idx.msk $0xffff, v5  }
0xe1: {  	[tilespmem:v27+s29+$0x0] =	vst.idx.msk $0xffff, v5  }
0xe2: {  	v29 =	vor.u32 $0x1F, v1;
	v5 =	vld.idx.msk [tilespmem:v28+s21+$0x0], $0xffff  }
0xe3: {  	v30 =	vor.u32 $0x4A, v1  }
0xe4: {  	v31 =	vadd.s32 $0x20, v4;
	_ =	sdelay $0x2  }
0xe5: {  	[tilespmem:v29+s29+$0x0] =	vst.idx.msk $0xffff, v5  }
0xe6: {  	[tilespmem:v30+s29+$0x0] =	vst.idx.msk $0xffff, v5  }
0xe7: {  	v32 =	vor.u32 $0x20, v1;
	v5 =	vld.idx.msk [tilespmem:v31+s21+$0x0], $0xffff  }
0xe8: {  	v33 =	vor.u32 $0x4B, v1  }
0xe9: {  	v34 =	vadd.s32 $0x21, v4;
	_ =	sdelay $0x2  }
0xea: {  	[tilespmem:v32+s29+$0x0] =	vst.idx.msk $0xffff, v5  }
0xeb: {  	[tilespmem:v33+s29+$0x0] =	vst.idx.msk $0xffff, v5  }
0xec: {  	v35 =	vor.u32 $0x21, v1;
	v5 =	vld.idx.msk [tilespmem:v34+s21+$0x0], $0xffff  }
0xed: {  	v36 =	vor.u32 $0x4C, v1  }
0xee: {  	v37 =	vadd.s32 $0x22, v4;
	_ =	sdelay $0x2  }
0xef: {  	[tilespmem:v35+s29+$0x0] =	vst.idx.msk $0xffff, v5  }
0xf0: {  	[tilespmem:v36+s29+$0x0] =	vst.idx.msk $0xffff, v5  }
0xf1: {  	v38 =	vor.u32 $0x22, v1;
	v5 =	vld.idx.msk [tilespmem:v37+s21+$0x0], $0xffff  }
0xf2: {  	v39 =	vor.u32 $0x4D, v1  }
0xf3: {  	v40 =	vadd.s32 $0x23, v4;
	_ =	sdelay $0x2  }
0xf4: {  	[tilespmem:v38+s29+$0x0] =	vst.idx.msk $0xffff, v5  }
0xf5: {  	[tilespmem:v39+s29+$0x0] =	vst.idx.msk $0xffff, v5  }
0xf6: {  	v41 =	vor.u32 $0x23, v1;
	v5 =	vld.idx.msk [tilespmem:v40+s21+$0x0], $0xffff  }
0xf7: {  	v42 =	vor.u32 $0x4E, v1  }
0xf8: {  	v43 =	vadd.s32 $0x24, v4;
	_ =	sdelay $0x2  }
0xf9: {  	[tilespmem:v41+s29+$0x0] =	vst.idx.msk $0xffff, v5  }
0xfa: {  	[tilespmem:v42+s29+$0x0] =	vst.idx.msk $0xffff, v5  }
0xfb: {  	v44 =	vor.u32 $0x24, v1;
	v5 =	vld.idx.msk [tilespmem:v43+s21+$0x0], $0xffff  }
0xfc: {  	v45 =	vor.u32 $0x4F, v1  }
0xfd: {  	v46 =	vadd.s32 $0x25, v4;
	_ =	sdelay $0x2  }
0xfe: {  	[tilespmem:v44+s29+$0x0] =	vst.idx.msk $0xffff, v5  }
0xff: {  	[tilespmem:v45+s29+$0x0] =	vst.idx.msk $0xffff, v5  }
0x100: {  	v47 =	vor.u32 $0x25, v1;
	v5 =	vld.idx.msk [tilespmem:v46+s21+$0x0], $0xffff  }
0x101: {  	v48 =	vor.u32 $0x50, v1  }
0x102: {  	v49 =	vadd.s32 $0x26, v4;
	_ =	sdelay $0x2  }
0x103: {  	[tilespmem:v47+s29+$0x0] =	vst.idx.msk $0xffff, v5  }
0x104: {  	[tilespmem:v48+s29+$0x0] =	vst.idx.msk $0xffff, v5  }
0x105: {  	v50 =	vor.u32 $0x26, v1;
	v5 =	vld.idx.msk [tilespmem:v49+s21+$0x0], $0xffff  }
0x106: {  	v51 =	vor.u32 $0x51, v1  }
0x107: {  	v52 =	vadd.s32 $0x27, v4;
	_ =	sdelay $0x2  }
0x108: {  	[tilespmem:v50+s29+$0x0] =	vst.idx.msk $0xffff, v5  }
0x109: {  	[tilespmem:v51+s29+$0x0] =	vst.idx.msk $0xffff, v5  }
0x10a: {  	v53 =	vor.u32 $0x27, v1;
	v5 =	vld.idx.msk [tilespmem:v52+s21+$0x0], $0xffff  }
0x10b: {  	v54 =	vor.u32 $0x52, v1  }
0x10c: {  	v55 =	vadd.s32 $0x28, v4;
	_ =	sdelay $0x2  }
0x10d: {  	[tilespmem:v53+s29+$0x0] =	vst.idx.msk $0xffff, v5  }
0x10e: {  	[tilespmem:v54+s29+$0x0] =	vst.idx.msk $0xffff, v5  }
0x10f: {  	v56 =	vor.u32 $0x28, v1;
	v6 =	vld.idx.msk [tilespmem:v55+s21+$0x0], $0xffff  }
0x110: {  	v57 =	vor.u32 $0x53, v1  }
0x111: {  	v58 =	vadd.s32 $0x29, v4;
	_ =	sdelay $0x2  }
0x112: {  	[tilespmem:v56+s29+$0x0] =	vst.idx.msk $0xffff, v6  }
0x113: {  	[tilespmem:v57+s29+$0x0] =	vst.idx.msk $0xffff, v6  }
0x114: {  	v59 =	vor.u32 $0x29, v1;
	v5 =	vld.idx.msk [tilespmem:v58+s21+$0x0], $0xffff  }
0x115: {  	v60 =	vor.u32 $0x54, v1  }
0x116: {  	v4 =	vadd.s32 $0x2A, v4;
	_ =	sdelay $0x2  }
0x117: {  	[tilespmem:v59+s29+$0x0] =	vst.idx.msk $0xffff, v5  }
0x118: {  	[tilespmem:v60+s29+$0x0] =	vst.idx.msk $0xffff, v5  }
0x119: {  	v61 =	vor.u32 $0x2A, v1;
	v4 =	vld.idx.msk [tilespmem:v4+s21+$0x0], $0xffff  }
0x11a: {  	v62 =	vor.u32 $0x55, v1  }
0x11b: {  	v3 =	vshll.u32 v3, $0x4;
	_ =	sdelay $0x2  }
0x11c: {  	[tilespmem:v61+s29+$0x0] =	vst.idx.msk $0xffff, v4  }
0x11d: {  	[tilespmem:v62+s29+$0x0] =	vst.idx.msk $0xffff, v4  }
0x11e: {  	v63 =	vor.u32 $0x56, v1;
	v4 =	vld.idx.msk [tilespmem:v3+s16+$0x0], $0xffff  }
0x11f: {  	v9 =	vor.u32 $0x60, v1  }
0x120: {  	v10 =	vor.u32 $0x1, v3;
	_ =	sdelay $0x2  }
0x121: {  	[tilespmem:v63+s29+$0x0] =	vst.idx.msk $0xffff, v4  }
0x122: {  	[tilespmem:v9+s29+$0x0] =	vst.idx.msk $0xffff, v4  }
0x123: {  	v11 =	vor.u32 $0x57, v1;
	v4 =	vld.idx.msk [tilespmem:v10+s16+$0x0], $0xffff  }
0x124: {  	v12 =	vor.u32 $0x61, v1  }
0x125: {  	v13 =	vor.u32 $0x2, v3;
	_ =	sdelay $0x2  }
0x126: {  	[tilespmem:v11+s29+$0x0] =	vst.idx.msk $0xffff, v4  }
0x127: {  	[tilespmem:v12+s29+$0x0] =	vst.idx.msk $0xffff, v4  }
0x128: {  	v14 =	vor.u32 $0x58, v1;
	v4 =	vld.idx.msk [tilespmem:v13+s16+$0x0], $0xffff  }
0x129: {  	v15 =	vor.u32 $0x62, v1  }
0x12a: {  	v16 =	vor.u32 $0x3, v3;
	_ =	sdelay $0x2  }
0x12b: {  	[tilespmem:v14+s29+$0x0] =	vst.idx.msk $0xffff, v4  }
0x12c: {  	[tilespmem:v15+s29+$0x0] =	vst.idx.msk $0xffff, v4  }
0x12d: {  	v17 =	vor.u32 $0x59, v1;
	v4 =	vld.idx.msk [tilespmem:v16+s16+$0x0], $0xffff  }
0x12e: {  	v18 =	vor.u32 $0x63, v1  }
0x12f: {  	v19 =	vor.u32 $0x4, v3;
	_ =	sdelay $0x2  }
0x130: {  	[tilespmem:v17+s29+$0x0] =	vst.idx.msk $0xffff, v4  }
0x131: {  	[tilespmem:v18+s29+$0x0] =	vst.idx.msk $0xffff, v4  }
0x132: {  	v20 =	vor.u32 $0x5A, v1;
	v4 =	vld.idx.msk [tilespmem:v19+s16+$0x0], $0xffff  }
0x133: {  	v21 =	vor.u32 $0x64, v1  }
0x134: {  	v22 =	vor.u32 $0x5, v3;
	_ =	sdelay $0x2  }
0x135: {  	[tilespmem:v20+s29+$0x0] =	vst.idx.msk $0xffff, v4  }
0x136: {  	[tilespmem:v21+s29+$0x0] =	vst.idx.msk $0xffff, v4  }
0x137: {  	v23 =	vor.u32 $0x5B, v1;
	v4 =	vld.idx.msk [tilespmem:v22+s16+$0x0], $0xffff  }
0x138: {  	v24 =	vor.u32 $0x65, v1  }
0x139: {  	v25 =	vor.u32 $0x6, v3;
	_ =	sdelay $0x2  }
0x13a: {  	[tilespmem:v23+s29+$0x0] =	vst.idx.msk $0xffff, v4  }
0x13b: {  	[tilespmem:v24+s29+$0x0] =	vst.idx.msk $0xffff, v4  }
0x13c: {  	v26 =	vor.u32 $0x5C, v1;
	v4 =	vld.idx.msk [tilespmem:v25+s16+$0x0], $0xffff  }
0x13d: {  	v27 =	vor.u32 $0x66, v1  }
0x13e: {  	v28 =	vor.u32 $0x7, v3;
	_ =	sdelay $0x2  }
0x13f: {  	[tilespmem:v26+s29+$0x0] =	vst.idx.msk $0xffff, v4  }
0x140: {  	[tilespmem:v27+s29+$0x0] =	vst.idx.msk $0xffff, v4  }
0x141: {  	v29 =	vor.u32 $0x5D, v1;
	v4 =	vld.idx.msk [tilespmem:v28+s16+$0x0], $0xffff  }
0x142: {  	v30 =	vor.u32 $0x67, v1  }
0x143: {  	v31 =	vor.u32 $0x8, v3;
	_ =	sdelay $0x2  }
0x144: {  	[tilespmem:v29+s29+$0x0] =	vst.idx.msk $0xffff, v4  }
0x145: {  	[tilespmem:v30+s29+$0x0] =	vst.idx.msk $0xffff, v4  }
0x146: {  	v32 =	vor.u32 $0x5E, v1;
	v4 =	vld.idx.msk [tilespmem:v31+s16+$0x0], $0xffff  }
0x147: {  	v33 =	vor.u32 $0x68, v1  }
0x148: {  	v3 =	vor.u32 $0x9, v3;
	_ =	sdelay $0x2  }
0x149: {  	[tilespmem:v32+s29+$0x0] =	vst.idx.msk $0xffff, v4  }
0x14a: {  	[tilespmem:v33+s29+$0x0] =	vst.idx.msk $0xffff, v4  }
0x14b: {  	v34 =	vor.u32 $0x5F, v1;
	v3 =	vld.idx.msk [tilespmem:v3+s16+$0x0], $0xffff  }
0x14c: {  	v35 =	vor.u32 $0x69, v1  }
0x14d: {  	v2 =	vshll.u32 v2, $0x4;
	_ =	sdelay $0x2  }
0x14e: {  	[tilespmem:v34+s29+$0x0] =	vst.idx.msk $0xffff, v3  }
0x14f: {  	[tilespmem:v35+s29+$0x0] =	vst.idx.msk $0xffff, v3  }
0x150: {  	v36 =	vor.u32 $0x6A, v1;
	v3 =	vld.idx.msk [tilespmem:v2+s18+$0x0], $0xffff  }
0x151: {  	v37 =	vor.u32 $0x75, v1  }
0x152: {  	v38 =	vor.u32 $0x1, v2;
	_ =	sdelay $0x2  }
0x153: {  	[tilespmem:v36+s29+$0x0] =	vst.idx.msk $0xffff, v3  }
0x154: {  	[tilespmem:v37+s29+$0x0] =	vst.idx.msk $0xffff, v3  }
0x155: {  	v39 =	vor.u32 $0x6B, v1;
	v3 =	vld.idx.msk [tilespmem:v38+s18+$0x0], $0xffff  }
0x156: {  	v40 =	vor.u32 $0x76, v1  }
0x157: {  	v41 =	vor.u32 $0x2, v2;
	_ =	sdelay $0x2  }
0x158: {  	[tilespmem:v39+s29+$0x0] =	vst.idx.msk $0xffff, v3  }
0x159: {  	[tilespmem:v40+s29+$0x0] =	vst.idx.msk $0xffff, v3  }
0x15a: {  	v42 =	vor.u32 $0x6C, v1;
	v3 =	vld.idx.msk [tilespmem:v41+s18+$0x0], $0xffff  }
0x15b: {  	v43 =	vor.u32 $0x77, v1  }
0x15c: {  	v44 =	vor.u32 $0x3, v2;
	_ =	sdelay $0x2  }
0x15d: {  	[tilespmem:v42+s29+$0x0] =	vst.idx.msk $0xffff, v3  }
0x15e: {  	[tilespmem:v43+s29+$0x0] =	vst.idx.msk $0xffff, v3  }
0x15f: {  	v45 =	vor.u32 $0x6D, v1;
	v3 =	vld.idx.msk [tilespmem:v44+s18+$0x0], $0xffff  }
0x160: {  	v46 =	vor.u32 $0x78, v1  }
0x161: {  	v47 =	vor.u32 $0x4, v2;
	_ =	sdelay $0x2  }
0x162: {  	[tilespmem:v45+s29+$0x0] =	vst.idx.msk $0xffff, v3  }
0x163: {  	[tilespmem:v46+s29+$0x0] =	vst.idx.msk $0xffff, v3  }
0x164: {  	v48 =	vor.u32 $0x6E, v1;
	v3 =	vld.idx.msk [tilespmem:v47+s18+$0x0], $0xffff  }
0x165: {  	v49 =	vor.u32 $0x79, v1  }
0x166: {  	v50 =	vor.u32 $0x5, v2;
	_ =	sdelay $0x2  }
0x167: {  	[tilespmem:v48+s29+$0x0] =	vst.idx.msk $0xffff, v3  }
0x168: {  	[tilespmem:v49+s29+$0x0] =	vst.idx.msk $0xffff, v3  }
0x169: {  	v51 =	vor.u32 $0x6F, v1;
	v3 =	vld.idx.msk [tilespmem:v50+s18+$0x0], $0xffff  }
0x16a: {  	v52 =	vor.u32 $0x7A, v1  }
0x16b: {  	v53 =	vor.u32 $0x6, v2;
	_ =	sdelay $0x2  }
0x16c: {  	[tilespmem:v51+s29+$0x0] =	vst.idx.msk $0xffff, v3  }
0x16d: {  	[tilespmem:v52+s29+$0x0] =	vst.idx.msk $0xffff, v3  }
0x16e: {  	v3 =	vor.u32 $0x70, v1;
	v4 =	vld.idx.msk [tilespmem:v53+s18+$0x0], $0xffff  }
0x16f: {  	v54 =	vor.u32 $0x7B, v1  }
0x170: {  	v55 =	vor.u32 $0x7, v2;
	_ =	sdelay $0x2  }
0x171: {  	[tilespmem:v3+s29+$0x0] =	vst.idx.msk $0xffff, v4  }
0x172: {  	[tilespmem:v54+s29+$0x0] =	vst.idx.msk $0xffff, v4  }
0x173: {  	v56 =	vor.u32 $0x71, v1;
	v3 =	vld.idx.msk [tilespmem:v55+s18+$0x0], $0xffff  }
0x174: {  	v57 =	vor.u32 $0x7C, v1  }
0x175: {  	v58 =	vor.u32 $0x8, v2;
	_ =	sdelay $0x2  }
0x176: {  	[tilespmem:v56+s29+$0x0] =	vst.idx.msk $0xffff, v3  }
0x177: {  	[tilespmem:v57+s29+$0x0] =	vst.idx.msk $0xffff, v3  }
0x178: {  	v59 =	vor.u32 $0x72, v1;
	v3 =	vld.idx.msk [tilespmem:v58+s18+$0x0], $0xffff  }
0x179: {  	v60 =	vor.u32 $0x7D, v1  }
0x17a: {  	v61 =	vor.u32 $0x9, v2;
	_ =	sdelay $0x2  }
0x17b: {  	[tilespmem:v59+s29+$0x0] =	vst.idx.msk $0xffff, v3  }
0x17c: {  	[tilespmem:v60+s29+$0x0] =	vst.idx.msk $0xffff, v3  }
0x17d: {  	v62 =	vor.u32 $0x73, v1;
	v3 =	vld.idx.msk [tilespmem:v61+s18+$0x0], $0xffff  }
0x17e: {  	v63 =	vor.u32 $0x7E, v1  }
0x17f: {  	v2 =	vor.u32 $0xA, v2;
	_ =	sdelay $0x2  }
0x180: {  	[tilespmem:v62+s29+$0x0] =	vst.idx.msk $0xffff, v3  }
0x181: {  	[tilespmem:v63+s29+$0x0] =	vst.idx.msk $0xffff, v3  }
0x182: {  	v3 =	vor.u32 $0x74, v1;
	v2 =	vld.idx.msk [tilespmem:v2+s18+$0x0], $0xffff  }
0x183: {  	p0 =	sne.s32 s0, $0x1F0;
	v1 =	vor.u32 $0x7F, v1  }
.Ltmp0:
0x184: {  	_ = 	snop;
	(pc) =	sbr.rel @p0 .LBB2_2-.Ltmp0, $3  }
0x185: {  	_ =	sdelay $0x1  }
0x186: {  	[tilespmem:v3+s29+$0x0] =	vst.idx.msk $0xffff, v2  }
0x187: {  	s31 =	sadd.s32 $0x10, s31;
	s1 =	sadd.s32 $0x10, s1;
	s0 =	sadd.s32 $0x10, s0;
	[tilespmem:v1+s29+$0x0] =	vst.idx.msk $0xffff, v2  }
0x188: {  	s1 =	simm.s32 $0x0  }
0x189: {  	[hbm4b:s12+s1] =	stream.linear.scatter [tilespmem:s29], [sflag:$0x2], $0x10000, $0x38;
	[tilespmem:$0x18A00] =	vst v63  }
0x18a: {  	_ =	swait.ge [sflag:s15], $0x10000  }
0x18b: {  	[sflag:s15] =	ssyncset.done $0x0  }
0x18c: {  	[sflag:s15] =	ssyncadd.s32 $0xFFFF0000  }
0x18d: {  	[tilespmem:s21], [sflag:$0x1] =	stream.indirect.gather [hbm4b:s4+s20], $0x30, s1, s20, $0xb8;
	[tilespmem:$0x18A00] =	vst v63  }
0x18e: {  	_ = 	snop  }
0x18f: {  	[tilespmem:s22], [sflag:$0x1] =	stream.indirect.gather [hbm4b:s4+s20], $0x30, s20, s20, $0xb8;
	[tilespmem:$0x18A00] =	vst v63  }
0x190: {  	_ = 	snop  }
0x191: {  	[tilespmem:s24], [sflag:$0x1] =	stream.indirect.gather [hbm4b:s4+s20], $0x30, s23, s20, $0xb8;
	[tilespmem:$0x18A00] =	vst v63  }
0x192: {  	_ = 	snop  }
0x193: {  	[tilespmem:s26], [sflag:$0x1] =	stream.indirect.gather [hbm4b:s4+s20], $0x30, s25, s20, $0xb8;
	[tilespmem:$0x18A00] =	vst v63  }
0x194: {  	_ =	swait.ge [sflag:s28], $0x1800  }
0x195: {  	[sflag:s28] =	ssyncset.done $0x0  }
0x196: {  	[sflag:s28] =	ssyncadd.s32 $0xFFFFE800  }
0x197: {  	_ =	swait.ge [sflag:s28], $0x1800  }
0x198: {  	[sflag:s28] =	ssyncset.done $0x0  }
0x199: {  	[sflag:s28] =	ssyncadd.s32 $0xFFFFE800  }
0x19a: {  	_ =	swait.ge [sflag:s28], $0x1800  }
0x19b: {  	[sflag:s28] =	ssyncset.done $0x0  }
0x19c: {  	[sflag:s28] =	ssyncadd.s32 $0xFFFFE800  }
0x19d: {  	_ =	swait.ge [sflag:s28], $0x1800  }
0x19e: {  	[sflag:s28] =	ssyncset.done $0x0  }
0x19f: {  	s31 =	simm.s32 $0x200;
	s0 =	simm.s32 $0x400;
	[sflag:s28] =	ssyncadd.s32 $0xFFFFE800  }
.LBB2_4:
0x1a0: {  	v1 =	vor.u32 s1, v0  }
0x1a1: {  	v4 =	vmul.u32 $0x30, v1;
	_ =	sdelay $0x5  }
0x1a2: {  	v1 =	vshll.u32 v1, $0x7;
	v5 =	vld.idx.msk [tilespmem:v4+s21+$0x0], $0xffff  }
0x1a3: {  	v6 =	vor.u32 $0x2B, v1  }
0x1a4: {  	v7 =	vor.u32 $0x1, v4;
	_ =	sdelay $0x1  }
0x1a5: {  	v3 =	vld [tilespmem:s31+$0x0]  }
0x1a6: {  	v2 =	vld [tilespmem:s0+$0x0];
	[tilespmem:v1+s29+$0x0] =	vst.idx.msk $0xffff, v5  }
0x1a7: {  	[tilespmem:v6+s29+$0x0] =	vst.idx.msk $0xffff, v5  }
0x1a8: {  	v44 =	vor.u32 $0x1, v1;
	v5 =	vld.idx.msk [tilespmem:v7+s21+$0x0], $0xffff  }
0x1a9: {  	v45 =	vor.u32 $0x2C, v1  }
0x1aa: {  	v8 =	vor.u32 $0x2, v4;
	_ =	sdelay $0x2  }
0x1ab: {  	[tilespmem:v44+s29+$0x0] =	vst.idx.msk $0xffff, v5  }
0x1ac: {  	[tilespmem:v45+s29+$0x0] =	vst.idx.msk $0xffff, v5  }
0x1ad: {  	v46 =	vor.u32 $0x2, v1;
	v5 =	vld.idx.msk [tilespmem:v8+s21+$0x0], $0xffff  }
0x1ae: {  	v47 =	vor.u32 $0x2D, v1  }
0x1af: {  	v48 =	vor.u32 $0x3, v4;
	_ =	sdelay $0x2  }
0x1b0: {  	[tilespmem:v46+s29+$0x0] =	vst.idx.msk $0xffff, v5  }
0x1b1: {  	[tilespmem:v47+s29+$0x0] =	vst.idx.msk $0xffff, v5  }
0x1b2: {  	v49 =	vor.u32 $0x3, v1;
	v5 =	vld.idx.msk [tilespmem:v48+s21+$0x0], $0xffff  }
0x1b3: {  	v50 =	vor.u32 $0x2E, v1  }
0x1b4: {  	v51 =	vor.u32 $0x4, v4;
	_ =	sdelay $0x2  }
0x1b5: {  	[tilespmem:v49+s29+$0x0] =	vst.idx.msk $0xffff, v5  }
0x1b6: {  	[tilespmem:v50+s29+$0x0] =	vst.idx.msk $0xffff, v5  }
0x1b7: {  	v52 =	vor.u32 $0x4, v1;
	v5 =	vld.idx.msk [tilespmem:v51+s21+$0x0], $0xffff  }
0x1b8: {  	v53 =	vor.u32 $0x2F, v1  }
0x1b9: {  	v54 =	vor.u32 $0x5, v4;
	_ =	sdelay $0x2  }
0x1ba: {  	[tilespmem:v52+s29+$0x0] =	vst.idx.msk $0xffff, v5  }
0x1bb: {  	[tilespmem:v53+s29+$0x0] =	vst.idx.msk $0xffff, v5  }
0x1bc: {  	v55 =	vor.u32 $0x5, v1;
	v5 =	vld.idx.msk [tilespmem:v54+s21+$0x0], $0xffff  }
0x1bd: {  	v56 =	vor.u32 $0x30, v1  }
0x1be: {  	v57 =	vor.u32 $0x6, v4;
	_ =	sdelay $0x2  }
0x1bf: {  	[tilespmem:v55+s29+$0x0] =	vst.idx.msk $0xffff, v5  }
0x1c0: {  	[tilespmem:v56+s29+$0x0] =	vst.idx.msk $0xffff, v5  }
0x1c1: {  	v58 =	vor.u32 $0x6, v1;
	v5 =	vld.idx.msk [tilespmem:v57+s21+$0x0], $0xffff  }
0x1c2: {  	v59 =	vor.u32 $0x31, v1  }
0x1c3: {  	v60 =	vor.u32 $0x7, v4;
	_ =	sdelay $0x2  }
0x1c4: {  	[tilespmem:v58+s29+$0x0] =	vst.idx.msk $0xffff, v5  }
0x1c5: {  	[tilespmem:v59+s29+$0x0] =	vst.idx.msk $0xffff, v5  }
0x1c6: {  	v61 =	vor.u32 $0x7, v1;
	v5 =	vld.idx.msk [tilespmem:v60+s21+$0x0], $0xffff  }
0x1c7: {  	v62 =	vor.u32 $0x32, v1  }
0x1c8: {  	v63 =	vor.u32 $0x8, v4;
	_ =	sdelay $0x2  }
0x1c9: {  	[tilespmem:v61+s29+$0x0] =	vst.idx.msk $0xffff, v5  }
0x1ca: {  	[tilespmem:v62+s29+$0x0] =	vst.idx.msk $0xffff, v5  }
0x1cb: {  	v12 =	vor.u32 $0x8, v1;
	v5 =	vld.idx.msk [tilespmem:v63+s21+$0x0], $0xffff  }
0x1cc: {  	v13 =	vor.u32 $0x33, v1  }
0x1cd: {  	v14 =	vor.u32 $0x9, v4;
	_ =	sdelay $0x2  }
0x1ce: {  	[tilespmem:v12+s29+$0x0] =	vst.idx.msk $0xffff, v5  }
0x1cf: {  	[tilespmem:v13+s29+$0x0] =	vst.idx.msk $0xffff, v5  }
0x1d0: {  	v15 =	vor.u32 $0x9, v1;
	v5 =	vld.idx.msk [tilespmem:v14+s21+$0x0], $0xffff  }
0x1d1: {  	v16 =	vor.u32 $0x34, v1  }
0x1d2: {  	v17 =	vor.u32 $0xA, v4;
	_ =	sdelay $0x2  }
0x1d3: {  	[tilespmem:v15+s29+$0x0] =	vst.idx.msk $0xffff, v5  }
0x1d4: {  	[tilespmem:v16+s29+$0x0] =	vst.idx.msk $0xffff, v5  }
0x1d5: {  	v18 =	vor.u32 $0xA, v1;
	v5 =	vld.idx.msk [tilespmem:v17+s21+$0x0], $0xffff  }
0x1d6: {  	v19 =	vor.u32 $0x35, v1  }
0x1d7: {  	v20 =	vor.u32 $0xB, v4;
	_ =	sdelay $0x2  }
0x1d8: {  	[tilespmem:v18+s29+$0x0] =	vst.idx.msk $0xffff, v5  }
0x1d9: {  	[tilespmem:v19+s29+$0x0] =	vst.idx.msk $0xffff, v5  }
0x1da: {  	v21 =	vor.u32 $0xB, v1;
	v5 =	vld.idx.msk [tilespmem:v20+s21+$0x0], $0xffff  }
0x1db: {  	v22 =	vor.u32 $0x36, v1  }
0x1dc: {  	v23 =	vor.u32 $0xC, v4;
	_ =	sdelay $0x2  }
0x1dd: {  	[tilespmem:v21+s29+$0x0] =	vst.idx.msk $0xffff, v5  }
0x1de: {  	[tilespmem:v22+s29+$0x0] =	vst.idx.msk $0xffff, v5  }
0x1df: {  	v24 =	vor.u32 $0xC, v1;
	v5 =	vld.idx.msk [tilespmem:v23+s21+$0x0], $0xffff  }
0x1e0: {  	v25 =	vor.u32 $0x37, v1  }
0x1e1: {  	v26 =	vor.u32 $0xD, v4;
	_ =	sdelay $0x2  }
0x1e2: {  	[tilespmem:v24+s29+$0x0] =	vst.idx.msk $0xffff, v5  }
0x1e3: {  	[tilespmem:v25+s29+$0x0] =	vst.idx.msk $0xffff, v5  }
0x1e4: {  	v27 =	vor.u32 $0xD, v1;
	v5 =	vld.idx.msk [tilespmem:v26+s21+$0x0], $0xffff  }
0x1e5: {  	v28 =	vor.u32 $0x38, v1  }
0x1e6: {  	v29 =	vor.u32 $0xE, v4;
	_ =	sdelay $0x2  }
0x1e7: {  	[tilespmem:v27+s29+$0x0] =	vst.idx.msk $0xffff, v5  }
0x1e8: {  	[tilespmem:v28+s29+$0x0] =	vst.idx.msk $0xffff, v5  }
0x1e9: {  	v30 =	vor.u32 $0xE, v1;
	v5 =	vld.idx.msk [tilespmem:v29+s21+$0x0], $0xffff  }
0x1ea: {  	v31 =	vor.u32 $0x39, v1  }
0x1eb: {  	v32 =	vor.u32 $0xF, v4;
	_ =	sdelay $0x2  }
0x1ec: {  	[tilespmem:v30+s29+$0x0] =	vst.idx.msk $0xffff, v5  }
0x1ed: {  	[tilespmem:v31+s29+$0x0] =	vst.idx.msk $0xffff, v5  }
0x1ee: {  	v33 =	vor.u32 $0xF, v1;
	v5 =	vld.idx.msk [tilespmem:v32+s21+$0x0], $0xffff  }
0x1ef: {  	v34 =	vor.u32 $0x3A, v1  }
0x1f0: {  	v35 =	vadd.s32 $0x10, v4;
	_ =	sdelay $0x2  }
0x1f1: {  	[tilespmem:v33+s29+$0x0] =	vst.idx.msk $0xffff, v5  }
0x1f2: {  	[tilespmem:v34+s29+$0x0] =	vst.idx.msk $0xffff, v5  }
0x1f3: {  	v36 =	vor.u32 $0x10, v1;
	v5 =	vld.idx.msk [tilespmem:v35+s21+$0x0], $0xffff  }
0x1f4: {  	v37 =	vor.u32 $0x3B, v1  }
0x1f5: {  	v38 =	vadd.s32 $0x11, v4;
	_ =	sdelay $0x2  }
0x1f6: {  	[tilespmem:v36+s29+$0x0] =	vst.idx.msk $0xffff, v5  }
0x1f7: {  	[tilespmem:v37+s29+$0x0] =	vst.idx.msk $0xffff, v5  }
0x1f8: {  	v39 =	vor.u32 $0x11, v1;
	v5 =	vld.idx.msk [tilespmem:v38+s21+$0x0], $0xffff  }
0x1f9: {  	v40 =	vor.u32 $0x3C, v1  }
0x1fa: {  	v41 =	vadd.s32 $0x12, v4;
	_ =	sdelay $0x2  }
0x1fb: {  	[tilespmem:v39+s29+$0x0] =	vst.idx.msk $0xffff, v5  }
0x1fc: {  	[tilespmem:v40+s29+$0x0] =	vst.idx.msk $0xffff, v5  }
0x1fd: {  	v42 =	vor.u32 $0x12, v1;
	v5 =	vld.idx.msk [tilespmem:v41+s21+$0x0], $0xffff  }
0x1fe: {  	v43 =	vor.u32 $0x3D, v1  }
0x1ff: {  	v44 =	vadd.s32 $0x13, v4;
	_ =	sdelay $0x2  }
0x200: {  	[tilespmem:v42+s29+$0x0] =	vst.idx.msk $0xffff, v5  }
0x201: {  	[tilespmem:v43+s29+$0x0] =	vst.idx.msk $0xffff, v5  }
0x202: {  	v45 =	vor.u32 $0x13, v1;
	v5 =	vld.idx.msk [tilespmem:v44+s21+$0x0], $0xffff  }
0x203: {  	v46 =	vor.u32 $0x3E, v1  }
0x204: {  	v47 =	vadd.s32 $0x14, v4;
	_ =	sdelay $0x2  }
0x205: {  	[tilespmem:v45+s29+$0x0] =	vst.idx.msk $0xffff, v5  }
0x206: {  	[tilespmem:v46+s29+$0x0] =	vst.idx.msk $0xffff, v5  }
0x207: {  	v48 =	vor.u32 $0x14, v1;
	v5 =	vld.idx.msk [tilespmem:v47+s21+$0x0], $0xffff  }
0x208: {  	v49 =	vor.u32 $0x3F, v1  }
0x209: {  	v50 =	vadd.s32 $0x15, v4;
	_ =	sdelay $0x2  }
0x20a: {  	[tilespmem:v48+s29+$0x0] =	vst.idx.msk $0xffff, v5  }
0x20b: {  	[tilespmem:v49+s29+$0x0] =	vst.idx.msk $0xffff, v5  }
0x20c: {  	v51 =	vor.u32 $0x15, v1;
	v5 =	vld.idx.msk [tilespmem:v50+s21+$0x0], $0xffff  }
0x20d: {  	v52 =	vor.u32 $0x40, v1  }
0x20e: {  	v53 =	vadd.s32 $0x16, v4;
	_ =	sdelay $0x2  }
0x20f: {  	[tilespmem:v51+s29+$0x0] =	vst.idx.msk $0xffff, v5  }
0x210: {  	[tilespmem:v52+s29+$0x0] =	vst.idx.msk $0xffff, v5  }
0x211: {  	v54 =	vor.u32 $0x16, v1;
	v5 =	vld.idx.msk [tilespmem:v53+s21+$0x0], $0xffff  }
0x212: {  	v55 =	vor.u32 $0x41, v1  }
0x213: {  	v56 =	vadd.s32 $0x17, v4;
	_ =	sdelay $0x2  }
0x214: {  	[tilespmem:v54+s29+$0x0] =	vst.idx.msk $0xffff, v5  }
0x215: {  	[tilespmem:v55+s29+$0x0] =	vst.idx.msk $0xffff, v5  }
0x216: {  	v57 =	vor.u32 $0x17, v1;
	v5 =	vld.idx.msk [tilespmem:v56+s21+$0x0], $0xffff  }
0x217: {  	v58 =	vor.u32 $0x42, v1  }
0x218: {  	v59 =	vadd.s32 $0x18, v4;
	_ =	sdelay $0x2  }
0x219: {  	[tilespmem:v57+s29+$0x0] =	vst.idx.msk $0xffff, v5  }
0x21a: {  	[tilespmem:v58+s29+$0x0] =	vst.idx.msk $0xffff, v5  }
0x21b: {  	v60 =	vor.u32 $0x18, v1;
	v5 =	vld.idx.msk [tilespmem:v59+s21+$0x0], $0xffff  }
0x21c: {  	v61 =	vor.u32 $0x43, v1  }
0x21d: {  	v62 =	vadd.s32 $0x19, v4;
	_ =	sdelay $0x2  }
0x21e: {  	[tilespmem:v60+s29+$0x0] =	vst.idx.msk $0xffff, v5  }
0x21f: {  	[tilespmem:v61+s29+$0x0] =	vst.idx.msk $0xffff, v5  }
0x220: {  	v63 =	vor.u32 $0x19, v1;
	v5 =	vld.idx.msk [tilespmem:v62+s21+$0x0], $0xffff  }
0x221: {  	v12 =	vor.u32 $0x44, v1  }
0x222: {  	v13 =	vadd.s32 $0x1A, v4;
	_ =	sdelay $0x2  }
0x223: {  	[tilespmem:v63+s29+$0x0] =	vst.idx.msk $0xffff, v5  }
0x224: {  	[tilespmem:v12+s29+$0x0] =	vst.idx.msk $0xffff, v5  }
0x225: {  	v14 =	vor.u32 $0x1A, v1;
	v5 =	vld.idx.msk [tilespmem:v13+s21+$0x0], $0xffff  }
0x226: {  	v15 =	vor.u32 $0x45, v1  }
0x227: {  	v16 =	vadd.s32 $0x1B, v4;
	_ =	sdelay $0x2  }
0x228: {  	[tilespmem:v14+s29+$0x0] =	vst.idx.msk $0xffff, v5  }
0x229: {  	[tilespmem:v15+s29+$0x0] =	vst.idx.msk $0xffff, v5  }
0x22a: {  	v17 =	vor.u32 $0x1B, v1;
	v5 =	vld.idx.msk [tilespmem:v16+s21+$0x0], $0xffff  }
0x22b: {  	v18 =	vor.u32 $0x46, v1  }
0x22c: {  	v19 =	vadd.s32 $0x1C, v4;
	_ =	sdelay $0x2  }
0x22d: {  	[tilespmem:v17+s29+$0x0] =	vst.idx.msk $0xffff, v5  }
0x22e: {  	[tilespmem:v18+s29+$0x0] =	vst.idx.msk $0xffff, v5  }
0x22f: {  	v20 =	vor.u32 $0x1C, v1;
	v5 =	vld.idx.msk [tilespmem:v19+s21+$0x0], $0xffff  }
0x230: {  	v21 =	vor.u32 $0x47, v1  }
0x231: {  	v22 =	vadd.s32 $0x1D, v4;
	_ =	sdelay $0x2  }
0x232: {  	[tilespmem:v20+s29+$0x0] =	vst.idx.msk $0xffff, v5  }
0x233: {  	[tilespmem:v21+s29+$0x0] =	vst.idx.msk $0xffff, v5  }
0x234: {  	v23 =	vor.u32 $0x1D, v1;
	v5 =	vld.idx.msk [tilespmem:v22+s21+$0x0], $0xffff  }
0x235: {  	v24 =	vor.u32 $0x48, v1  }
0x236: {  	v25 =	vadd.s32 $0x1E, v4;
	_ =	sdelay $0x2  }
0x237: {  	[tilespmem:v23+s29+$0x0] =	vst.idx.msk $0xffff, v5  }
0x238: {  	[tilespmem:v24+s29+$0x0] =	vst.idx.msk $0xffff, v5  }
0x239: {  	v26 =	vor.u32 $0x1E, v1;
	v5 =	vld.idx.msk [tilespmem:v25+s21+$0x0], $0xffff  }
0x23a: {  	v27 =	vor.u32 $0x49, v1  }
0x23b: {  	v28 =	vadd.s32 $0x1F, v4;
	_ =	sdelay $0x2  }
0x23c: {  	[tilespmem:v26+s29+$0x0] =	vst.idx.msk $0xffff, v5  }
0x23d: {  	[tilespmem:v27+s29+$0x0] =	vst.idx.msk $0xffff, v5  }
0x23e: {  	v29 =	vor.u32 $0x1F, v1;
	v5 =	vld.idx.msk [tilespmem:v28+s21+$0x0], $0xffff  }
0x23f: {  	v30 =	vor.u32 $0x4A, v1  }
0x240: {  	v31 =	vadd.s32 $0x20, v4;
	_ =	sdelay $0x2  }
0x241: {  	[tilespmem:v29+s29+$0x0] =	vst.idx.msk $0xffff, v5  }
0x242: {  	[tilespmem:v30+s29+$0x0] =	vst.idx.msk $0xffff, v5  }
0x243: {  	v32 =	vor.u32 $0x20, v1;
	v5 =	vld.idx.msk [tilespmem:v31+s21+$0x0], $0xffff  }
0x244: {  	v33 =	vor.u32 $0x4B, v1  }
0x245: {  	v34 =	vadd.s32 $0x21, v4;
	_ =	sdelay $0x2  }
0x246: {  	[tilespmem:v32+s29+$0x0] =	vst.idx.msk $0xffff, v5  }
0x247: {  	[tilespmem:v33+s29+$0x0] =	vst.idx.msk $0xffff, v5  }
0x248: {  	v35 =	vor.u32 $0x21, v1;
	v5 =	vld.idx.msk [tilespmem:v34+s21+$0x0], $0xffff  }
0x249: {  	v36 =	vor.u32 $0x4C, v1  }
0x24a: {  	v37 =	vadd.s32 $0x22, v4;
	_ =	sdelay $0x2  }
0x24b: {  	[tilespmem:v35+s29+$0x0] =	vst.idx.msk $0xffff, v5  }
0x24c: {  	[tilespmem:v36+s29+$0x0] =	vst.idx.msk $0xffff, v5  }
0x24d: {  	v38 =	vor.u32 $0x22, v1;
	v5 =	vld.idx.msk [tilespmem:v37+s21+$0x0], $0xffff  }
0x24e: {  	v39 =	vor.u32 $0x4D, v1  }
0x24f: {  	v40 =	vadd.s32 $0x23, v4;
	_ =	sdelay $0x2  }
0x250: {  	[tilespmem:v38+s29+$0x0] =	vst.idx.msk $0xffff, v5  }
0x251: {  	[tilespmem:v39+s29+$0x0] =	vst.idx.msk $0xffff, v5  }
0x252: {  	v41 =	vor.u32 $0x23, v1;
	v5 =	vld.idx.msk [tilespmem:v40+s21+$0x0], $0xffff  }
0x253: {  	v42 =	vor.u32 $0x4E, v1  }
0x254: {  	v43 =	vadd.s32 $0x24, v4;
	_ =	sdelay $0x2  }
0x255: {  	[tilespmem:v41+s29+$0x0] =	vst.idx.msk $0xffff, v5  }
0x256: {  	[tilespmem:v42+s29+$0x0] =	vst.idx.msk $0xffff, v5  }
0x257: {  	v44 =	vor.u32 $0x24, v1;
	v5 =	vld.idx.msk [tilespmem:v43+s21+$0x0], $0xffff  }
0x258: {  	v45 =	vor.u32 $0x4F, v1  }
0x259: {  	v46 =	vadd.s32 $0x25, v4;
	_ =	sdelay $0x2  }
0x25a: {  	[tilespmem:v44+s29+$0x0] =	vst.idx.msk $0xffff, v5  }
0x25b: {  	[tilespmem:v45+s29+$0x0] =	vst.idx.msk $0xffff, v5  }
0x25c: {  	v47 =	vor.u32 $0x25, v1;
	v5 =	vld.idx.msk [tilespmem:v46+s21+$0x0], $0xffff  }
0x25d: {  	v48 =	vor.u32 $0x50, v1  }
0x25e: {  	v49 =	vadd.s32 $0x26, v4;
	_ =	sdelay $0x2  }
0x25f: {  	[tilespmem:v47+s29+$0x0] =	vst.idx.msk $0xffff, v5  }
0x260: {  	[tilespmem:v48+s29+$0x0] =	vst.idx.msk $0xffff, v5  }
0x261: {  	v50 =	vor.u32 $0x26, v1;
	v5 =	vld.idx.msk [tilespmem:v49+s21+$0x0], $0xffff  }
0x262: {  	v51 =	vor.u32 $0x51, v1  }
0x263: {  	v52 =	vadd.s32 $0x27, v4;
	_ =	sdelay $0x2  }
0x264: {  	[tilespmem:v50+s29+$0x0] =	vst.idx.msk $0xffff, v5  }
0x265: {  	[tilespmem:v51+s29+$0x0] =	vst.idx.msk $0xffff, v5  }
0x266: {  	v53 =	vor.u32 $0x27, v1;
	v5 =	vld.idx.msk [tilespmem:v52+s21+$0x0], $0xffff  }
0x267: {  	v54 =	vor.u32 $0x52, v1  }
0x268: {  	v55 =	vadd.s32 $0x28, v4;
	_ =	sdelay $0x2  }
0x269: {  	[tilespmem:v53+s29+$0x0] =	vst.idx.msk $0xffff, v5  }
0x26a: {  	[tilespmem:v54+s29+$0x0] =	vst.idx.msk $0xffff, v5  }
0x26b: {  	v56 =	vor.u32 $0x28, v1;
	v6 =	vld.idx.msk [tilespmem:v55+s21+$0x0], $0xffff  }
0x26c: {  	v57 =	vor.u32 $0x53, v1  }
0x26d: {  	v58 =	vadd.s32 $0x29, v4;
	_ =	sdelay $0x2  }
0x26e: {  	[tilespmem:v56+s29+$0x0] =	vst.idx.msk $0xffff, v6  }
0x26f: {  	[tilespmem:v57+s29+$0x0] =	vst.idx.msk $0xffff, v6  }
0x270: {  	v59 =	vor.u32 $0x29, v1;
	v5 =	vld.idx.msk [tilespmem:v58+s21+$0x0], $0xffff  }
0x271: {  	v60 =	vor.u32 $0x54, v1  }
0x272: {  	v4 =	vadd.s32 $0x2A, v4;
	_ =	sdelay $0x2  }
0x273: {  	[tilespmem:v59+s29+$0x0] =	vst.idx.msk $0xffff, v5  }
0x274: {  	[tilespmem:v60+s29+$0x0] =	vst.idx.msk $0xffff, v5  }
0x275: {  	v61 =	vor.u32 $0x2A, v1;
	v4 =	vld.idx.msk [tilespmem:v4+s21+$0x0], $0xffff  }
0x276: {  	v62 =	vor.u32 $0x55, v1  }
0x277: {  	v3 =	vshll.u32 v3, $0x4;
	_ =	sdelay $0x2  }
0x278: {  	[tilespmem:v61+s29+$0x0] =	vst.idx.msk $0xffff, v4  }
0x279: {  	[tilespmem:v62+s29+$0x0] =	vst.idx.msk $0xffff, v4  }
0x27a: {  	v63 =	vor.u32 $0x56, v1;
	v4 =	vld.idx.msk [tilespmem:v3+s17+$0x0], $0xffff  }
0x27b: {  	v9 =	vor.u32 $0x60, v1  }
0x27c: {  	v10 =	vor.u32 $0x1, v3;
	_ =	sdelay $0x2  }
0x27d: {  	[tilespmem:v63+s29+$0x0] =	vst.idx.msk $0xffff, v4  }
0x27e: {  	[tilespmem:v9+s29+$0x0] =	vst.idx.msk $0xffff, v4  }
0x27f: {  	v11 =	vor.u32 $0x57, v1;
	v4 =	vld.idx.msk [tilespmem:v10+s17+$0x0], $0xffff  }
0x280: {  	v12 =	vor.u32 $0x61, v1  }
0x281: {  	v13 =	vor.u32 $0x2, v3;
	_ =	sdelay $0x2  }
0x282: {  	[tilespmem:v11+s29+$0x0] =	vst.idx.msk $0xffff, v4  }
0x283: {  	[tilespmem:v12+s29+$0x0] =	vst.idx.msk $0xffff, v4  }
0x284: {  	v14 =	vor.u32 $0x58, v1;
	v4 =	vld.idx.msk [tilespmem:v13+s17+$0x0], $0xffff  }
0x285: {  	v15 =	vor.u32 $0x62, v1  }
0x286: {  	v16 =	vor.u32 $0x3, v3;
	_ =	sdelay $0x2  }
0x287: {  	[tilespmem:v14+s29+$0x0] =	vst.idx.msk $0xffff, v4  }
0x288: {  	[tilespmem:v15+s29+$0x0] =	vst.idx.msk $0xffff, v4  }
0x289: {  	v17 =	vor.u32 $0x59, v1;
	v4 =	vld.idx.msk [tilespmem:v16+s17+$0x0], $0xffff  }
0x28a: {  	v18 =	vor.u32 $0x63, v1  }
0x28b: {  	v19 =	vor.u32 $0x4, v3;
	_ =	sdelay $0x2  }
0x28c: {  	[tilespmem:v17+s29+$0x0] =	vst.idx.msk $0xffff, v4  }
0x28d: {  	[tilespmem:v18+s29+$0x0] =	vst.idx.msk $0xffff, v4  }
0x28e: {  	v20 =	vor.u32 $0x5A, v1;
	v4 =	vld.idx.msk [tilespmem:v19+s17+$0x0], $0xffff  }
0x28f: {  	v21 =	vor.u32 $0x64, v1  }
0x290: {  	v22 =	vor.u32 $0x5, v3;
	_ =	sdelay $0x2  }
0x291: {  	[tilespmem:v20+s29+$0x0] =	vst.idx.msk $0xffff, v4  }
0x292: {  	[tilespmem:v21+s29+$0x0] =	vst.idx.msk $0xffff, v4  }
0x293: {  	v23 =	vor.u32 $0x5B, v1;
	v4 =	vld.idx.msk [tilespmem:v22+s17+$0x0], $0xffff  }
0x294: {  	v24 =	vor.u32 $0x65, v1  }
0x295: {  	v25 =	vor.u32 $0x6, v3;
	_ =	sdelay $0x2  }
0x296: {  	[tilespmem:v23+s29+$0x0] =	vst.idx.msk $0xffff, v4  }
0x297: {  	[tilespmem:v24+s29+$0x0] =	vst.idx.msk $0xffff, v4  }
0x298: {  	v26 =	vor.u32 $0x5C, v1;
	v4 =	vld.idx.msk [tilespmem:v25+s17+$0x0], $0xffff  }
0x299: {  	v27 =	vor.u32 $0x66, v1  }
0x29a: {  	v28 =	vor.u32 $0x7, v3;
	_ =	sdelay $0x2  }
0x29b: {  	[tilespmem:v26+s29+$0x0] =	vst.idx.msk $0xffff, v4  }
0x29c: {  	[tilespmem:v27+s29+$0x0] =	vst.idx.msk $0xffff, v4  }
0x29d: {  	v29 =	vor.u32 $0x5D, v1;
	v4 =	vld.idx.msk [tilespmem:v28+s17+$0x0], $0xffff  }
0x29e: {  	v30 =	vor.u32 $0x67, v1  }
0x29f: {  	v31 =	vor.u32 $0x8, v3;
	_ =	sdelay $0x2  }
0x2a0: {  	[tilespmem:v29+s29+$0x0] =	vst.idx.msk $0xffff, v4  }
0x2a1: {  	[tilespmem:v30+s29+$0x0] =	vst.idx.msk $0xffff, v4  }
0x2a2: {  	v32 =	vor.u32 $0x5E, v1;
	v4 =	vld.idx.msk [tilespmem:v31+s17+$0x0], $0xffff  }
0x2a3: {  	v33 =	vor.u32 $0x68, v1  }
0x2a4: {  	v3 =	vor.u32 $0x9, v3;
	_ =	sdelay $0x2  }
0x2a5: {  	[tilespmem:v32+s29+$0x0] =	vst.idx.msk $0xffff, v4  }
0x2a6: {  	[tilespmem:v33+s29+$0x0] =	vst.idx.msk $0xffff, v4  }
0x2a7: {  	v34 =	vor.u32 $0x5F, v1;
	v3 =	vld.idx.msk [tilespmem:v3+s17+$0x0], $0xffff  }
0x2a8: {  	v35 =	vor.u32 $0x69, v1  }
0x2a9: {  	v2 =	vshll.u32 v2, $0x4;
	_ =	sdelay $0x2  }
0x2aa: {  	[tilespmem:v34+s29+$0x0] =	vst.idx.msk $0xffff, v3  }
0x2ab: {  	[tilespmem:v35+s29+$0x0] =	vst.idx.msk $0xffff, v3  }
0x2ac: {  	v36 =	vor.u32 $0x6A, v1;
	v3 =	vld.idx.msk [tilespmem:v2+s19+$0x0], $0xffff  }
0x2ad: {  	v37 =	vor.u32 $0x75, v1  }
0x2ae: {  	v38 =	vor.u32 $0x1, v2;
	_ =	sdelay $0x2  }
0x2af: {  	[tilespmem:v36+s29+$0x0] =	vst.idx.msk $0xffff, v3  }
0x2b0: {  	[tilespmem:v37+s29+$0x0] =	vst.idx.msk $0xffff, v3  }
0x2b1: {  	v39 =	vor.u32 $0x6B, v1;
	v3 =	vld.idx.msk [tilespmem:v38+s19+$0x0], $0xffff  }
0x2b2: {  	v40 =	vor.u32 $0x76, v1  }
0x2b3: {  	v41 =	vor.u32 $0x2, v2;
	_ =	sdelay $0x2  }
0x2b4: {  	[tilespmem:v39+s29+$0x0] =	vst.idx.msk $0xffff, v3  }
0x2b5: {  	[tilespmem:v40+s29+$0x0] =	vst.idx.msk $0xffff, v3  }
0x2b6: {  	v42 =	vor.u32 $0x6C, v1;
	v3 =	vld.idx.msk [tilespmem:v41+s19+$0x0], $0xffff  }
0x2b7: {  	v43 =	vor.u32 $0x77, v1  }
0x2b8: {  	v44 =	vor.u32 $0x3, v2;
	_ =	sdelay $0x2  }
0x2b9: {  	[tilespmem:v42+s29+$0x0] =	vst.idx.msk $0xffff, v3  }
0x2ba: {  	[tilespmem:v43+s29+$0x0] =	vst.idx.msk $0xffff, v3  }
0x2bb: {  	v45 =	vor.u32 $0x6D, v1;
	v3 =	vld.idx.msk [tilespmem:v44+s19+$0x0], $0xffff  }
0x2bc: {  	v46 =	vor.u32 $0x78, v1  }
0x2bd: {  	v47 =	vor.u32 $0x4, v2;
	_ =	sdelay $0x2  }
0x2be: {  	[tilespmem:v45+s29+$0x0] =	vst.idx.msk $0xffff, v3  }
0x2bf: {  	[tilespmem:v46+s29+$0x0] =	vst.idx.msk $0xffff, v3  }
0x2c0: {  	v48 =	vor.u32 $0x6E, v1;
	v3 =	vld.idx.msk [tilespmem:v47+s19+$0x0], $0xffff  }
0x2c1: {  	v49 =	vor.u32 $0x79, v1  }
0x2c2: {  	v50 =	vor.u32 $0x5, v2;
	_ =	sdelay $0x2  }
0x2c3: {  	[tilespmem:v48+s29+$0x0] =	vst.idx.msk $0xffff, v3  }
0x2c4: {  	[tilespmem:v49+s29+$0x0] =	vst.idx.msk $0xffff, v3  }
0x2c5: {  	v51 =	vor.u32 $0x6F, v1;
	v3 =	vld.idx.msk [tilespmem:v50+s19+$0x0], $0xffff  }
0x2c6: {  	v52 =	vor.u32 $0x7A, v1  }
0x2c7: {  	v53 =	vor.u32 $0x6, v2;
	_ =	sdelay $0x2  }
0x2c8: {  	[tilespmem:v51+s29+$0x0] =	vst.idx.msk $0xffff, v3  }
0x2c9: {  	[tilespmem:v52+s29+$0x0] =	vst.idx.msk $0xffff, v3  }
0x2ca: {  	v3 =	vor.u32 $0x70, v1;
	v4 =	vld.idx.msk [tilespmem:v53+s19+$0x0], $0xffff  }
0x2cb: {  	v54 =	vor.u32 $0x7B, v1  }
0x2cc: {  	v55 =	vor.u32 $0x7, v2;
	_ =	sdelay $0x2  }
0x2cd: {  	[tilespmem:v3+s29+$0x0] =	vst.idx.msk $0xffff, v4  }
0x2ce: {  	[tilespmem:v54+s29+$0x0] =	vst.idx.msk $0xffff, v4  }
0x2cf: {  	v56 =	vor.u32 $0x71, v1;
	v3 =	vld.idx.msk [tilespmem:v55+s19+$0x0], $0xffff  }
0x2d0: {  	v57 =	vor.u32 $0x7C, v1  }
0x2d1: {  	v58 =	vor.u32 $0x8, v2;
	_ =	sdelay $0x2  }
0x2d2: {  	[tilespmem:v56+s29+$0x0] =	vst.idx.msk $0xffff, v3  }
0x2d3: {  	[tilespmem:v57+s29+$0x0] =	vst.idx.msk $0xffff, v3  }
0x2d4: {  	v59 =	vor.u32 $0x72, v1;
	v3 =	vld.idx.msk [tilespmem:v58+s19+$0x0], $0xffff  }
0x2d5: {  	v60 =	vor.u32 $0x7D, v1  }
0x2d6: {  	v61 =	vor.u32 $0x9, v2;
	_ =	sdelay $0x2  }
0x2d7: {  	[tilespmem:v59+s29+$0x0] =	vst.idx.msk $0xffff, v3  }
0x2d8: {  	[tilespmem:v60+s29+$0x0] =	vst.idx.msk $0xffff, v3  }
0x2d9: {  	v62 =	vor.u32 $0x73, v1;
	v3 =	vld.idx.msk [tilespmem:v61+s19+$0x0], $0xffff  }
0x2da: {  	v63 =	vor.u32 $0x7E, v1  }
0x2db: {  	v2 =	vor.u32 $0xA, v2;
	_ =	sdelay $0x2  }
0x2dc: {  	[tilespmem:v62+s29+$0x0] =	vst.idx.msk $0xffff, v3  }
0x2dd: {  	[tilespmem:v63+s29+$0x0] =	vst.idx.msk $0xffff, v3  }
0x2de: {  	v3 =	vor.u32 $0x74, v1;
	v2 =	vld.idx.msk [tilespmem:v2+s19+$0x0], $0xffff  }
0x2df: {  	p0 =	sne.s32 s1, $0x1F0;
	v1 =	vor.u32 $0x7F, v1  }
.Ltmp1:
0x2e0: {  	_ = 	snop;
	(pc) =	sbr.rel @p0 .LBB2_4-.Ltmp1, $3  }
0x2e1: {  	_ =	sdelay $0x1  }
0x2e2: {  	[tilespmem:v3+s29+$0x0] =	vst.idx.msk $0xffff, v2  }
0x2e3: {  	s31 =	sadd.s32 $0x10, s31;
	s0 =	sadd.s32 $0x10, s0;
	s1 =	sadd.s32 $0x10, s1;
	[tilespmem:v1+s29+$0x0] =	vst.idx.msk $0xffff, v2  }
0x2e4: {  	s30 =	sadd.s32 $0x1, s30  }
0x2e5: {  	p0 =	sne.s32 s30, s14  }
.Ltmp2:
0x2e6: {  	_ = 	snop;
	(pc) =	sbr.rel @p0 .LBB2_1-.Ltmp2, $4  }
0x2e7: {  	[hbm4b:s13+s2] =	stream.linear.scatter [tilespmem:s29], [sflag:$0x2], $0x10000, $0x38;
	[tilespmem:$0x18A00] =	vst v63  }
0x2e8: {  	_ =	swait.ge [sflag:s15], $0x10000  }
0x2e9: {  	[sflag:s15] =	ssyncset.done $0x0  }
0x2ea: {  	[sflag:s15] =	ssyncadd.s32 $0xFFFF0000  }
0x2eb: {  	_ =	sfence.sel $0x180000  }
0x2ec: {  	[bflag:$0x0] =	sbarrier.arrive $0xFFFF  }
0x2ed: {  	_ =	strace $0x90000047  }
0x2ee: {  	s0 =	stileid.u32;
	[bflag:$0x2] =	sbarrier.arrive $0xFFFF  }
0x2ef: {  	p0 =	sne.s32 s0, $0x0;
	s0 =	rddreg [dreg:$0x3]  }
0x2f0: {  	s0 =	sadd.s32 @!p0 $0x100000, s0  }
0x2f1: {  	[sflag:s0] =	ssyncadd.tile.s32 @!p0 $0x1;
	_ =	shalt  }
.Lfunc_end2:
_tile_overlayer_lowered:
.L_overlay_start_2:
0x2f2: {  	(tag) =	ssettag $0x2  }
0x2f3: {  	s0 =	rddreg [dreg:$0x0];
	s2 =	stileid.u32  }
0x2f4: {  	s1 =	rddreg [dreg:$0x1];
	p0 =	sne.s32 s2, $0x0  }
0x2f5: {  	s3 =	rddreg [dreg:$0x2];
	[bflag:$0x3] =	sbarrier.arrive $0xFFFF;
	s2 =	simm.s32 @!p0 $0x1C02  }
0x2f6: {  	[timem:s3], [sflag:s2] =	dma.local @!p0 [hbm:s0], s1  }
0x2f7: {  	s0 =	simm.s32 @!p0 $0x2  }
0x2f8: {  	_ =	swait.ge @!p0 [sflag:s0], s1  }
0x2f9: {  	s1 =	ssub.s32 @!p0 $0x0, s1;
	[sflag:s0] =	ssyncset.done @!p0 $0x0  }
0x2fa: {  	[sflag:s0] =	ssyncadd.s32 @!p0 s1  }
0x2fb: {  	[bflag:$0x3] =	sbarrier.arrive $0xFFFF  }
0x2fc: {  	_ =	shalt  }

</sc_bundles>
